<compile_context>
chip_gen: v7x
topology: tpu7x:2x2x1
jax: 0.10.2.dev20260603
libtpu: 0.0.44.dev20260713+nightly
codegen_flags: <defaults>
</compile_context>

<pallas_src>
import functools

import numpy as np
import jax
import jax.numpy as jnp
from jax import lax
from jax.experimental import pallas as pl
from jax.experimental.pallas import tpu as pltpu
from jax.experimental.pallas import tpu_sc as plsc

_VOCAB = 1000000
_D = 64
_W = 2048
_B = 4

_NC = 2
_NS = 16
_NW = _NC * _NS
_BTOT = _B * _W
_BPW = _BTOT // _NW
_WPR = _W // _BPW
_SCALE = float(np.sqrt(_D))
_LANES = 128
_RING = 8


def _pos_encoding_t() -> np.ndarray:
    half = _D // 2
    positions = np.arange(_W, dtype=np.float32)[:, None]
    depths = np.arange(half, dtype=np.float32)[None, :] / float(half)
    angle_rads = positions * (1.0 / np.power(10000.0, depths))
    pe = np.concatenate([np.sin(angle_rads), np.cos(angle_rads)], axis=-1)
    return np.ascontiguousarray(pe.T.astype(np.float32))


_PET = _pos_encoding_t()


@functools.partial(
    pl.kernel,
    mesh=plsc.VectorSubcoreMesh(core_axis_name="c", subcore_axis_name="s"),
    out_type=jax.ShapeDtypeStruct((_B, _D, _W), jnp.float32),
    scratch_types=[
        pltpu.VMEM((_BPW + 16,), jnp.int32),
        pltpu.VMEM((_D, _BPW), jnp.float32),
        pltpu.VMEM((_RING, _D, _LANES), jnp.float32),
        [pltpu.SemaphoreType.DMA] * _RING,
    ],
    compiler_params=pltpu.CompilerParams(needs_layout_passes=False),
)
def _embed_pe(x_hbm, tablet_hbm, pet_hbm, out_hbm, idx_v, cols_v, tbuf, sems):
    wid = lax.axis_index("s") * _NC + lax.axis_index("c")
    base = wid * _BPW
    part = lax.rem(wid, _WPR)

    pltpu.sync_copy(x_hbm.at[pl.ds(base, _BPW)], idx_v.at[pl.ds(0, _BPW)])

    iota16 = lax.iota(jnp.int32, 16)
    scale = jnp.float32(_SCALE)

    def fire(r, fvec, lane):
        v = fvec[lane]
        col = pl.multiple_of(v - lax.rem(v, _LANES), _LANES)
        pltpu.async_copy(tablet_hbm.at[:, pl.ds(col, _LANES)], tbuf.at[r], sems[r])

    vec0 = idx_v[pl.ds(0, 16)]
    for r in range(_RING):
        fire(r, vec0, r)

    pltpu.sync_copy(pet_hbm.at[:, pl.ds(part * _BPW, _BPW)], cols_v)

    def body(s, carry):
        vec = idx_v[pl.ds(s * 16, 16)]
        vec_next = idx_v[pl.ds(s * 16 + 16, 16)]
        for k in range(16):
            r = k % _RING
            i = s * 16 + k
            pltpu.make_async_copy(
                tablet_hbm.at[:, pl.ds(0, _LANES)], tbuf.at[r], sems[r]
            ).wait()
            v = vec[k]
            lvec = jnp.full((16,), lax.rem(v, _LANES), jnp.int32)
            ivec = jnp.full((16,), i, jnp.int32)
            for g in range(4):
                vals = plsc.load_gather(tbuf.at[r], [iota16 + g * 16, lvec])
                plsc.addupdate_scatter(
                    cols_v, [iota16 + g * 16, ivec], vals * scale
                )

            fvec = vec if k < 16 - _RING else vec_next
            lane = (k + _RING) % 16

            @pl.when(i + _RING < _BPW)
            def _():
                fire(r, fvec, lane)

        return carry

    lax.fori_loop(0, _BPW // 16, body, 0, unroll=False)

    b = wid // _WPR
    pltpu.sync_copy(cols_v, out_hbm.at[b, :, pl.ds(part * _BPW, _BPW)])


def kernel(x, table):
    pet = jnp.asarray(_PET)
    idx = x.reshape(_BTOT).astype(jnp.int32)
    out = _embed_pe(idx, table.T, pet)
    return out.transpose(0, 2, 1)

# --- scband reference (transcript-rebuilt; emitter-appended) ---
"""Pipeline reference for scband-positional-encoding-21492016349500 (READ-ONLY COPY).

The authoritative reference and input builder live on the scoring server;
editing this copy changes nothing except your own understanding.
"""

import jax, jax.numpy as jnp
import numpy as np

VOCAB_SIZE = 1000000
EMBED_SIZE = 64
WINDOW_SIZE = 2048
BATCH = 4


def positional_encoding(length, depth):
    # Sinusoidal positional encoding per the TF transformer tutorial:
    # angle_rads[pos, i] = pos / 10000**(2i/depth); concat(sin, cos) on last axis.
    half = depth // 2
    positions = jnp.arange(length, dtype=jnp.float32)[:, None]          # [L, 1]
    depths = jnp.arange(half, dtype=jnp.float32)[None, :] / float(half)  # [1, half]
    angle_rates = 1.0 / jnp.power(10000.0, depths)                      # [1, half]
    angle_rads = positions * angle_rates                                # [L, half]
    pos_encoding = jnp.concatenate([jnp.sin(angle_rads), jnp.cos(angle_rads)], axis=-1)  # [L, depth]
    return pos_encoding.astype(jnp.float32)


def setup_inputs(seed: int = 0) -> dict:
    key = jax.random.key(seed)
    k1, k2 = jax.random.split(key)
    x = jax.random.randint(k1, (BATCH, WINDOW_SIZE), 0, VOCAB_SIZE, dtype=jnp.int64 if jax.config.jax_enable_x64 else jnp.int32)
    table = jax.random.normal(k2, (VOCAB_SIZE, EMBED_SIZE), dtype=jnp.float32)
    return {"x": x, "table": table}


def reference(x, table):
    # 1. Embed x (gather rows from the embedding table).
    emb = jnp.take(table, x, axis=0)                      # [B, W, D]
    # 2. Scale by sqrt(embed_size).
    emb = emb * jnp.sqrt(jnp.float32(EMBED_SIZE))
    # 3. Add positional encoding (broadcast over batch).
    pos_enc = positional_encoding(WINDOW_SIZE, EMBED_SIZE)  # [W, D]
    out = emb + pos_enc[None, :, :]
    return out

if __name__ == "__main__":
    import jax
    _d = setup_inputs()
    print(jax.jit(kernel)(*tuple(_d.values())))

</pallas_src>

<mosaic_0001>
#map = affine_map<(d0, d1) -> (0)>
#map1 = affine_map<(d0, d1) -> (0, 0)>
#map2 = affine_map<(d0, d1) -> (0, 0, 0)>
module attributes {stable_mosaic.version = 14 : i64} {
  func.func @_embed_pe(%arg0: i32, %arg1: i32, %arg2: memref<8192xi32, #tpu.memory_space<hbm>>, %arg3: memref<64x1000000xf32, #tpu.memory_space<hbm>>, %arg4: memref<64x2048xf32, #tpu.memory_space<hbm>>, %arg5: memref<4x64x2048xf32, #tpu.memory_space<hbm>>, %arg6: memref<272xi32, #tpu.memory_space<vmem>>, %arg7: memref<64x256xf32, #tpu.memory_space<vmem>>, %arg8: memref<8x64x128xf32, #tpu.memory_space<vmem>>, %arg9: memref<!tpu.dma_semaphore, #tpu.memory_space<semaphore_mem>>, %arg10: memref<!tpu.dma_semaphore, #tpu.memory_space<semaphore_mem>>, %arg11: memref<!tpu.dma_semaphore, #tpu.memory_space<semaphore_mem>>, %arg12: memref<!tpu.dma_semaphore, #tpu.memory_space<semaphore_mem>>, %arg13: memref<!tpu.dma_semaphore, #tpu.memory_space<semaphore_mem>>, %arg14: memref<!tpu.dma_semaphore, #tpu.memory_space<semaphore_mem>>, %arg15: memref<!tpu.dma_semaphore, #tpu.memory_space<semaphore_mem>>, %arg16: memref<!tpu.dma_semaphore, #tpu.memory_space<semaphore_mem>>) attributes {dimension_semantics = [#tpu.dimension_semantics<core_parallel>, #tpu.dimension_semantics<subcore_parallel>], iteration_bounds = array<i64: 2, 16>, scalar_prefetch = 0 : i64, scratch_operands = 11 : i64, tpu.core_type = #tpu.core_type<sc_vector_subcore>, window_params = [{transform_indices = #map}, {transform_indices = #map1}, {transform_indices = #map1}, {transform_indices = #map2}]} {
    %mul3A = arith.constant 2 : i32
    %mul3A_0 = arith.muli %arg1, %mul3A : i32
    %add3A = arith.addi %mul3A_0, %arg0 : i32
    %mul3A_1 = arith.constant 256 : i32
    %mul3A_2 = arith.muli %add3A, %mul3A_1 : i32
    %rem3A = arith.constant 8 : i32
    %rem3A_3 = arith.remsi %add3A, %rem3A : i32
    "tpu.region"() ({
      %run_scoped3A = tpu.sem_alloc : memref<!tpu.dma_semaphore, #tpu.memory_space<semaphore_mem>>
      %dma_start3A_180 = arith.constant 0 : i32
      %dma_start3A_181 = tpu.memref_slice %arg6[%dma_start3A_180] : memref<272xi32, #tpu.memory_space<vmem>> -> memref<256xi32, #tpu.memory_space<vmem>>
      %dma_start3A_182 = tpu.memref_slice %arg2[%mul3A_2] : memref<8192xi32, #tpu.memory_space<hbm>> -> memref<256xi32, #tpu.memory_space<hbm>>
      %dma_start3A_183 = arith.constant 0 : i32
      %dma_start3A_184 = tpu.memref_slice %arg6[%dma_start3A_183] : memref<272xi32, #tpu.memory_space<vmem>> -> memref<256xi32, #tpu.memory_space<vmem>>
      %dma_start3A_185 = tpu.memref_slice %arg2[%mul3A_2] : memref<8192xi32, #tpu.memory_space<hbm>> -> memref<256xi32, #tpu.memory_space<hbm>>
      tpu.enqueue_dma source(%dma_start3A_185 : memref<256xi32, #tpu.memory_space<hbm>>) target(%dma_start3A_184 : memref<256xi32, #tpu.memory_space<vmem>>) target_semaphore(%run_scoped3A : memref<!tpu.dma_semaphore, #tpu.memory_space<semaphore_mem>>)
      %dma_wait3A = arith.constant 0 : i32
      %dma_wait3A_186 = tpu.memref_slice %arg6[%dma_wait3A] : memref<272xi32, #tpu.memory_space<vmem>> -> memref<256xi32, #tpu.memory_space<vmem>>
      %dma_wait3A_187 = tpu.memref_slice %arg2[%mul3A_2] : memref<8192xi32, #tpu.memory_space<hbm>> -> memref<256xi32, #tpu.memory_space<hbm>>
      %dma_wait3A_188 = arith.constant 0 : i32
      %dma_wait3A_189 = tpu.memref_slice %arg6[%dma_wait3A_188] : memref<272xi32, #tpu.memory_space<vmem>> -> memref<256xi32, #tpu.memory_space<vmem>>
      %dma_wait3A_190 = tpu.memref_slice %arg2[%mul3A_2] : memref<8192xi32, #tpu.memory_space<hbm>> -> memref<256xi32, #tpu.memory_space<hbm>>
      tpu.wait_dma2 semaphore(%run_scoped3A : memref<!tpu.dma_semaphore, #tpu.memory_space<semaphore_mem>>) src(%dma_wait3A_190 : memref<256xi32, #tpu.memory_space<hbm>>) dst(%dma_wait3A_189 : memref<256xi32, #tpu.memory_space<vmem>>)
      tpu.yield
    }) : () -> ()
    %iota3A = tpu.iota {dimensions = array<i32: 0>} : vector<16xi32>
    %get3A = arith.constant 0 : index
    %get3A_4 = tpu.vector_load %arg6[%get3A] {strides = array<i32>} : memref<272xi32, #tpu.memory_space<vmem>>, vector<16xi32>,
    %slice3A = vector.extract_strided_slice %get3A_4 {offsets = [0], sizes = [1], strides = [1]} : vector<16xi32> to vector<1xi32>
    %squeeze3A = vector.extract %slice3A[0] : i32 from vector<1xi32>
    %rem3A_5 = arith.constant 128 : i32
    %rem3A_6 = arith.remsi %squeeze3A, %rem3A_5 : i32
    %sub3A = arith.subi %squeeze3A, %rem3A_6 : i32
    %multiple_of3A = tpu.assume_multiple %sub3A, 128 : i32
    %dma_start3A = arith.constant 0 : i32
    %dma_start3A_7 = arith.constant 0 : i32
    %dma_start3A_8 = arith.constant 0 : i32
    %dma_start3A_9 = tpu.memref_slice %arg8[%dma_start3A, %dma_start3A_7, %dma_start3A_8] : memref<8x64x128xf32, #tpu.memory_space<vmem>> -> memref<1x64x128xf32, #tpu.memory_space<vmem>>
    %dma_start3A_10 = tpu.memref_squeeze %dma_start3A_9 : memref<1x64x128xf32, #tpu.memory_space<vmem>> -> memref<64x128xf32, #tpu.memory_space<vmem>>
    %dma_start3A_11 = arith.constant 0 : i32
    %dma_start3A_12 = tpu.memref_slice %arg3[%dma_start3A_11, %multiple_of3A] : memref<64x1000000xf32, #tpu.memory_space<hbm>> -> memref<64x128xf32, #tpu.memory_space<hbm>>
    %dma_start3A_13 = arith.constant 0 : i32
    %dma_start3A_14 = arith.constant 0 : i32
    %dma_start3A_15 = tpu.memref_slice %arg8[%dma_start3A, %dma_start3A_13, %dma_start3A_14] : memref<8x64x128xf32, #tpu.memory_space<vmem>> -> memref<1x64x128xf32, #tpu.memory_space<vmem>>
    %dma_start3A_16 = tpu.memref_squeeze %dma_start3A_15 : memref<1x64x128xf32, #tpu.memory_space<vmem>> -> memref<64x128xf32, #tpu.memory_space<vmem>>
    %dma_start3A_17 = arith.constant 0 : i32
    %dma_start3A_18 = tpu.memref_slice %arg3[%dma_start3A_17, %multiple_of3A] : memref<64x1000000xf32, #tpu.memory_space<hbm>> -> memref<64x128xf32, #tpu.memory_space<hbm>>
    tpu.enqueue_dma source(%dma_start3A_18 : memref<64x128xf32, #tpu.memory_space<hbm>>) target(%dma_start3A_16 : memref<64x128xf32, #tpu.memory_space<vmem>>) target_semaphore(%arg9 : memref<!tpu.dma_semaphore, #tpu.memory_space<semaphore_mem>>)
    %slice3A_19 = vector.extract_strided_slice %get3A_4 {offsets = [1], sizes = [1], strides = [1]} : vector<16xi32> to vector<1xi32>
    %squeeze3A_20 = vector.extract %slice3A_19[0] : i32 from vector<1xi32>
    %rem3A_21 = arith.constant 128 : i32
    %rem3A_22 = arith.remsi %squeeze3A_20, %rem3A_21 : i32
    %sub3A_23 = arith.subi %squeeze3A_20, %rem3A_22 : i32
    %multiple_of3A_24 = tpu.assume_multiple %sub3A_23, 128 : i32
    %dma_start3A_25 = arith.constant 1 : i32
    %dma_start3A_26 = arith.constant 0 : i32
    %dma_start3A_27 = arith.constant 0 : i32
    %dma_start3A_28 = tpu.memref_slice %arg8[%dma_start3A_25, %dma_start3A_26, %dma_start3A_27] : memref<8x64x128xf32, #tpu.memory_space<vmem>> -> memref<1x64x128xf32, #tpu.memory_space<vmem>>
    %dma_start3A_29 = tpu.memref_squeeze %dma_start3A_28 : memref<1x64x128xf32, #tpu.memory_space<vmem>> -> memref<64x128xf32, #tpu.memory_space<vmem>>
    %dma_start3A_30 = arith.constant 0 : i32
    %dma_start3A_31 = tpu.memref_slice %arg3[%dma_start3A_30, %multiple_of3A_24] : memref<64x1000000xf32, #tpu.memory_space<hbm>> -> memref<64x128xf32, #tpu.memory_space<hbm>>
    %dma_start3A_32 = arith.constant 0 : i32
    %dma_start3A_33 = arith.constant 0 : i32
    %dma_start3A_34 = tpu.memref_slice %arg8[%dma_start3A_25, %dma_start3A_32, %dma_start3A_33] : memref<8x64x128xf32, #tpu.memory_space<vmem>> -> memref<1x64x128xf32, #tpu.memory_space<vmem>>
    %dma_start3A_35 = tpu.memref_squeeze %dma_start3A_34 : memref<1x64x128xf32, #tpu.memory_space<vmem>> -> memref<64x128xf32, #tpu.memory_space<vmem>>
    %dma_start3A_36 = arith.constant 0 : i32
    %dma_start3A_37 = tpu.memref_slice %arg3[%dma_start3A_36, %multiple_of3A_24] : memref<64x1000000xf32, #tpu.memory_space<hbm>> -> memref<64x128xf32, #tpu.memory_space<hbm>>
    tpu.enqueue_dma source(%dma_start3A_37 : memref<64x128xf32, #tpu.memory_space<hbm>>) target(%dma_start3A_35 : memref<64x128xf32, #tpu.memory_space<vmem>>) target_semaphore(%arg10 : memref<!tpu.dma_semaphore, #tpu.memory_space<semaphore_mem>>)
    %slice3A_38 = vector.extract_strided_slice %get3A_4 {offsets = [2], sizes = [1], strides = [1]} : vector<16xi32> to vector<1xi32>
    %squeeze3A_39 = vector.extract %slice3A_38[0] : i32 from vector<1xi32>
    %rem3A_40 = arith.constant 128 : i32
    %rem3A_41 = arith.remsi %squeeze3A_39, %rem3A_40 : i32
    %sub3A_42 = arith.subi %squeeze3A_39, %rem3A_41 : i32
    %multiple_of3A_43 = tpu.assume_multiple %sub3A_42, 128 : i32
    %dma_start3A_44 = arith.constant 2 : i32
    %dma_start3A_45 = arith.constant 0 : i32
    %dma_start3A_46 = arith.constant 0 : i32
    %dma_start3A_47 = tpu.memref_slice %arg8[%dma_start3A_44, %dma_start3A_45, %dma_start3A_46] : memref<8x64x128xf32, #tpu.memory_space<vmem>> -> memref<1x64x128xf32, #tpu.memory_space<vmem>>
    %dma_start3A_48 = tpu.memref_squeeze %dma_start3A_47 : memref<1x64x128xf32, #tpu.memory_space<vmem>> -> memref<64x128xf32, #tpu.memory_space<vmem>>
    %dma_start3A_49 = arith.constant 0 : i32
    %dma_start3A_50 = tpu.memref_slice %arg3[%dma_start3A_49, %multiple_of3A_43] : memref<64x1000000xf32, #tpu.memory_space<hbm>> -> memref<64x128xf32, #tpu.memory_space<hbm>>
    %dma_start3A_51 = arith.constant 0 : i32
    %dma_start3A_52 = arith.constant 0 : i32
    %dma_start3A_53 = tpu.memref_slice %arg8[%dma_start3A_44, %dma_start3A_51, %dma_start3A_52] : memref<8x64x128xf32, #tpu.memory_space<vmem>> -> memref<1x64x128xf32, #tpu.memory_space<vmem>>
    %dma_start3A_54 = tpu.memref_squeeze %dma_start3A_53 : memref<1x64x128xf32, #tpu.memory_space<vmem>> -> memref<64x128xf32, #tpu.memory_space<vmem>>
    %dma_start3A_55 = arith.constant 0 : i32
    %dma_start3A_56 = tpu.memref_slice %arg3[%dma_start3A_55, %multiple_of3A_43] : memref<64x1000000xf32, #tpu.memory_space<hbm>> -> memref<64x128xf32, #tpu.memory_space<hbm>>
    tpu.enqueue_dma source(%dma_start3A_56 : memref<64x128xf32, #tpu.memory_space<hbm>>) target(%dma_start3A_54 : memref<64x128xf32, #tpu.memory_space<vmem>>) target_semaphore(%arg11 : memref<!tpu.dma_semaphore, #tpu.memory_space<semaphore_mem>>)
    %slice3A_57 = vector.extract_strided_slice %get3A_4 {offsets = [3], sizes = [1], strides = [1]} : vector<16xi32> to vector<1xi32>
    %squeeze3A_58 = vector.extract %slice3A_57[0] : i32 from vector<1xi32>
    %rem3A_59 = arith.constant 128 : i32
    %rem3A_60 = arith.remsi %squeeze3A_58, %rem3A_59 : i32
    %sub3A_61 = arith.subi %squeeze3A_58, %rem3A_60 : i32
    %multiple_of3A_62 = tpu.assume_multiple %sub3A_61, 128 : i32
    %dma_start3A_63 = arith.constant 3 : i32
    %dma_start3A_64 = arith.constant 0 : i32
    %dma_start3A_65 = arith.constant 0 : i32
    %dma_start3A_66 = tpu.memref_slice %arg8[%dma_start3A_63, %dma_start3A_64, %dma_start3A_65] : memref<8x64x128xf32, #tpu.memory_space<vmem>> -> memref<1x64x128xf32, #tpu.memory_space<vmem>>
    %dma_start3A_67 = tpu.memref_squeeze %dma_start3A_66 : memref<1x64x128xf32, #tpu.memory_space<vmem>> -> memref<64x128xf32, #tpu.memory_space<vmem>>
    %dma_start3A_68 = arith.constant 0 : i32
    %dma_start3A_69 = tpu.memref_slice %arg3[%dma_start3A_68, %multiple_of3A_62] : memref<64x1000000xf32, #tpu.memory_space<hbm>> -> memref<64x128xf32, #tpu.memory_space<hbm>>
    %dma_start3A_70 = arith.constant 0 : i32
    %dma_start3A_71 = arith.constant 0 : i32
    %dma_start3A_72 = tpu.memref_slice %arg8[%dma_start3A_63, %dma_start3A_70, %dma_start3A_71] : memref<8x64x128xf32, #tpu.memory_space<vmem>> -> memref<1x64x128xf32, #tpu.memory_space<vmem>>
    %dma_start3A_73 = tpu.memref_squeeze %dma_start3A_72 : memref<1x64x128xf32, #tpu.memory_space<vmem>> -> memref<64x128xf32, #tpu.memory_space<vmem>>
    %dma_start3A_74 = arith.constant 0 : i32
    %dma_start3A_75 = tpu.memref_slice %arg3[%dma_start3A_74, %multiple_of3A_62] : memref<64x1000000xf32, #tpu.memory_space<hbm>> -> memref<64x128xf32, #tpu.memory_space<hbm>>
    tpu.enqueue_dma source(%dma_start3A_75 : memref<64x128xf32, #tpu.memory_space<hbm>>) target(%dma_start3A_73 : memref<64x128xf32, #tpu.memory_space<vmem>>) target_semaphore(%arg12 : memref<!tpu.dma_semaphore, #tpu.memory_space<semaphore_mem>>)
    %slice3A_76 = vector.extract_strided_slice %get3A_4 {offsets = [4], sizes = [1], strides = [1]} : vector<16xi32> to vector<1xi32>
    %squeeze3A_77 = vector.extract %slice3A_76[0] : i32 from vector<1xi32>
    %rem3A_78 = arith.constant 128 : i32
    %rem3A_79 = arith.remsi %squeeze3A_77, %rem3A_78 : i32
    %sub3A_80 = arith.subi %squeeze3A_77, %rem3A_79 : i32
    %multiple_of3A_81 = tpu.assume_multiple %sub3A_80, 128 : i32
    %dma_start3A_82 = arith.constant 4 : i32
    %dma_start3A_83 = arith.constant 0 : i32
    %dma_start3A_84 = arith.constant 0 : i32
    %dma_start3A_85 = tpu.memref_slice %arg8[%dma_start3A_82, %dma_start3A_83, %dma_start3A_84] : memref<8x64x128xf32, #tpu.memory_space<vmem>> -> memref<1x64x128xf32, #tpu.memory_space<vmem>>
    %dma_start3A_86 = tpu.memref_squeeze %dma_start3A_85 : memref<1x64x128xf32, #tpu.memory_space<vmem>> -> memref<64x128xf32, #tpu.memory_space<vmem>>
    %dma_start3A_87 = arith.constant 0 : i32
    %dma_start3A_88 = tpu.memref_slice %arg3[%dma_start3A_87, %multiple_of3A_81] : memref<64x1000000xf32, #tpu.memory_space<hbm>> -> memref<64x128xf32, #tpu.memory_space<hbm>>
    %dma_start3A_89 = arith.constant 0 : i32
    %dma_start3A_90 = arith.constant 0 : i32
    %dma_start3A_91 = tpu.memref_slice %arg8[%dma_start3A_82, %dma_start3A_89, %dma_start3A_90] : memref<8x64x128xf32, #tpu.memory_space<vmem>> -> memref<1x64x128xf32, #tpu.memory_space<vmem>>
    %dma_start3A_92 = tpu.memref_squeeze %dma_start3A_91 : memref<1x64x128xf32, #tpu.memory_space<vmem>> -> memref<64x128xf32, #tpu.memory_space<vmem>>
    %dma_start3A_93 = arith.constant 0 : i32
    %dma_start3A_94 = tpu.memref_slice %arg3[%dma_start3A_93, %multiple_of3A_81] : memref<64x1000000xf32, #tpu.memory_space<hbm>> -> memref<64x128xf32, #tpu.memory_space<hbm>>
    tpu.enqueue_dma source(%dma_start3A_94 : memref<64x128xf32, #tpu.memory_space<hbm>>) target(%dma_start3A_92 : memref<64x128xf32, #tpu.memory_space<vmem>>) target_semaphore(%arg13 : memref<!tpu.dma_semaphore, #tpu.memory_space<semaphore_mem>>)
    %slice3A_95 = vector.extract_strided_slice %get3A_4 {offsets = [5], sizes = [1], strides = [1]} : vector<16xi32> to vector<1xi32>
    %squeeze3A_96 = vector.extract %slice3A_95[0] : i32 from vector<1xi32>
    %rem3A_97 = arith.constant 128 : i32
    %rem3A_98 = arith.remsi %squeeze3A_96, %rem3A_97 : i32
    %sub3A_99 = arith.subi %squeeze3A_96, %rem3A_98 : i32
    %multiple_of3A_100 = tpu.assume_multiple %sub3A_99, 128 : i32
    %dma_start3A_101 = arith.constant 5 : i32
    %dma_start3A_102 = arith.constant 0 : i32
    %dma_start3A_103 = arith.constant 0 : i32
    %dma_start3A_104 = tpu.memref_slice %arg8[%dma_start3A_101, %dma_start3A_102, %dma_start3A_103] : memref<8x64x128xf32, #tpu.memory_space<vmem>> -> memref<1x64x128xf32, #tpu.memory_space<vmem>>
    %dma_start3A_105 = tpu.memref_squeeze %dma_start3A_104 : memref<1x64x128xf32, #tpu.memory_space<vmem>> -> memref<64x128xf32, #tpu.memory_space<vmem>>
    %dma_start3A_106 = arith.constant 0 : i32
    %dma_start3A_107 = tpu.memref_slice %arg3[%dma_start3A_106, %multiple_of3A_100] : memref<64x1000000xf32, #tpu.memory_space<hbm>> -> memref<64x128xf32, #tpu.memory_space<hbm>>
    %dma_start3A_108 = arith.constant 0 : i32
    %dma_start3A_109 = arith.constant 0 : i32
    %dma_start3A_110 = tpu.memref_slice %arg8[%dma_start3A_101, %dma_start3A_108, %dma_start3A_109] : memref<8x64x128xf32, #tpu.memory_space<vmem>> -> memref<1x64x128xf32, #tpu.memory_space<vmem>>
    %dma_start3A_111 = tpu.memref_squeeze %dma_start3A_110 : memref<1x64x128xf32, #tpu.memory_space<vmem>> -> memref<64x128xf32, #tpu.memory_space<vmem>>
    %dma_start3A_112 = arith.constant 0 : i32
    %dma_start3A_113 = tpu.memref_slice %arg3[%dma_start3A_112, %multiple_of3A_100] : memref<64x1000000xf32, #tpu.memory_space<hbm>> -> memref<64x128xf32, #tpu.memory_space<hbm>>
    tpu.enqueue_dma source(%dma_start3A_113 : memref<64x128xf32, #tpu.memory_space<hbm>>) target(%dma_start3A_111 : memref<64x128xf32, #tpu.memory_space<vmem>>) target_semaphore(%arg14 : memref<!tpu.dma_semaphore, #tpu.memory_space<semaphore_mem>>)
    %slice3A_114 = vector.extract_strided_slice %get3A_4 {offsets = [6], sizes = [1], strides = [1]} : vector<16xi32> to vector<1xi32>
    %squeeze3A_115 = vector.extract %slice3A_114[0] : i32 from vector<1xi32>
    %rem3A_116 = arith.constant 128 : i32
    %rem3A_117 = arith.remsi %squeeze3A_115, %rem3A_116 : i32
    %sub3A_118 = arith.subi %squeeze3A_115, %rem3A_117 : i32
    %multiple_of3A_119 = tpu.assume_multiple %sub3A_118, 128 : i32
    %dma_start3A_120 = arith.constant 6 : i32
    %dma_start3A_121 = arith.constant 0 : i32
    %dma_start3A_122 = arith.constant 0 : i32
    %dma_start3A_123 = tpu.memref_slice %arg8[%dma_start3A_120, %dma_start3A_121, %dma_start3A_122] : memref<8x64x128xf32, #tpu.memory_space<vmem>> -> memref<1x64x128xf32, #tpu.memory_space<vmem>>
    %dma_start3A_124 = tpu.memref_squeeze %dma_start3A_123 : memref<1x64x128xf32, #tpu.memory_space<vmem>> -> memref<64x128xf32, #tpu.memory_space<vmem>>
    %dma_start3A_125 = arith.constant 0 : i32
    %dma_start3A_126 = tpu.memref_slice %arg3[%dma_start3A_125, %multiple_of3A_119] : memref<64x1000000xf32, #tpu.memory_space<hbm>> -> memref<64x128xf32, #tpu.memory_space<hbm>>
    %dma_start3A_127 = arith.constant 0 : i32
    %dma_start3A_128 = arith.constant 0 : i32
    %dma_start3A_129 = tpu.memref_slice %arg8[%dma_start3A_120, %dma_start3A_127, %dma_start3A_128] : memref<8x64x128xf32, #tpu.memory_space<vmem>> -> memref<1x64x128xf32, #tpu.memory_space<vmem>>
    %dma_start3A_130 = tpu.memref_squeeze %dma_start3A_129 : memref<1x64x128xf32, #tpu.memory_space<vmem>> -> memref<64x128xf32, #tpu.memory_space<vmem>>
    %dma_start3A_131 = arith.constant 0 : i32
    %dma_start3A_132 = tpu.memref_slice %arg3[%dma_start3A_131, %multiple_of3A_119] : memref<64x1000000xf32, #tpu.memory_space<hbm>> -> memref<64x128xf32, #tpu.memory_space<hbm>>
    tpu.enqueue_dma source(%dma_start3A_132 : memref<64x128xf32, #tpu.memory_space<hbm>>) target(%dma_start3A_130 : memref<64x128xf32, #tpu.memory_space<vmem>>) target_semaphore(%arg15 : memref<!tpu.dma_semaphore, #tpu.memory_space<semaphore_mem>>)
    %slice3A_133 = vector.extract_strided_slice %get3A_4 {offsets = [7], sizes = [1], strides = [1]} : vector<16xi32> to vector<1xi32>
    %squeeze3A_134 = vector.extract %slice3A_133[0] : i32 from vector<1xi32>
    %rem3A_135 = arith.constant 128 : i32
    %rem3A_136 = arith.remsi %squeeze3A_134, %rem3A_135 : i32
    %sub3A_137 = arith.subi %squeeze3A_134, %rem3A_136 : i32
    %multiple_of3A_138 = tpu.assume_multiple %sub3A_137, 128 : i32
    %dma_start3A_139 = arith.constant 7 : i32
    %dma_start3A_140 = arith.constant 0 : i32
    %dma_start3A_141 = arith.constant 0 : i32
    %dma_start3A_142 = tpu.memref_slice %arg8[%dma_start3A_139, %dma_start3A_140, %dma_start3A_141] : memref<8x64x128xf32, #tpu.memory_space<vmem>> -> memref<1x64x128xf32, #tpu.memory_space<vmem>>
    %dma_start3A_143 = tpu.memref_squeeze %dma_start3A_142 : memref<1x64x128xf32, #tpu.memory_space<vmem>> -> memref<64x128xf32, #tpu.memory_space<vmem>>
    %dma_start3A_144 = arith.constant 0 : i32
    %dma_start3A_145 = tpu.memref_slice %arg3[%dma_start3A_144, %multiple_of3A_138] : memref<64x1000000xf32, #tpu.memory_space<hbm>> -> memref<64x128xf32, #tpu.memory_space<hbm>>
    %dma_start3A_146 = arith.constant 0 : i32
    %dma_start3A_147 = arith.constant 0 : i32
    %dma_start3A_148 = tpu.memref_slice %arg8[%dma_start3A_139, %dma_start3A_146, %dma_start3A_147] : memref<8x64x128xf32, #tpu.memory_space<vmem>> -> memref<1x64x128xf32, #tpu.memory_space<vmem>>
    %dma_start3A_149 = tpu.memref_squeeze %dma_start3A_148 : memref<1x64x128xf32, #tpu.memory_space<vmem>> -> memref<64x128xf32, #tpu.memory_space<vmem>>
    %dma_start3A_150 = arith.constant 0 : i32
    %dma_start3A_151 = tpu.memref_slice %arg3[%dma_start3A_150, %multiple_of3A_138] : memref<64x1000000xf32, #tpu.memory_space<hbm>> -> memref<64x128xf32, #tpu.memory_space<hbm>>
    tpu.enqueue_dma source(%dma_start3A_151 : memref<64x128xf32, #tpu.memory_space<hbm>>) target(%dma_start3A_149 : memref<64x128xf32, #tpu.memory_space<vmem>>) target_semaphore(%arg16 : memref<!tpu.dma_semaphore, #tpu.memory_space<semaphore_mem>>)
    %mul3A_152 = arith.constant 256 : i32
    %mul3A_153 = arith.muli %rem3A_3, %mul3A_152 : i32
    "tpu.region"() ({
      %run_scoped3A = tpu.sem_alloc : memref<!tpu.dma_semaphore, #tpu.memory_space<semaphore_mem>>
      %dma_start3A_180 = arith.constant 0 : i32
      %dma_start3A_181 = tpu.memref_slice %arg4[%dma_start3A_180, %mul3A_153] : memref<64x2048xf32, #tpu.memory_space<hbm>> -> memref<64x256xf32, #tpu.memory_space<hbm>>
      %dma_start3A_182 = arith.constant 0 : i32
      %dma_start3A_183 = tpu.memref_slice %arg4[%dma_start3A_182, %mul3A_153] : memref<64x2048xf32, #tpu.memory_space<hbm>> -> memref<64x256xf32, #tpu.memory_space<hbm>>
      tpu.enqueue_dma source(%dma_start3A_183 : memref<64x256xf32, #tpu.memory_space<hbm>>) target(%arg7 : memref<64x256xf32, #tpu.memory_space<vmem>>) target_semaphore(%run_scoped3A : memref<!tpu.dma_semaphore, #tpu.memory_space<semaphore_mem>>)
      %dma_wait3A = arith.constant 0 : i32
      %dma_wait3A_184 = tpu.memref_slice %arg4[%dma_wait3A, %mul3A_153] : memref<64x2048xf32, #tpu.memory_space<hbm>> -> memref<64x256xf32, #tpu.memory_space<hbm>>
      %dma_wait3A_185 = arith.constant 0 : i32
      %dma_wait3A_186 = tpu.memref_slice %arg4[%dma_wait3A_185, %mul3A_153] : memref<64x2048xf32, #tpu.memory_space<hbm>> -> memref<64x256xf32, #tpu.memory_space<hbm>>
      tpu.wait_dma2 semaphore(%run_scoped3A : memref<!tpu.dma_semaphore, #tpu.memory_space<semaphore_mem>>) src(%dma_wait3A_186 : memref<64x256xf32, #tpu.memory_space<hbm>>) dst(%arg7 : memref<64x256xf32, #tpu.memory_space<vmem>>)
      tpu.yield
    }) : () -> ()
    %scan3A = arith.constant 0 : i32
    %scan3A_154 = arith.constant 8.000000e+00 : f32
    %scan3A_155 = arith.constant 0 : i32
    %scan3A_156 = arith.constant 16 : i32
    %scan3A_157 = arith.addi %scan3A_155, %scan3A_156 : i32
    %scan3A_158 = arith.constant 1 : i32
    scf.for %scan3A_180 = %scan3A_155 to %scan3A_157 step %scan3A_158  : i32 {
      %mul3A_181 = arith.constant 16 : i32
      %mul3A_182 = arith.muli %scan3A_180, %mul3A_181 : i32
      %get3A_183 = arith.index_cast %mul3A_182 : i32 to index
      %get3A_184 = tpu.vector_load %arg6[%get3A_183] {strides = array<i32>} : memref<272xi32, #tpu.memory_space<vmem>>, vector<16xi32>,
      %mul3A_185 = arith.constant 16 : i32
      %mul3A_186 = arith.muli %scan3A_180, %mul3A_185 : i32
      %add3A_187 = arith.constant 16 : i32
      %add3A_188 = arith.addi %mul3A_186, %add3A_187 : i32
      %get3A_189 = arith.index_cast %add3A_188 : i32 to index
      %get3A_190 = tpu.vector_load %arg6[%get3A_189] {strides = array<i32>} : memref<272xi32, #tpu.memory_space<vmem>>, vector<16xi32>,
      %mul3A_191 = arith.constant 16 : i32
      %mul3A_192 = arith.muli %scan3A_180, %mul3A_191 : i32
      %add3A_193 = arith.constant 0 : i32
      %add3A_194 = arith.addi %mul3A_192, %add3A_193 : i32
      %dma_wait3A = arith.constant 0 : i32
      %dma_wait3A_195 = arith.constant 0 : i32
      %dma_wait3A_196 = arith.constant 0 : i32
      %dma_wait3A_197 = tpu.memref_slice %arg8[%dma_wait3A, %dma_wait3A_195, %dma_wait3A_196] : memref<8x64x128xf32, #tpu.memory_space<vmem>> -> memref<1x64x128xf32, #tpu.memory_space<vmem>>
      %dma_wait3A_198 = tpu.memref_squeeze %dma_wait3A_197 : memref<1x64x128xf32, #tpu.memory_space<vmem>> -> memref<64x128xf32, #tpu.memory_space<vmem>>
      %dma_wait3A_199 = arith.constant 0 : i32
      %dma_wait3A_200 = arith.constant 0 : i32
      %dma_wait3A_201 = tpu.memref_slice %arg3[%dma_wait3A_199, %dma_wait3A_200] : memref<64x1000000xf32, #tpu.memory_space<hbm>> -> memref<64x128xf32, #tpu.memory_space<hbm>>
      %dma_wait3A_202 = arith.constant 0 : i32
      %dma_wait3A_203 = arith.constant 0 : i32
      %dma_wait3A_204 = tpu.memref_slice %arg8[%dma_wait3A, %dma_wait3A_202, %dma_wait3A_203] : memref<8x64x128xf32, #tpu.memory_space<vmem>> -> memref<1x64x128xf32, #tpu.memory_space<vmem>>
      %dma_wait3A_205 = tpu.memref_squeeze %dma_wait3A_204 : memref<1x64x128xf32, #tpu.memory_space<vmem>> -> memref<64x128xf32, #tpu.memory_space<vmem>>
      %dma_wait3A_206 = arith.constant 0 : i32
      %dma_wait3A_207 = arith.constant 0 : i32
      %dma_wait3A_208 = tpu.memref_slice %arg3[%dma_wait3A_206, %dma_wait3A_207] : memref<64x1000000xf32, #tpu.memory_space<hbm>> -> memref<64x128xf32, #tpu.memory_space<hbm>>
      tpu.wait_dma2 semaphore(%arg9 : memref<!tpu.dma_semaphore, #tpu.memory_space<semaphore_mem>>) src(%dma_wait3A_208 : memref<64x128xf32, #tpu.memory_space<hbm>>) dst(%dma_wait3A_205 : memref<64x128xf32, #tpu.memory_space<vmem>>)
      %slice3A_209 = vector.extract_strided_slice %get3A_184 {offsets = [0], sizes = [1], strides = [1]} : vector<16xi32> to vector<1xi32>
      %squeeze3A_210 = vector.extract %slice3A_209[0] : i32 from vector<1xi32>
      %rem3A_211 = arith.constant 128 : i32
      %rem3A_212 = arith.remsi %squeeze3A_210, %rem3A_211 : i32
      %broadcast_in_dim3A = vector.broadcast %rem3A_212 : i32 to vector<16xi32>
      %broadcast_in_dim3A_213 = vector.broadcast %add3A_194 : i32 to vector<16xi32>
      %add3A_214 = arith.constant 0 : i32
      %add3A_215 = vector.broadcast %add3A_214 : i32 to vector<16xi32>
      %add3A_216 = arith.addi %iota3A, %add3A_215 : vector<16xi32>
      %gather3A = arith.constant 0 : i32
      %gather3A_217 = arith.constant 0 : i32
      %gather3A_218 = arith.constant 0 : i32
      %gather3A_219 = tpu.memref_slice %arg8[%gather3A, %gather3A_217, %gather3A_218] : memref<8x64x128xf32, #tpu.memory_space<vmem>> -> memref<1x64x128xf32, #tpu.memory_space<vmem>>
      %gather3A_220 = tpu.memref_squeeze %gather3A_219 : memref<1x64x128xf32, #tpu.memory_space<vmem>> -> memref<64x128xf32, #tpu.memory_space<vmem>>
      %gather3A_221 = tpu.vector_load_idx %gather3A_220[%add3A_216, %broadcast_in_dim3A] : memref<64x128xf32, #tpu.memory_space<vmem>>[vector<16xi32>, vector<16xi32>], vector<16xf32>,
      %add3A_222 = arith.constant 0 : i32
      %add3A_223 = vector.broadcast %add3A_222 : i32 to vector<16xi32>
      %add3A_224 = arith.addi %iota3A, %add3A_223 : vector<16xi32>
      %mul3A_225 = vector.broadcast %scan3A_154 : f32 to vector<16xf32>
      %mul3A_226 = arith.mulf %gather3A_221, %mul3A_225 : vector<16xf32>
      tpu.vector_store_idx %arg7[%add3A_224, %broadcast_in_dim3A_213], %mul3A_226 {add = true} : memref<64x256xf32, #tpu.memory_space<vmem>>[vector<16xi32>, vector<16xi32>], vector<16xf32>,
      %add3A_227 = arith.constant 16 : i32
      %add3A_228 = vector.broadcast %add3A_227 : i32 to vector<16xi32>
      %add3A_229 = arith.addi %iota3A, %add3A_228 : vector<16xi32>
      %gather3A_230 = arith.constant 0 : i32
      %gather3A_231 = arith.constant 0 : i32
      %gather3A_232 = arith.constant 0 : i32
      %gather3A_233 = tpu.memref_slice %arg8[%gather3A_230, %gather3A_231, %gather3A_232] : memref<8x64x128xf32, #tpu.memory_space<vmem>> -> memref<1x64x128xf32, #tpu.memory_space<vmem>>
      %gather3A_234 = tpu.memref_squeeze %gather3A_233 : memref<1x64x128xf32, #tpu.memory_space<vmem>> -> memref<64x128xf32, #tpu.memory_space<vmem>>
      %gather3A_235 = tpu.vector_load_idx %gather3A_234[%add3A_229, %broadcast_in_dim3A] : memref<64x128xf32, #tpu.memory_space<vmem>>[vector<16xi32>, vector<16xi32>], vector<16xf32>,
      %add3A_236 = arith.constant 16 : i32
      %add3A_237 = vector.broadcast %add3A_236 : i32 to vector<16xi32>
      %add3A_238 = arith.addi %iota3A, %add3A_237 : vector<16xi32>
      %mul3A_239 = vector.broadcast %scan3A_154 : f32 to vector<16xf32>
      %mul3A_240 = arith.mulf %gather3A_235, %mul3A_239 : vector<16xf32>
      tpu.vector_store_idx %arg7[%add3A_238, %broadcast_in_dim3A_213], %mul3A_240 {add = true} : memref<64x256xf32, #tpu.memory_space<vmem>>[vector<16xi32>, vector<16xi32>], vector<16xf32>,
      %add3A_241 = arith.constant 32 : i32
      %add3A_242 = vector.broadcast %add3A_241 : i32 to vector<16xi32>
      %add3A_243 = arith.addi %iota3A, %add3A_242 : vector<16xi32>
      %gather3A_244 = arith.constant 0 : i32
      %gather3A_245 = arith.constant 0 : i32
      %gather3A_246 = arith.constant 0 : i32
      %gather3A_247 = tpu.memref_slice %arg8[%gather3A_244, %gather3A_245, %gather3A_246] : memref<8x64x128xf32, #tpu.memory_space<vmem>> -> memref<1x64x128xf32, #tpu.memory_space<vmem>>
      %gather3A_248 = tpu.memref_squeeze %gather3A_247 : memref<1x64x128xf32, #tpu.memory_space<vmem>> -> memref<64x128xf32, #tpu.memory_space<vmem>>
      %gather3A_249 = tpu.vector_load_idx %gather3A_248[%add3A_243, %broadcast_in_dim3A] : memref<64x128xf32, #tpu.memory_space<vmem>>[vector<16xi32>, vector<16xi32>], vector<16xf32>,
      %add3A_250 = arith.constant 32 : i32
      %add3A_251 = vector.broadcast %add3A_250 : i32 to vector<16xi32>
      %add3A_252 = arith.addi %iota3A, %add3A_251 : vector<16xi32>
      %mul3A_253 = vector.broadcast %scan3A_154 : f32 to vector<16xf32>
      %mul3A_254 = arith.mulf %gather3A_249, %mul3A_253 : vector<16xf32>
      tpu.vector_store_idx %arg7[%add3A_252, %broadcast_in_dim3A_213], %mul3A_254 {add = true} : memref<64x256xf32, #tpu.memory_space<vmem>>[vector<16xi32>, vector<16xi32>], vector<16xf32>,
      %add3A_255 = arith.constant 48 : i32
      %add3A_256 = vector.broadcast %add3A_255 : i32 to vector<16xi32>
      %add3A_257 = arith.addi %iota3A, %add3A_256 : vector<16xi32>
      %gather3A_258 = arith.constant 0 : i32
      %gather3A_259 = arith.constant 0 : i32
      %gather3A_260 = arith.constant 0 : i32
      %gather3A_261 = tpu.memref_slice %arg8[%gather3A_258, %gather3A_259, %gather3A_260] : memref<8x64x128xf32, #tpu.memory_space<vmem>> -> memref<1x64x128xf32, #tpu.memory_space<vmem>>
      %gather3A_262 = tpu.memref_squeeze %gather3A_261 : memref<1x64x128xf32, #tpu.memory_space<vmem>> -> memref<64x128xf32, #tpu.memory_space<vmem>>
      %gather3A_263 = tpu.vector_load_idx %gather3A_262[%add3A_257, %broadcast_in_dim3A] : memref<64x128xf32, #tpu.memory_space<vmem>>[vector<16xi32>, vector<16xi32>], vector<16xf32>,
      %add3A_264 = arith.constant 48 : i32
      %add3A_265 = vector.broadcast %add3A_264 : i32 to vector<16xi32>
      %add3A_266 = arith.addi %iota3A, %add3A_265 : vector<16xi32>
      %mul3A_267 = vector.broadcast %scan3A_154 : f32 to vector<16xf32>
      %mul3A_268 = arith.mulf %gather3A_263, %mul3A_267 : vector<16xf32>
      tpu.vector_store_idx %arg7[%add3A_266, %broadcast_in_dim3A_213], %mul3A_268 {add = true} : memref<64x256xf32, #tpu.memory_space<vmem>>[vector<16xi32>, vector<16xi32>], vector<16xf32>,
      %add3A_269 = arith.constant 8 : i32
      %add3A_270 = arith.addi %add3A_194, %add3A_269 : i32
      %lt3A = arith.constant 256 : i32
      %lt3A_271 = arith.cmpi slt, %add3A_270, %lt3A : i32
      %convert_element_type3A = arith.extui %lt3A_271 : i1 to i32
      %cond3A = arith.constant 0 : i32
      %cond3A_272 = arith.cmpi ne, %convert_element_type3A, %cond3A : i32
      scf.if %cond3A_272 {
        %slice3A_1593 = vector.extract_strided_slice %get3A_184 {offsets = [8], sizes = [1], strides = [1]} : vector<16xi32> to vector<1xi32>
        %squeeze3A_1594 = vector.extract %slice3A_1593[0] : i32 from vector<1xi32>
        %rem3A_1595 = arith.constant 128 : i32
        %rem3A_1596 = arith.remsi %squeeze3A_1594, %rem3A_1595 : i32
        %sub3A_1597 = arith.subi %squeeze3A_1594, %rem3A_1596 : i32
        %multiple_of3A_1598 = tpu.assume_multiple %sub3A_1597, 128 : i32
        %dma_start3A_1599 = arith.constant 0 : i32
        %dma_start3A_1600 = arith.constant 0 : i32
        %dma_start3A_1601 = arith.constant 0 : i32
        %dma_start3A_1602 = tpu.memref_slice %arg8[%dma_start3A_1599, %dma_start3A_1600, %dma_start3A_1601] : memref<8x64x128xf32, #tpu.memory_space<vmem>> -> memref<1x64x128xf32, #tpu.memory_space<vmem>>
        %dma_start3A_1603 = tpu.memref_squeeze %dma_start3A_1602 : memref<1x64x128xf32, #tpu.memory_space<vmem>> -> memref<64x128xf32, #tpu.memory_space<vmem>>
        %dma_start3A_1604 = arith.constant 0 : i32
        %dma_start3A_1605 = tpu.memref_slice %arg3[%dma_start3A_1604, %multiple_of3A_1598] : memref<64x1000000xf32, #tpu.memory_space<hbm>> -> memref<64x128xf32, #tpu.memory_space<hbm>>
        %dma_start3A_1606 = arith.constant 0 : i32
        %dma_start3A_1607 = arith.constant 0 : i32
        %dma_start3A_1608 = tpu.memref_slice %arg8[%dma_start3A_1599, %dma_start3A_1606, %dma_start3A_1607] : memref<8x64x128xf32, #tpu.memory_space<vmem>> -> memref<1x64x128xf32, #tpu.memory_space<vmem>>
        %dma_start3A_1609 = tpu.memref_squeeze %dma_start3A_1608 : memref<1x64x128xf32, #tpu.memory_space<vmem>> -> memref<64x128xf32, #tpu.memory_space<vmem>>
        %dma_start3A_1610 = arith.constant 0 : i32
        %dma_start3A_1611 = tpu.memref_slice %arg3[%dma_start3A_1610, %multiple_of3A_1598] : memref<64x1000000xf32, #tpu.memory_space<hbm>> -> memref<64x128xf32, #tpu.memory_space<hbm>>
        tpu.enqueue_dma source(%dma_start3A_1611 : memref<64x128xf32, #tpu.memory_space<hbm>>) target(%dma_start3A_1609 : memref<64x128xf32, #tpu.memory_space<vmem>>) target_semaphore(%arg9 : memref<!tpu.dma_semaphore, #tpu.memory_space<semaphore_mem>>)
      } else {
      }
      %mul3A_273 = arith.constant 16 : i32
      %mul3A_274 = arith.muli %scan3A_180, %mul3A_273 : i32
      %add3A_275 = arith.constant 1 : i32
      %add3A_276 = arith.addi %mul3A_274, %add3A_275 : i32
      %dma_wait3A_277 = arith.constant 1 : i32
      %dma_wait3A_278 = arith.constant 0 : i32
      %dma_wait3A_279 = arith.constant 0 : i32
      %dma_wait3A_280 = tpu.memref_slice %arg8[%dma_wait3A_277, %dma_wait3A_278, %dma_wait3A_279] : memref<8x64x128xf32, #tpu.memory_space<vmem>> -> memref<1x64x128xf32, #tpu.memory_space<vmem>>
      %dma_wait3A_281 = tpu.memref_squeeze %dma_wait3A_280 : memref<1x64x128xf32, #tpu.memory_space<vmem>> -> memref<64x128xf32, #tpu.memory_space<vmem>>
      %dma_wait3A_282 = arith.constant 0 : i32
      %dma_wait3A_283 = arith.constant 0 : i32
      %dma_wait3A_284 = tpu.memref_slice %arg3[%dma_wait3A_282, %dma_wait3A_283] : memref<64x1000000xf32, #tpu.memory_space<hbm>> -> memref<64x128xf32, #tpu.memory_space<hbm>>
      %dma_wait3A_285 = arith.constant 0 : i32
      %dma_wait3A_286 = arith.constant 0 : i32
      %dma_wait3A_287 = tpu.memref_slice %arg8[%dma_wait3A_277, %dma_wait3A_285, %dma_wait3A_286] : memref<8x64x128xf32, #tpu.memory_space<vmem>> -> memref<1x64x128xf32, #tpu.memory_space<vmem>>
      %dma_wait3A_288 = tpu.memref_squeeze %dma_wait3A_287 : memref<1x64x128xf32, #tpu.memory_space<vmem>> -> memref<64x128xf32, #tpu.memory_space<vmem>>
      %dma_wait3A_289 = arith.constant 0 : i32
      %dma_wait3A_290 = arith.constant 0 : i32
      %dma_wait3A_291 = tpu.memref_slice %arg3[%dma_wait3A_289, %dma_wait3A_290] : memref<64x1000000xf32, #tpu.memory_space<hbm>> -> memref<64x128xf32, #tpu.memory_space<hbm>>
      tpu.wait_dma2 semaphore(%arg10 : memref<!tpu.dma_semaphore, #tpu.memory_space<semaphore_mem>>) src(%dma_wait3A_291 : memref<64x128xf32, #tpu.memory_space<hbm>>) dst(%dma_wait3A_288 : memref<64x128xf32, #tpu.memory_space<vmem>>)
      %slice3A_292 = vector.extract_strided_slice %get3A_184 {offsets = [1], sizes = [1], strides = [1]} : vector<16xi32> to vector<1xi32>
      %squeeze3A_293 = vector.extract %slice3A_292[0] : i32 from vector<1xi32>
      %rem3A_294 = arith.constant 128 : i32
      %rem3A_295 = arith.remsi %squeeze3A_293, %rem3A_294 : i32
      %broadcast_in_dim3A_296 = vector.broadcast %rem3A_295 : i32 to vector<16xi32>
      %broadcast_in_dim3A_297 = vector.broadcast %add3A_276 : i32 to vector<16xi32>
      %add3A_298 = arith.constant 0 : i32
      %add3A_299 = vector.broadcast %add3A_298 : i32 to vector<16xi32>
      %add3A_300 = arith.addi %iota3A, %add3A_299 : vector<16xi32>
      %gather3A_301 = arith.constant 1 : i32
      %gather3A_302 = arith.constant 0 : i32
      %gather3A_303 = arith.constant 0 : i32
      %gather3A_304 = tpu.memref_slice %arg8[%gather3A_301, %gather3A_302, %gather3A_303] : memref<8x64x128xf32, #tpu.memory_space<vmem>> -> memref<1x64x128xf32, #tpu.memory_space<vmem>>
      %gather3A_305 = tpu.memref_squeeze %gather3A_304 : memref<1x64x128xf32, #tpu.memory_space<vmem>> -> memref<64x128xf32, #tpu.memory_space<vmem>>
      %gather3A_306 = tpu.vector_load_idx %gather3A_305[%add3A_300, %broadcast_in_dim3A_296] : memref<64x128xf32, #tpu.memory_space<vmem>>[vector<16xi32>, vector<16xi32>], vector<16xf32>,
      %add3A_307 = arith.constant 0 : i32
      %add3A_308 = vector.broadcast %add3A_307 : i32 to vector<16xi32>
      %add3A_309 = arith.addi %iota3A, %add3A_308 : vector<16xi32>
      %mul3A_310 = vector.broadcast %scan3A_154 : f32 to vector<16xf32>
      %mul3A_311 = arith.mulf %gather3A_306, %mul3A_310 : vector<16xf32>
      tpu.vector_store_idx %arg7[%add3A_309, %broadcast_in_dim3A_297], %mul3A_311 {add = true} : memref<64x256xf32, #tpu.memory_space<vmem>>[vector<16xi32>, vector<16xi32>], vector<16xf32>,
      %add3A_312 = arith.constant 16 : i32
      %add3A_313 = vector.broadcast %add3A_312 : i32 to vector<16xi32>
      %add3A_314 = arith.addi %iota3A, %add3A_313 : vector<16xi32>
      %gather3A_315 = arith.constant 1 : i32
      %gather3A_316 = arith.constant 0 : i32
      %gather3A_317 = arith.constant 0 : i32
      %gather3A_318 = tpu.memref_slice %arg8[%gather3A_315, %gather3A_316, %gather3A_317] : memref<8x64x128xf32, #tpu.memory_space<vmem>> -> memref<1x64x128xf32, #tpu.memory_space<vmem>>
      %gather3A_319 = tpu.memref_squeeze %gather3A_318 : memref<1x64x128xf32, #tpu.memory_space<vmem>> -> memref<64x128xf32, #tpu.memory_space<vmem>>
      %gather3A_320 = tpu.vector_load_idx %gather3A_319[%add3A_314, %broadcast_in_dim3A_296] : memref<64x128xf32, #tpu.memory_space<vmem>>[vector<16xi32>, vector<16xi32>], vector<16xf32>,
      %add3A_321 = arith.constant 16 : i32
      %add3A_322 = vector.broadcast %add3A_321 : i32 to vector<16xi32>
      %add3A_323 = arith.addi %iota3A, %add3A_322 : vector<16xi32>
      %mul3A_324 = vector.broadcast %scan3A_154 : f32 to vector<16xf32>
      %mul3A_325 = arith.mulf %gather3A_320, %mul3A_324 : vector<16xf32>
      tpu.vector_store_idx %arg7[%add3A_323, %broadcast_in_dim3A_297], %mul3A_325 {add = true} : memref<64x256xf32, #tpu.memory_space<vmem>>[vector<16xi32>, vector<16xi32>], vector<16xf32>,
      %add3A_326 = arith.constant 32 : i32
      %add3A_327 = vector.broadcast %add3A_326 : i32 to vector<16xi32>
      %add3A_328 = arith.addi %iota3A, %add3A_327 : vector<16xi32>
      %gather3A_329 = arith.constant 1 : i32
      %gather3A_330 = arith.constant 0 : i32
      %gather3A_331 = arith.constant 0 : i32
      %gather3A_332 = tpu.memref_slice %arg8[%gather3A_329, %gather3A_330, %gather3A_331] : memref<8x64x128xf32, #tpu.memory_space<vmem>> -> memref<1x64x128xf32, #tpu.memory_space<vmem>>
      %gather3A_333 = tpu.memref_squeeze %gather3A_332 : memref<1x64x128xf32, #tpu.memory_space<vmem>> -> memref<64x128xf32, #tpu.memory_space<vmem>>
      %gather3A_334 = tpu.vector_load_idx %gather3A_333[%add3A_328, %broadcast_in_dim3A_296] : memref<64x128xf32, #tpu.memory_space<vmem>>[vector<16xi32>, vector<16xi32>], vector<16xf32>,
      %add3A_335 = arith.constant 32 : i32
      %add3A_336 = vector.broadcast %add3A_335 : i32 to vector<16xi32>
      %add3A_337 = arith.addi %iota3A, %add3A_336 : vector<16xi32>
      %mul3A_338 = vector.broadcast %scan3A_154 : f32 to vector<16xf32>
      %mul3A_339 = arith.mulf %gather3A_334, %mul3A_338 : vector<16xf32>
      tpu.vector_store_idx %arg7[%add3A_337, %broadcast_in_dim3A_297], %mul3A_339 {add = true} : memref<64x256xf32, #tpu.memory_space<vmem>>[vector<16xi32>, vector<16xi32>], vector<16xf32>,
      %add3A_340 = arith.constant 48 : i32
      %add3A_341 = vector.broadcast %add3A_340 : i32 to vector<16xi32>
      %add3A_342 = arith.addi %iota3A, %add3A_341 : vector<16xi32>
      %gather3A_343 = arith.constant 1 : i32
      %gather3A_344 = arith.constant 0 : i32
      %gather3A_345 = arith.constant 0 : i32
      %gather3A_346 = tpu.memref_slice %arg8[%gather3A_343, %gather3A_344, %gather3A_345] : memref<8x64x128xf32, #tpu.memory_space<vmem>> -> memref<1x64x128xf32, #tpu.memory_space<vmem>>
      %gather3A_347 = tpu.memref_squeeze %gather3A_346 : memref<1x64x128xf32, #tpu.memory_space<vmem>> -> memref<64x128xf32, #tpu.memory_space<vmem>>
      %gather3A_348 = tpu.vector_load_idx %gather3A_347[%add3A_342, %broadcast_in_dim3A_296] : memref<64x128xf32, #tpu.memory_space<vmem>>[vector<16xi32>, vector<16xi32>], vector<16xf32>,
      %add3A_349 = arith.constant 48 : i32
      %add3A_350 = vector.broadcast %add3A_349 : i32 to vector<16xi32>
      %add3A_351 = arith.addi %iota3A, %add3A_350 : vector<16xi32>
      %mul3A_352 = vector.broadcast %scan3A_154 : f32 to vector<16xf32>
      %mul3A_353 = arith.mulf %gather3A_348, %mul3A_352 : vector<16xf32>
      tpu.vector_store_idx %arg7[%add3A_351, %broadcast_in_dim3A_297], %mul3A_353 {add = true} : memref<64x256xf32, #tpu.memory_space<vmem>>[vector<16xi32>, vector<16xi32>], vector<16xf32>,
      %add3A_354 = arith.constant 8 : i32
      %add3A_355 = arith.addi %add3A_276, %add3A_354 : i32
      %lt3A_356 = arith.constant 256 : i32
      %lt3A_357 = arith.cmpi slt, %add3A_355, %lt3A_356 : i32
      %convert_element_type3A_358 = arith.extui %lt3A_357 : i1 to i32
      %cond3A_359 = arith.constant 0 : i32
      %cond3A_360 = arith.cmpi ne, %convert_element_type3A_358, %cond3A_359 : i32
      scf.if %cond3A_360 {
        %slice3A_1593 = vector.extract_strided_slice %get3A_184 {offsets = [9], sizes = [1], strides = [1]} : vector<16xi32> to vector<1xi32>
        %squeeze3A_1594 = vector.extract %slice3A_1593[0] : i32 from vector<1xi32>
        %rem3A_1595 = arith.constant 128 : i32
        %rem3A_1596 = arith.remsi %squeeze3A_1594, %rem3A_1595 : i32
        %sub3A_1597 = arith.subi %squeeze3A_1594, %rem3A_1596 : i32
        %multiple_of3A_1598 = tpu.assume_multiple %sub3A_1597, 128 : i32
        %dma_start3A_1599 = arith.constant 1 : i32
        %dma_start3A_1600 = arith.constant 0 : i32
        %dma_start3A_1601 = arith.constant 0 : i32
        %dma_start3A_1602 = tpu.memref_slice %arg8[%dma_start3A_1599, %dma_start3A_1600, %dma_start3A_1601] : memref<8x64x128xf32, #tpu.memory_space<vmem>> -> memref<1x64x128xf32, #tpu.memory_space<vmem>>
        %dma_start3A_1603 = tpu.memref_squeeze %dma_start3A_1602 : memref<1x64x128xf32, #tpu.memory_space<vmem>> -> memref<64x128xf32, #tpu.memory_space<vmem>>
        %dma_start3A_1604 = arith.constant 0 : i32
        %dma_start3A_1605 = tpu.memref_slice %arg3[%dma_start3A_1604, %multiple_of3A_1598] : memref<64x1000000xf32, #tpu.memory_space<hbm>> -> memref<64x128xf32, #tpu.memory_space<hbm>>
        %dma_start3A_1606 = arith.constant 0 : i32
        %dma_start3A_1607 = arith.constant 0 : i32
        %dma_start3A_1608 = tpu.memref_slice %arg8[%dma_start3A_1599, %dma_start3A_1606, %dma_start3A_1607] : memref<8x64x128xf32, #tpu.memory_space<vmem>> -> memref<1x64x128xf32, #tpu.memory_space<vmem>>
        %dma_start3A_1609 = tpu.memref_squeeze %dma_start3A_1608 : memref<1x64x128xf32, #tpu.memory_space<vmem>> -> memref<64x128xf32, #tpu.memory_space<vmem>>
        %dma_start3A_1610 = arith.constant 0 : i32
        %dma_start3A_1611 = tpu.memref_slice %arg3[%dma_start3A_1610, %multiple_of3A_1598] : memref<64x1000000xf32, #tpu.memory_space<hbm>> -> memref<64x128xf32, #tpu.memory_space<hbm>>
        tpu.enqueue_dma source(%dma_start3A_1611 : memref<64x128xf32, #tpu.memory_space<hbm>>) target(%dma_start3A_1609 : memref<64x128xf32, #tpu.memory_space<vmem>>) target_semaphore(%arg10 : memref<!tpu.dma_semaphore, #tpu.memory_space<semaphore_mem>>)
      } else {
      }
      %mul3A_361 = arith.constant 16 : i32
      %mul3A_362 = arith.muli %scan3A_180, %mul3A_361 : i32
      %add3A_363 = arith.constant 2 : i32
      %add3A_364 = arith.addi %mul3A_362, %add3A_363 : i32
      %dma_wait3A_365 = arith.constant 2 : i32
      %dma_wait3A_366 = arith.constant 0 : i32
      %dma_wait3A_367 = arith.constant 0 : i32
      %dma_wait3A_368 = tpu.memref_slice %arg8[%dma_wait3A_365, %dma_wait3A_366, %dma_wait3A_367] : memref<8x64x128xf32, #tpu.memory_space<vmem>> -> memref<1x64x128xf32, #tpu.memory_space<vmem>>
      %dma_wait3A_369 = tpu.memref_squeeze %dma_wait3A_368 : memref<1x64x128xf32, #tpu.memory_space<vmem>> -> memref<64x128xf32, #tpu.memory_space<vmem>>
      %dma_wait3A_370 = arith.constant 0 : i32
      %dma_wait3A_371 = arith.constant 0 : i32
      %dma_wait3A_372 = tpu.memref_slice %arg3[%dma_wait3A_370, %dma_wait3A_371] : memref<64x1000000xf32, #tpu.memory_space<hbm>> -> memref<64x128xf32, #tpu.memory_space<hbm>>
      %dma_wait3A_373 = arith.constant 0 : i32
      %dma_wait3A_374 = arith.constant 0 : i32
      %dma_wait3A_375 = tpu.memref_slice %arg8[%dma_wait3A_365, %dma_wait3A_373, %dma_wait3A_374] : memref<8x64x128xf32, #tpu.memory_space<vmem>> -> memref<1x64x128xf32, #tpu.memory_space<vmem>>
      %dma_wait3A_376 = tpu.memref_squeeze %dma_wait3A_375 : memref<1x64x128xf32, #tpu.memory_space<vmem>> -> memref<64x128xf32, #tpu.memory_space<vmem>>
      %dma_wait3A_377 = arith.constant 0 : i32
      %dma_wait3A_378 = arith.constant 0 : i32
      %dma_wait3A_379 = tpu.memref_slice %arg3[%dma_wait3A_377, %dma_wait3A_378] : memref<64x1000000xf32, #tpu.memory_space<hbm>> -> memref<64x128xf32, #tpu.memory_space<hbm>>
      tpu.wait_dma2 semaphore(%arg11 : memref<!tpu.dma_semaphore, #tpu.memory_space<semaphore_mem>>) src(%dma_wait3A_379 : memref<64x128xf32, #tpu.memory_space<hbm>>) dst(%dma_wait3A_376 : memref<64x128xf32, #tpu.memory_space<vmem>>)
      %slice3A_380 = vector.extract_strided_slice %get3A_184 {offsets = [2], sizes = [1], strides = [1]} : vector<16xi32> to vector<1xi32>
      %squeeze3A_381 = vector.extract %slice3A_380[0] : i32 from vector<1xi32>
      %rem3A_382 = arith.constant 128 : i32
      %rem3A_383 = arith.remsi %squeeze3A_381, %rem3A_382 : i32
      %broadcast_in_dim3A_384 = vector.broadcast %rem3A_383 : i32 to vector<16xi32>
      %broadcast_in_dim3A_385 = vector.broadcast %add3A_364 : i32 to vector<16xi32>
      %add3A_386 = arith.constant 0 : i32
      %add3A_387 = vector.broadcast %add3A_386 : i32 to vector<16xi32>
      %add3A_388 = arith.addi %iota3A, %add3A_387 : vector<16xi32>
      %gather3A_389 = arith.constant 2 : i32
      %gather3A_390 = arith.constant 0 : i32
      %gather3A_391 = arith.constant 0 : i32
      %gather3A_392 = tpu.memref_slice %arg8[%gather3A_389, %gather3A_390, %gather3A_391] : memref<8x64x128xf32, #tpu.memory_space<vmem>> -> memref<1x64x128xf32, #tpu.memory_space<vmem>>
      %gather3A_393 = tpu.memref_squeeze %gather3A_392 : memref<1x64x128xf32, #tpu.memory_space<vmem>> -> memref<64x128xf32, #tpu.memory_space<vmem>>
      %gather3A_394 = tpu.vector_load_idx %gather3A_393[%add3A_388, %broadcast_in_dim3A_384] : memref<64x128xf32, #tpu.memory_space<vmem>>[vector<16xi32>, vector<16xi32>], vector<16xf32>,
      %add3A_395 = arith.constant 0 : i32
      %add3A_396 = vector.broadcast %add3A_395 : i32 to vector<16xi32>
      %add3A_397 = arith.addi %iota3A, %add3A_396 : vector<16xi32>
      %mul3A_398 = vector.broadcast %scan3A_154 : f32 to vector<16xf32>
      %mul3A_399 = arith.mulf %gather3A_394, %mul3A_398 : vector<16xf32>
      tpu.vector_store_idx %arg7[%add3A_397, %broadcast_in_dim3A_385], %mul3A_399 {add = true} : memref<64x256xf32, #tpu.memory_space<vmem>>[vector<16xi32>, vector<16xi32>], vector<16xf32>,
      %add3A_400 = arith.constant 16 : i32
      %add3A_401 = vector.broadcast %add3A_400 : i32 to vector<16xi32>
      %add3A_402 = arith.addi %iota3A, %add3A_401 : vector<16xi32>
      %gather3A_403 = arith.constant 2 : i32
      %gather3A_404 = arith.constant 0 : i32
      %gather3A_405 = arith.constant 0 : i32
      %gather3A_406 = tpu.memref_slice %arg8[%gather3A_403, %gather3A_404, %gather3A_405] : memref<8x64x128xf32, #tpu.memory_space<vmem>> -> memref<1x64x128xf32, #tpu.memory_space<vmem>>
      %gather3A_407 = tpu.memref_squeeze %gather3A_406 : memref<1x64x128xf32, #tpu.memory_space<vmem>> -> memref<64x128xf32, #tpu.memory_space<vmem>>
      %gather3A_408 = tpu.vector_load_idx %gather3A_407[%add3A_402, %broadcast_in_dim3A_384] : memref<64x128xf32, #tpu.memory_space<vmem>>[vector<16xi32>, vector<16xi32>], vector<16xf32>,
      %add3A_409 = arith.constant 16 : i32
      %add3A_410 = vector.broadcast %add3A_409 : i32 to vector<16xi32>
      %add3A_411 = arith.addi %iota3A, %add3A_410 : vector<16xi32>
      %mul3A_412 = vector.broadcast %scan3A_154 : f32 to vector<16xf32>
      %mul3A_413 = arith.mulf %gather3A_408, %mul3A_412 : vector<16xf32>
      tpu.vector_store_idx %arg7[%add3A_411, %broadcast_in_dim3A_385], %mul3A_413 {add = true} : memref<64x256xf32, #tpu.memory_space<vmem>>[vector<16xi32>, vector<16xi32>], vector<16xf32>,
      %add3A_414 = arith.constant 32 : i32
      %add3A_415 = vector.broadcast %add3A_414 : i32 to vector<16xi32>
      %add3A_416 = arith.addi %iota3A, %add3A_415 : vector<16xi32>
      %gather3A_417 = arith.constant 2 : i32
      %gather3A_418 = arith.constant 0 : i32
      %gather3A_419 = arith.constant 0 : i32
      %gather3A_420 = tpu.memref_slice %arg8[%gather3A_417, %gather3A_418, %gather3A_419] : memref<8x64x128xf32, #tpu.memory_space<vmem>> -> memref<1x64x128xf32, #tpu.memory_space<vmem>>
      %gather3A_421 = tpu.memref_squeeze %gather3A_420 : memref<1x64x128xf32, #tpu.memory_space<vmem>> -> memref<64x128xf32, #tpu.memory_space<vmem>>
      %gather3A_422 = tpu.vector_load_idx %gather3A_421[%add3A_416, %broadcast_in_dim3A_384] : memref<64x128xf32, #tpu.memory_space<vmem>>[vector<16xi32>, vector<16xi32>], vector<16xf32>,
      %add3A_423 = arith.constant 32 : i32
      %add3A_424 = vector.broadcast %add3A_423 : i32 to vector<16xi32>
      %add3A_425 = arith.addi %iota3A, %add3A_424 : vector<16xi32>
      %mul3A_426 = vector.broadcast %scan3A_154 : f32 to vector<16xf32>
      %mul3A_427 = arith.mulf %gather3A_422, %mul3A_426 : vector<16xf32>
      tpu.vector_store_idx %arg7[%add3A_425, %broadcast_in_dim3A_385], %mul3A_427 {add = true} : memref<64x256xf32, #tpu.memory_space<vmem>>[vector<16xi32>, vector<16xi32>], vector<16xf32>,
      %add3A_428 = arith.constant 48 : i32
      %add3A_429 = vector.broadcast %add3A_428 : i32 to vector<16xi32>
      %add3A_430 = arith.addi %iota3A, %add3A_429 : vector<16xi32>
      %gather3A_431 = arith.constant 2 : i32
      %gather3A_432 = arith.constant 0 : i32
      %gather3A_433 = arith.constant 0 : i32
      %gather3A_434 = tpu.memref_slice %arg8[%gather3A_431, %gather3A_432, %gather3A_433] : memref<8x64x128xf32, #tpu.memory_space<vmem>> -> memref<1x64x128xf32, #tpu.memory_space<vmem>>
      %gather3A_435 = tpu.memref_squeeze %gather3A_434 : memref<1x64x128xf32, #tpu.memory_space<vmem>> -> memref<64x128xf32, #tpu.memory_space<vmem>>
      %gather3A_436 = tpu.vector_load_idx %gather3A_435[%add3A_430, %broadcast_in_dim3A_384] : memref<64x128xf32, #tpu.memory_space<vmem>>[vector<16xi32>, vector<16xi32>], vector<16xf32>,
      %add3A_437 = arith.constant 48 : i32
      %add3A_438 = vector.broadcast %add3A_437 : i32 to vector<16xi32>
      %add3A_439 = arith.addi %iota3A, %add3A_438 : vector<16xi32>
      %mul3A_440 = vector.broadcast %scan3A_154 : f32 to vector<16xf32>
      %mul3A_441 = arith.mulf %gather3A_436, %mul3A_440 : vector<16xf32>
      tpu.vector_store_idx %arg7[%add3A_439, %broadcast_in_dim3A_385], %mul3A_441 {add = true} : memref<64x256xf32, #tpu.memory_space<vmem>>[vector<16xi32>, vector<16xi32>], vector<16xf32>,
      %add3A_442 = arith.constant 8 : i32
      %add3A_443 = arith.addi %add3A_364, %add3A_442 : i32
      %lt3A_444 = arith.constant 256 : i32
      %lt3A_445 = arith.cmpi slt, %add3A_443, %lt3A_444 : i32
      %convert_element_type3A_446 = arith.extui %lt3A_445 : i1 to i32
      %cond3A_447 = arith.constant 0 : i32
      %cond3A_448 = arith.cmpi ne, %convert_element_type3A_446, %cond3A_447 : i32
      scf.if %cond3A_448 {
        %slice3A_1593 = vector.extract_strided_slice %get3A_184 {offsets = [10], sizes = [1], strides = [1]} : vector<16xi32> to vector<1xi32>
        %squeeze3A_1594 = vector.extract %slice3A_1593[0] : i32 from vector<1xi32>
        %rem3A_1595 = arith.constant 128 : i32
        %rem3A_1596 = arith.remsi %squeeze3A_1594, %rem3A_1595 : i32
        %sub3A_1597 = arith.subi %squeeze3A_1594, %rem3A_1596 : i32
        %multiple_of3A_1598 = tpu.assume_multiple %sub3A_1597, 128 : i32
        %dma_start3A_1599 = arith.constant 2 : i32
        %dma_start3A_1600 = arith.constant 0 : i32
        %dma_start3A_1601 = arith.constant 0 : i32
        %dma_start3A_1602 = tpu.memref_slice %arg8[%dma_start3A_1599, %dma_start3A_1600, %dma_start3A_1601] : memref<8x64x128xf32, #tpu.memory_space<vmem>> -> memref<1x64x128xf32, #tpu.memory_space<vmem>>
        %dma_start3A_1603 = tpu.memref_squeeze %dma_start3A_1602 : memref<1x64x128xf32, #tpu.memory_space<vmem>> -> memref<64x128xf32, #tpu.memory_space<vmem>>
        %dma_start3A_1604 = arith.constant 0 : i32
        %dma_start3A_1605 = tpu.memref_slice %arg3[%dma_start3A_1604, %multiple_of3A_1598] : memref<64x1000000xf32, #tpu.memory_space<hbm>> -> memref<64x128xf32, #tpu.memory_space<hbm>>
        %dma_start3A_1606 = arith.constant 0 : i32
        %dma_start3A_1607 = arith.constant 0 : i32
        %dma_start3A_1608 = tpu.memref_slice %arg8[%dma_start3A_1599, %dma_start3A_1606, %dma_start3A_1607] : memref<8x64x128xf32, #tpu.memory_space<vmem>> -> memref<1x64x128xf32, #tpu.memory_space<vmem>>
        %dma_start3A_1609 = tpu.memref_squeeze %dma_start3A_1608 : memref<1x64x128xf32, #tpu.memory_space<vmem>> -> memref<64x128xf32, #tpu.memory_space<vmem>>
        %dma_start3A_1610 = arith.constant 0 : i32
        %dma_start3A_1611 = tpu.memref_slice %arg3[%dma_start3A_1610, %multiple_of3A_1598] : memref<64x1000000xf32, #tpu.memory_space<hbm>> -> memref<64x128xf32, #tpu.memory_space<hbm>>
        tpu.enqueue_dma source(%dma_start3A_1611 : memref<64x128xf32, #tpu.memory_space<hbm>>) target(%dma_start3A_1609 : memref<64x128xf32, #tpu.memory_space<vmem>>) target_semaphore(%arg11 : memref<!tpu.dma_semaphore, #tpu.memory_space<semaphore_mem>>)
      } else {
      }
      %mul3A_449 = arith.constant 16 : i32
      %mul3A_450 = arith.muli %scan3A_180, %mul3A_449 : i32
      %add3A_451 = arith.constant 3 : i32
      %add3A_452 = arith.addi %mul3A_450, %add3A_451 : i32
      %dma_wait3A_453 = arith.constant 3 : i32
      %dma_wait3A_454 = arith.constant 0 : i32
      %dma_wait3A_455 = arith.constant 0 : i32
      %dma_wait3A_456 = tpu.memref_slice %arg8[%dma_wait3A_453, %dma_wait3A_454, %dma_wait3A_455] : memref<8x64x128xf32, #tpu.memory_space<vmem>> -> memref<1x64x128xf32, #tpu.memory_space<vmem>>
      %dma_wait3A_457 = tpu.memref_squeeze %dma_wait3A_456 : memref<1x64x128xf32, #tpu.memory_space<vmem>> -> memref<64x128xf32, #tpu.memory_space<vmem>>
      %dma_wait3A_458 = arith.constant 0 : i32
      %dma_wait3A_459 = arith.constant 0 : i32
      %dma_wait3A_460 = tpu.memref_slice %arg3[%dma_wait3A_458, %dma_wait3A_459] : memref<64x1000000xf32, #tpu.memory_space<hbm>> -> memref<64x128xf32, #tpu.memory_space<hbm>>
      %dma_wait3A_461 = arith.constant 0 : i32
      %dma_wait3A_462 = arith.constant 0 : i32
      %dma_wait3A_463 = tpu.memref_slice %arg8[%dma_wait3A_453, %dma_wait3A_461, %dma_wait3A_462] : memref<8x64x128xf32, #tpu.memory_space<vmem>> -> memref<1x64x128xf32, #tpu.memory_space<vmem>>
      %dma_wait3A_464 = tpu.memref_squeeze %dma_wait3A_463 : memref<1x64x128xf32, #tpu.memory_space<vmem>> -> memref<64x128xf32, #tpu.memory_space<vmem>>
      %dma_wait3A_465 = arith.constant 0 : i32
      %dma_wait3A_466 = arith.constant 0 : i32
      %dma_wait3A_467 = tpu.memref_slice %arg3[%dma_wait3A_465, %dma_wait3A_466] : memref<64x1000000xf32, #tpu.memory_space<hbm>> -> memref<64x128xf32, #tpu.memory_space<hbm>>
      tpu.wait_dma2 semaphore(%arg12 : memref<!tpu.dma_semaphore, #tpu.memory_space<semaphore_mem>>) src(%dma_wait3A_467 : memref<64x128xf32, #tpu.memory_space<hbm>>) dst(%dma_wait3A_464 : memref<64x128xf32, #tpu.memory_space<vmem>>)
      %slice3A_468 = vector.extract_strided_slice %get3A_184 {offsets = [3], sizes = [1], strides = [1]} : vector<16xi32> to vector<1xi32>
      %squeeze3A_469 = vector.extract %slice3A_468[0] : i32 from vector<1xi32>
      %rem3A_470 = arith.constant 128 : i32
      %rem3A_471 = arith.remsi %squeeze3A_469, %rem3A_470 : i32
      %broadcast_in_dim3A_472 = vector.broadcast %rem3A_471 : i32 to vector<16xi32>
      %broadcast_in_dim3A_473 = vector.broadcast %add3A_452 : i32 to vector<16xi32>
      %add3A_474 = arith.constant 0 : i32
      %add3A_475 = vector.broadcast %add3A_474 : i32 to vector<16xi32>
      %add3A_476 = arith.addi %iota3A, %add3A_475 : vector<16xi32>
      %gather3A_477 = arith.constant 3 : i32
      %gather3A_478 = arith.constant 0 : i32
      %gather3A_479 = arith.constant 0 : i32
      %gather3A_480 = tpu.memref_slice %arg8[%gather3A_477, %gather3A_478, %gather3A_479] : memref<8x64x128xf32, #tpu.memory_space<vmem>> -> memref<1x64x128xf32, #tpu.memory_space<vmem>>
      %gather3A_481 = tpu.memref_squeeze %gather3A_480 : memref<1x64x128xf32, #tpu.memory_space<vmem>> -> memref<64x128xf32, #tpu.memory_space<vmem>>
      %gather3A_482 = tpu.vector_load_idx %gather3A_481[%add3A_476, %broadcast_in_dim3A_472] : memref<64x128xf32, #tpu.memory_space<vmem>>[vector<16xi32>, vector<16xi32>], vector<16xf32>,
      %add3A_483 = arith.constant 0 : i32
      %add3A_484 = vector.broadcast %add3A_483 : i32 to vector<16xi32>
      %add3A_485 = arith.addi %iota3A, %add3A_484 : vector<16xi32>
      %mul3A_486 = vector.broadcast %scan3A_154 : f32 to vector<16xf32>
      %mul3A_487 = arith.mulf %gather3A_482, %mul3A_486 : vector<16xf32>
      tpu.vector_store_idx %arg7[%add3A_485, %broadcast_in_dim3A_473], %mul3A_487 {add = true} : memref<64x256xf32, #tpu.memory_space<vmem>>[vector<16xi32>, vector<16xi32>], vector<16xf32>,
      %add3A_488 = arith.constant 16 : i32
      %add3A_489 = vector.broadcast %add3A_488 : i32 to vector<16xi32>
      %add3A_490 = arith.addi %iota3A, %add3A_489 : vector<16xi32>
      %gather3A_491 = arith.constant 3 : i32
      %gather3A_492 = arith.constant 0 : i32
      %gather3A_493 = arith.constant 0 : i32
      %gather3A_494 = tpu.memref_slice %arg8[%gather3A_491, %gather3A_492, %gather3A_493] : memref<8x64x128xf32, #tpu.memory_space<vmem>> -> memref<1x64x128xf32, #tpu.memory_space<vmem>>
      %gather3A_495 = tpu.memref_squeeze %gather3A_494 : memref<1x64x128xf32, #tpu.memory_space<vmem>> -> memref<64x128xf32, #tpu.memory_space<vmem>>
      %gather3A_496 = tpu.vector_load_idx %gather3A_495[%add3A_490, %broadcast_in_dim3A_472] : memref<64x128xf32, #tpu.memory_space<vmem>>[vector<16xi32>, vector<16xi32>], vector<16xf32>,
      %add3A_497 = arith.constant 16 : i32
      %add3A_498 = vector.broadcast %add3A_497 : i32 to vector<16xi32>
      %add3A_499 = arith.addi %iota3A, %add3A_498 : vector<16xi32>
      %mul3A_500 = vector.broadcast %scan3A_154 : f32 to vector<16xf32>
      %mul3A_501 = arith.mulf %gather3A_496, %mul3A_500 : vector<16xf32>
      tpu.vector_store_idx %arg7[%add3A_499, %broadcast_in_dim3A_473], %mul3A_501 {add = true} : memref<64x256xf32, #tpu.memory_space<vmem>>[vector<16xi32>, vector<16xi32>], vector<16xf32>,
      %add3A_502 = arith.constant 32 : i32
      %add3A_503 = vector.broadcast %add3A_502 : i32 to vector<16xi32>
      %add3A_504 = arith.addi %iota3A, %add3A_503 : vector<16xi32>
      %gather3A_505 = arith.constant 3 : i32
      %gather3A_506 = arith.constant 0 : i32
      %gather3A_507 = arith.constant 0 : i32
      %gather3A_508 = tpu.memref_slice %arg8[%gather3A_505, %gather3A_506, %gather3A_507] : memref<8x64x128xf32, #tpu.memory_space<vmem>> -> memref<1x64x128xf32, #tpu.memory_space<vmem>>
      %gather3A_509 = tpu.memref_squeeze %gather3A_508 : memref<1x64x128xf32, #tpu.memory_space<vmem>> -> memref<64x128xf32, #tpu.memory_space<vmem>>
      %gather3A_510 = tpu.vector_load_idx %gather3A_509[%add3A_504, %broadcast_in_dim3A_472] : memref<64x128xf32, #tpu.memory_space<vmem>>[vector<16xi32>, vector<16xi32>], vector<16xf32>,
      %add3A_511 = arith.constant 32 : i32
      %add3A_512 = vector.broadcast %add3A_511 : i32 to vector<16xi32>
      %add3A_513 = arith.addi %iota3A, %add3A_512 : vector<16xi32>
      %mul3A_514 = vector.broadcast %scan3A_154 : f32 to vector<16xf32>
      %mul3A_515 = arith.mulf %gather3A_510, %mul3A_514 : vector<16xf32>
      tpu.vector_store_idx %arg7[%add3A_513, %broadcast_in_dim3A_473], %mul3A_515 {add = true} : memref<64x256xf32, #tpu.memory_space<vmem>>[vector<16xi32>, vector<16xi32>], vector<16xf32>,
      %add3A_516 = arith.constant 48 : i32
      %add3A_517 = vector.broadcast %add3A_516 : i32 to vector<16xi32>
      %add3A_518 = arith.addi %iota3A, %add3A_517 : vector<16xi32>
      %gather3A_519 = arith.constant 3 : i32
      %gather3A_520 = arith.constant 0 : i32
      %gather3A_521 = arith.constant 0 : i32
      %gather3A_522 = tpu.memref_slice %arg8[%gather3A_519, %gather3A_520, %gather3A_521] : memref<8x64x128xf32, #tpu.memory_space<vmem>> -> memref<1x64x128xf32, #tpu.memory_space<vmem>>
      %gather3A_523 = tpu.memref_squeeze %gather3A_522 : memref<1x64x128xf32, #tpu.memory_space<vmem>> -> memref<64x128xf32, #tpu.memory_space<vmem>>
      %gather3A_524 = tpu.vector_load_idx %gather3A_523[%add3A_518, %broadcast_in_dim3A_472] : memref<64x128xf32, #tpu.memory_space<vmem>>[vector<16xi32>, vector<16xi32>], vector<16xf32>,
      %add3A_525 = arith.constant 48 : i32
      %add3A_526 = vector.broadcast %add3A_525 : i32 to vector<16xi32>
      %add3A_527 = arith.addi %iota3A, %add3A_526 : vector<16xi32>
      %mul3A_528 = vector.broadcast %scan3A_154 : f32 to vector<16xf32>
      %mul3A_529 = arith.mulf %gather3A_524, %mul3A_528 : vector<16xf32>
      tpu.vector_store_idx %arg7[%add3A_527, %broadcast_in_dim3A_473], %mul3A_529 {add = true} : memref<64x256xf32, #tpu.memory_space<vmem>>[vector<16xi32>, vector<16xi32>], vector<16xf32>,
      %add3A_530 = arith.constant 8 : i32
      %add3A_531 = arith.addi %add3A_452, %add3A_530 : i32
      %lt3A_532 = arith.constant 256 : i32
      %lt3A_533 = arith.cmpi slt, %add3A_531, %lt3A_532 : i32
      %convert_element_type3A_534 = arith.extui %lt3A_533 : i1 to i32
      %cond3A_535 = arith.constant 0 : i32
      %cond3A_536 = arith.cmpi ne, %convert_element_type3A_534, %cond3A_535 : i32
      scf.if %cond3A_536 {
        %slice3A_1593 = vector.extract_strided_slice %get3A_184 {offsets = [11], sizes = [1], strides = [1]} : vector<16xi32> to vector<1xi32>
        %squeeze3A_1594 = vector.extract %slice3A_1593[0] : i32 from vector<1xi32>
        %rem3A_1595 = arith.constant 128 : i32
        %rem3A_1596 = arith.remsi %squeeze3A_1594, %rem3A_1595 : i32
        %sub3A_1597 = arith.subi %squeeze3A_1594, %rem3A_1596 : i32
        %multiple_of3A_1598 = tpu.assume_multiple %sub3A_1597, 128 : i32
        %dma_start3A_1599 = arith.constant 3 : i32
        %dma_start3A_1600 = arith.constant 0 : i32
        %dma_start3A_1601 = arith.constant 0 : i32
        %dma_start3A_1602 = tpu.memref_slice %arg8[%dma_start3A_1599, %dma_start3A_1600, %dma_start3A_1601] : memref<8x64x128xf32, #tpu.memory_space<vmem>> -> memref<1x64x128xf32, #tpu.memory_space<vmem>>
        %dma_start3A_1603 = tpu.memref_squeeze %dma_start3A_1602 : memref<1x64x128xf32, #tpu.memory_space<vmem>> -> memref<64x128xf32, #tpu.memory_space<vmem>>
        %dma_start3A_1604 = arith.constant 0 : i32
        %dma_start3A_1605 = tpu.memref_slice %arg3[%dma_start3A_1604, %multiple_of3A_1598] : memref<64x1000000xf32, #tpu.memory_space<hbm>> -> memref<64x128xf32, #tpu.memory_space<hbm>>
        %dma_start3A_1606 = arith.constant 0 : i32
        %dma_start3A_1607 = arith.constant 0 : i32
        %dma_start3A_1608 = tpu.memref_slice %arg8[%dma_start3A_1599, %dma_start3A_1606, %dma_start3A_1607] : memref<8x64x128xf32, #tpu.memory_space<vmem>> -> memref<1x64x128xf32, #tpu.memory_space<vmem>>
        %dma_start3A_1609 = tpu.memref_squeeze %dma_start3A_1608 : memref<1x64x128xf32, #tpu.memory_space<vmem>> -> memref<64x128xf32, #tpu.memory_space<vmem>>
        %dma_start3A_1610 = arith.constant 0 : i32
        %dma_start3A_1611 = tpu.memref_slice %arg3[%dma_start3A_1610, %multiple_of3A_1598] : memref<64x1000000xf32, #tpu.memory_space<hbm>> -> memref<64x128xf32, #tpu.memory_space<hbm>>
        tpu.enqueue_dma source(%dma_start3A_1611 : memref<64x128xf32, #tpu.memory_space<hbm>>) target(%dma_start3A_1609 : memref<64x128xf32, #tpu.memory_space<vmem>>) target_semaphore(%arg12 : memref<!tpu.dma_semaphore, #tpu.memory_space<semaphore_mem>>)
      } else {
      }
      %mul3A_537 = arith.constant 16 : i32
      %mul3A_538 = arith.muli %scan3A_180, %mul3A_537 : i32
      %add3A_539 = arith.constant 4 : i32
      %add3A_540 = arith.addi %mul3A_538, %add3A_539 : i32
      %dma_wait3A_541 = arith.constant 4 : i32
      %dma_wait3A_542 = arith.constant 0 : i32
      %dma_wait3A_543 = arith.constant 0 : i32
      %dma_wait3A_544 = tpu.memref_slice %arg8[%dma_wait3A_541, %dma_wait3A_542, %dma_wait3A_543] : memref<8x64x128xf32, #tpu.memory_space<vmem>> -> memref<1x64x128xf32, #tpu.memory_space<vmem>>
      %dma_wait3A_545 = tpu.memref_squeeze %dma_wait3A_544 : memref<1x64x128xf32, #tpu.memory_space<vmem>> -> memref<64x128xf32, #tpu.memory_space<vmem>>
      %dma_wait3A_546 = arith.constant 0 : i32
      %dma_wait3A_547 = arith.constant 0 : i32
      %dma_wait3A_548 = tpu.memref_slice %arg3[%dma_wait3A_546, %dma_wait3A_547] : memref<64x1000000xf32, #tpu.memory_space<hbm>> -> memref<64x128xf32, #tpu.memory_space<hbm>>
      %dma_wait3A_549 = arith.constant 0 : i32
      %dma_wait3A_550 = arith.constant 0 : i32
      %dma_wait3A_551 = tpu.memref_slice %arg8[%dma_wait3A_541, %dma_wait3A_549, %dma_wait3A_550] : memref<8x64x128xf32, #tpu.memory_space<vmem>> -> memref<1x64x128xf32, #tpu.memory_space<vmem>>
      %dma_wait3A_552 = tpu.memref_squeeze %dma_wait3A_551 : memref<1x64x128xf32, #tpu.memory_space<vmem>> -> memref<64x128xf32, #tpu.memory_space<vmem>>
      %dma_wait3A_553 = arith.constant 0 : i32
      %dma_wait3A_554 = arith.constant 0 : i32
      %dma_wait3A_555 = tpu.memref_slice %arg3[%dma_wait3A_553, %dma_wait3A_554] : memref<64x1000000xf32, #tpu.memory_space<hbm>> -> memref<64x128xf32, #tpu.memory_space<hbm>>
      tpu.wait_dma2 semaphore(%arg13 : memref<!tpu.dma_semaphore, #tpu.memory_space<semaphore_mem>>) src(%dma_wait3A_555 : memref<64x128xf32, #tpu.memory_space<hbm>>) dst(%dma_wait3A_552 : memref<64x128xf32, #tpu.memory_space<vmem>>)
      %slice3A_556 = vector.extract_strided_slice %get3A_184 {offsets = [4], sizes = [1], strides = [1]} : vector<16xi32> to vector<1xi32>
      %squeeze3A_557 = vector.extract %slice3A_556[0] : i32 from vector<1xi32>
      %rem3A_558 = arith.constant 128 : i32
      %rem3A_559 = arith.remsi %squeeze3A_557, %rem3A_558 : i32
      %broadcast_in_dim3A_560 = vector.broadcast %rem3A_559 : i32 to vector<16xi32>
      %broadcast_in_dim3A_561 = vector.broadcast %add3A_540 : i32 to vector<16xi32>
      %add3A_562 = arith.constant 0 : i32
      %add3A_563 = vector.broadcast %add3A_562 : i32 to vector<16xi32>
      %add3A_564 = arith.addi %iota3A, %add3A_563 : vector<16xi32>
      %gather3A_565 = arith.constant 4 : i32
      %gather3A_566 = arith.constant 0 : i32
      %gather3A_567 = arith.constant 0 : i32
      %gather3A_568 = tpu.memref_slice %arg8[%gather3A_565, %gather3A_566, %gather3A_567] : memref<8x64x128xf32, #tpu.memory_space<vmem>> -> memref<1x64x128xf32, #tpu.memory_space<vmem>>
      %gather3A_569 = tpu.memref_squeeze %gather3A_568 : memref<1x64x128xf32, #tpu.memory_space<vmem>> -> memref<64x128xf32, #tpu.memory_space<vmem>>
      %gather3A_570 = tpu.vector_load_idx %gather3A_569[%add3A_564, %broadcast_in_dim3A_560] : memref<64x128xf32, #tpu.memory_space<vmem>>[vector<16xi32>, vector<16xi32>], vector<16xf32>,
      %add3A_571 = arith.constant 0 : i32
      %add3A_572 = vector.broadcast %add3A_571 : i32 to vector<16xi32>
      %add3A_573 = arith.addi %iota3A, %add3A_572 : vector<16xi32>
      %mul3A_574 = vector.broadcast %scan3A_154 : f32 to vector<16xf32>
      %mul3A_575 = arith.mulf %gather3A_570, %mul3A_574 : vector<16xf32>
      tpu.vector_store_idx %arg7[%add3A_573, %broadcast_in_dim3A_561], %mul3A_575 {add = true} : memref<64x256xf32, #tpu.memory_space<vmem>>[vector<16xi32>, vector<16xi32>], vector<16xf32>,
      %add3A_576 = arith.constant 16 : i32
      %add3A_577 = vector.broadcast %add3A_576 : i32 to vector<16xi32>
      %add3A_578 = arith.addi %iota3A, %add3A_577 : vector<16xi32>
      %gather3A_579 = arith.constant 4 : i32
      %gather3A_580 = arith.constant 0 : i32
      %gather3A_581 = arith.constant 0 : i32
      %gather3A_582 = tpu.memref_slice %arg8[%gather3A_579, %gather3A_580, %gather3A_581] : memref<8x64x128xf32, #tpu.memory_space<vmem>> -> memref<1x64x128xf32, #tpu.memory_space<vmem>>
      %gather3A_583 = tpu.memref_squeeze %gather3A_582 : memref<1x64x128xf32, #tpu.memory_space<vmem>> -> memref<64x128xf32, #tpu.memory_space<vmem>>
      %gather3A_584 = tpu.vector_load_idx %gather3A_583[%add3A_578, %broadcast_in_dim3A_560] : memref<64x128xf32, #tpu.memory_space<vmem>>[vector<16xi32>, vector<16xi32>], vector<16xf32>,
      %add3A_585 = arith.constant 16 : i32
      %add3A_586 = vector.broadcast %add3A_585 : i32 to vector<16xi32>
      %add3A_587 = arith.addi %iota3A, %add3A_586 : vector<16xi32>
      %mul3A_588 = vector.broadcast %scan3A_154 : f32 to vector<16xf32>
      %mul3A_589 = arith.mulf %gather3A_584, %mul3A_588 : vector<16xf32>
      tpu.vector_store_idx %arg7[%add3A_587, %broadcast_in_dim3A_561], %mul3A_589 {add = true} : memref<64x256xf32, #tpu.memory_space<vmem>>[vector<16xi32>, vector<16xi32>], vector<16xf32>,
      %add3A_590 = arith.constant 32 : i32
      %add3A_591 = vector.broadcast %add3A_590 : i32 to vector<16xi32>
      %add3A_592 = arith.addi %iota3A, %add3A_591 : vector<16xi32>
      %gather3A_593 = arith.constant 4 : i32
      %gather3A_594 = arith.constant 0 : i32
      %gather3A_595 = arith.constant 0 : i32
      %gather3A_596 = tpu.memref_slice %arg8[%gather3A_593, %gather3A_594, %gather3A_595] : memref<8x64x128xf32, #tpu.memory_space<vmem>> -> memref<1x64x128xf32, #tpu.memory_space<vmem>>
      %gather3A_597 = tpu.memref_squeeze %gather3A_596 : memref<1x64x128xf32, #tpu.memory_space<vmem>> -> memref<64x128xf32, #tpu.memory_space<vmem>>
      %gather3A_598 = tpu.vector_load_idx %gather3A_597[%add3A_592, %broadcast_in_dim3A_560] : memref<64x128xf32, #tpu.memory_space<vmem>>[vector<16xi32>, vector<16xi32>], vector<16xf32>,
      %add3A_599 = arith.constant 32 : i32
      %add3A_600 = vector.broadcast %add3A_599 : i32 to vector<16xi32>
      %add3A_601 = arith.addi %iota3A, %add3A_600 : vector<16xi32>
      %mul3A_602 = vector.broadcast %scan3A_154 : f32 to vector<16xf32>
      %mul3A_603 = arith.mulf %gather3A_598, %mul3A_602 : vector<16xf32>
      tpu.vector_store_idx %arg7[%add3A_601, %broadcast_in_dim3A_561], %mul3A_603 {add = true} : memref<64x256xf32, #tpu.memory_space<vmem>>[vector<16xi32>, vector<16xi32>], vector<16xf32>,
      %add3A_604 = arith.constant 48 : i32
      %add3A_605 = vector.broadcast %add3A_604 : i32 to vector<16xi32>
      %add3A_606 = arith.addi %iota3A, %add3A_605 : vector<16xi32>
      %gather3A_607 = arith.constant 4 : i32
      %gather3A_608 = arith.constant 0 : i32
      %gather3A_609 = arith.constant 0 : i32
      %gather3A_610 = tpu.memref_slice %arg8[%gather3A_607, %gather3A_608, %gather3A_609] : memref<8x64x128xf32, #tpu.memory_space<vmem>> -> memref<1x64x128xf32, #tpu.memory_space<vmem>>
      %gather3A_611 = tpu.memref_squeeze %gather3A_610 : memref<1x64x128xf32, #tpu.memory_space<vmem>> -> memref<64x128xf32, #tpu.memory_space<vmem>>
      %gather3A_612 = tpu.vector_load_idx %gather3A_611[%add3A_606, %broadcast_in_dim3A_560] : memref<64x128xf32, #tpu.memory_space<vmem>>[vector<16xi32>, vector<16xi32>], vector<16xf32>,
      %add3A_613 = arith.constant 48 : i32
      %add3A_614 = vector.broadcast %add3A_613 : i32 to vector<16xi32>
      %add3A_615 = arith.addi %iota3A, %add3A_614 : vector<16xi32>
      %mul3A_616 = vector.broadcast %scan3A_154 : f32 to vector<16xf32>
      %mul3A_617 = arith.mulf %gather3A_612, %mul3A_616 : vector<16xf32>
      tpu.vector_store_idx %arg7[%add3A_615, %broadcast_in_dim3A_561], %mul3A_617 {add = true} : memref<64x256xf32, #tpu.memory_space<vmem>>[vector<16xi32>, vector<16xi32>], vector<16xf32>,
      %add3A_618 = arith.constant 8 : i32
      %add3A_619 = arith.addi %add3A_540, %add3A_618 : i32
      %lt3A_620 = arith.constant 256 : i32
      %lt3A_621 = arith.cmpi slt, %add3A_619, %lt3A_620 : i32
      %convert_element_type3A_622 = arith.extui %lt3A_621 : i1 to i32
      %cond3A_623 = arith.constant 0 : i32
      %cond3A_624 = arith.cmpi ne, %convert_element_type3A_622, %cond3A_623 : i32
      scf.if %cond3A_624 {
        %slice3A_1593 = vector.extract_strided_slice %get3A_184 {offsets = [12], sizes = [1], strides = [1]} : vector<16xi32> to vector<1xi32>
        %squeeze3A_1594 = vector.extract %slice3A_1593[0] : i32 from vector<1xi32>
        %rem3A_1595 = arith.constant 128 : i32
        %rem3A_1596 = arith.remsi %squeeze3A_1594, %rem3A_1595 : i32
        %sub3A_1597 = arith.subi %squeeze3A_1594, %rem3A_1596 : i32
        %multiple_of3A_1598 = tpu.assume_multiple %sub3A_1597, 128 : i32
        %dma_start3A_1599 = arith.constant 4 : i32
        %dma_start3A_1600 = arith.constant 0 : i32
        %dma_start3A_1601 = arith.constant 0 : i32
        %dma_start3A_1602 = tpu.memref_slice %arg8[%dma_start3A_1599, %dma_start3A_1600, %dma_start3A_1601] : memref<8x64x128xf32, #tpu.memory_space<vmem>> -> memref<1x64x128xf32, #tpu.memory_space<vmem>>
        %dma_start3A_1603 = tpu.memref_squeeze %dma_start3A_1602 : memref<1x64x128xf32, #tpu.memory_space<vmem>> -> memref<64x128xf32, #tpu.memory_space<vmem>>
        %dma_start3A_1604 = arith.constant 0 : i32
        %dma_start3A_1605 = tpu.memref_slice %arg3[%dma_start3A_1604, %multiple_of3A_1598] : memref<64x1000000xf32, #tpu.memory_space<hbm>> -> memref<64x128xf32, #tpu.memory_space<hbm>>
        %dma_start3A_1606 = arith.constant 0 : i32
        %dma_start3A_1607 = arith.constant 0 : i32
        %dma_start3A_1608 = tpu.memref_slice %arg8[%dma_start3A_1599, %dma_start3A_1606, %dma_start3A_1607] : memref<8x64x128xf32, #tpu.memory_space<vmem>> -> memref<1x64x128xf32, #tpu.memory_space<vmem>>
        %dma_start3A_1609 = tpu.memref_squeeze %dma_start3A_1608 : memref<1x64x128xf32, #tpu.memory_space<vmem>> -> memref<64x128xf32, #tpu.memory_space<vmem>>
        %dma_start3A_1610 = arith.constant 0 : i32
        %dma_start3A_1611 = tpu.memref_slice %arg3[%dma_start3A_1610, %multiple_of3A_1598] : memref<64x1000000xf32, #tpu.memory_space<hbm>> -> memref<64x128xf32, #tpu.memory_space<hbm>>
        tpu.enqueue_dma source(%dma_start3A_1611 : memref<64x128xf32, #tpu.memory_space<hbm>>) target(%dma_start3A_1609 : memref<64x128xf32, #tpu.memory_space<vmem>>) target_semaphore(%arg13 : memref<!tpu.dma_semaphore, #tpu.memory_space<semaphore_mem>>)
      } else {
      }
      %mul3A_625 = arith.constant 16 : i32
      %mul3A_626 = arith.muli %scan3A_180, %mul3A_625 : i32
      %add3A_627 = arith.constant 5 : i32
      %add3A_628 = arith.addi %mul3A_626, %add3A_627 : i32
      %dma_wait3A_629 = arith.constant 5 : i32
      %dma_wait3A_630 = arith.constant 0 : i32
      %dma_wait3A_631 = arith.constant 0 : i32
      %dma_wait3A_632 = tpu.memref_slice %arg8[%dma_wait3A_629, %dma_wait3A_630, %dma_wait3A_631] : memref<8x64x128xf32, #tpu.memory_space<vmem>> -> memref<1x64x128xf32, #tpu.memory_space<vmem>>
      %dma_wait3A_633 = tpu.memref_squeeze %dma_wait3A_632 : memref<1x64x128xf32, #tpu.memory_space<vmem>> -> memref<64x128xf32, #tpu.memory_space<vmem>>
      %dma_wait3A_634 = arith.constant 0 : i32
      %dma_wait3A_635 = arith.constant 0 : i32
      %dma_wait3A_636 = tpu.memref_slice %arg3[%dma_wait3A_634, %dma_wait3A_635] : memref<64x1000000xf32, #tpu.memory_space<hbm>> -> memref<64x128xf32, #tpu.memory_space<hbm>>
      %dma_wait3A_637 = arith.constant 0 : i32
      %dma_wait3A_638 = arith.constant 0 : i32
      %dma_wait3A_639 = tpu.memref_slice %arg8[%dma_wait3A_629, %dma_wait3A_637, %dma_wait3A_638] : memref<8x64x128xf32, #tpu.memory_space<vmem>> -> memref<1x64x128xf32, #tpu.memory_space<vmem>>
      %dma_wait3A_640 = tpu.memref_squeeze %dma_wait3A_639 : memref<1x64x128xf32, #tpu.memory_space<vmem>> -> memref<64x128xf32, #tpu.memory_space<vmem>>
      %dma_wait3A_641 = arith.constant 0 : i32
      %dma_wait3A_642 = arith.constant 0 : i32
      %dma_wait3A_643 = tpu.memref_slice %arg3[%dma_wait3A_641, %dma_wait3A_642] : memref<64x1000000xf32, #tpu.memory_space<hbm>> -> memref<64x128xf32, #tpu.memory_space<hbm>>
      tpu.wait_dma2 semaphore(%arg14 : memref<!tpu.dma_semaphore, #tpu.memory_space<semaphore_mem>>) src(%dma_wait3A_643 : memref<64x128xf32, #tpu.memory_space<hbm>>) dst(%dma_wait3A_640 : memref<64x128xf32, #tpu.memory_space<vmem>>)
      %slice3A_644 = vector.extract_strided_slice %get3A_184 {offsets = [5], sizes = [1], strides = [1]} : vector<16xi32> to vector<1xi32>
      %squeeze3A_645 = vector.extract %slice3A_644[0] : i32 from vector<1xi32>
      %rem3A_646 = arith.constant 128 : i32
      %rem3A_647 = arith.remsi %squeeze3A_645, %rem3A_646 : i32
      %broadcast_in_dim3A_648 = vector.broadcast %rem3A_647 : i32 to vector<16xi32>
      %broadcast_in_dim3A_649 = vector.broadcast %add3A_628 : i32 to vector<16xi32>
      %add3A_650 = arith.constant 0 : i32
      %add3A_651 = vector.broadcast %add3A_650 : i32 to vector<16xi32>
      %add3A_652 = arith.addi %iota3A, %add3A_651 : vector<16xi32>
      %gather3A_653 = arith.constant 5 : i32
      %gather3A_654 = arith.constant 0 : i32
      %gather3A_655 = arith.constant 0 : i32
      %gather3A_656 = tpu.memref_slice %arg8[%gather3A_653, %gather3A_654, %gather3A_655] : memref<8x64x128xf32, #tpu.memory_space<vmem>> -> memref<1x64x128xf32, #tpu.memory_space<vmem>>
      %gather3A_657 = tpu.memref_squeeze %gather3A_656 : memref<1x64x128xf32, #tpu.memory_space<vmem>> -> memref<64x128xf32, #tpu.memory_space<vmem>>
      %gather3A_658 = tpu.vector_load_idx %gather3A_657[%add3A_652, %broadcast_in_dim3A_648] : memref<64x128xf32, #tpu.memory_space<vmem>>[vector<16xi32>, vector<16xi32>], vector<16xf32>,
      %add3A_659 = arith.constant 0 : i32
      %add3A_660 = vector.broadcast %add3A_659 : i32 to vector<16xi32>
      %add3A_661 = arith.addi %iota3A, %add3A_660 : vector<16xi32>
      %mul3A_662 = vector.broadcast %scan3A_154 : f32 to vector<16xf32>
      %mul3A_663 = arith.mulf %gather3A_658, %mul3A_662 : vector<16xf32>
      tpu.vector_store_idx %arg7[%add3A_661, %broadcast_in_dim3A_649], %mul3A_663 {add = true} : memref<64x256xf32, #tpu.memory_space<vmem>>[vector<16xi32>, vector<16xi32>], vector<16xf32>,
      %add3A_664 = arith.constant 16 : i32
      %add3A_665 = vector.broadcast %add3A_664 : i32 to vector<16xi32>
      %add3A_666 = arith.addi %iota3A, %add3A_665 : vector<16xi32>
      %gather3A_667 = arith.constant 5 : i32
      %gather3A_668 = arith.constant 0 : i32
      %gather3A_669 = arith.constant 0 : i32
      %gather3A_670 = tpu.memref_slice %arg8[%gather3A_667, %gather3A_668, %gather3A_669] : memref<8x64x128xf32, #tpu.memory_space<vmem>> -> memref<1x64x128xf32, #tpu.memory_space<vmem>>
      %gather3A_671 = tpu.memref_squeeze %gather3A_670 : memref<1x64x128xf32, #tpu.memory_space<vmem>> -> memref<64x128xf32, #tpu.memory_space<vmem>>
      %gather3A_672 = tpu.vector_load_idx %gather3A_671[%add3A_666, %broadcast_in_dim3A_648] : memref<64x128xf32, #tpu.memory_space<vmem>>[vector<16xi32>, vector<16xi32>], vector<16xf32>,
      %add3A_673 = arith.constant 16 : i32
      %add3A_674 = vector.broadcast %add3A_673 : i32 to vector<16xi32>
      %add3A_675 = arith.addi %iota3A, %add3A_674 : vector<16xi32>
      %mul3A_676 = vector.broadcast %scan3A_154 : f32 to vector<16xf32>
      %mul3A_677 = arith.mulf %gather3A_672, %mul3A_676 : vector<16xf32>
      tpu.vector_store_idx %arg7[%add3A_675, %broadcast_in_dim3A_649], %mul3A_677 {add = true} : memref<64x256xf32, #tpu.memory_space<vmem>>[vector<16xi32>, vector<16xi32>], vector<16xf32>,
      %add3A_678 = arith.constant 32 : i32
      %add3A_679 = vector.broadcast %add3A_678 : i32 to vector<16xi32>
      %add3A_680 = arith.addi %iota3A, %add3A_679 : vector<16xi32>
      %gather3A_681 = arith.constant 5 : i32
      %gather3A_682 = arith.constant 0 : i32
      %gather3A_683 = arith.constant 0 : i32
      %gather3A_684 = tpu.memref_slice %arg8[%gather3A_681, %gather3A_682, %gather3A_683] : memref<8x64x128xf32, #tpu.memory_space<vmem>> -> memref<1x64x128xf32, #tpu.memory_space<vmem>>
      %gather3A_685 = tpu.memref_squeeze %gather3A_684 : memref<1x64x128xf32, #tpu.memory_space<vmem>> -> memref<64x128xf32, #tpu.memory_space<vmem>>
      %gather3A_686 = tpu.vector_load_idx %gather3A_685[%add3A_680, %broadcast_in_dim3A_648] : memref<64x128xf32, #tpu.memory_space<vmem>>[vector<16xi32>, vector<16xi32>], vector<16xf32>,
      %add3A_687 = arith.constant 32 : i32
      %add3A_688 = vector.broadcast %add3A_687 : i32 to vector<16xi32>
      %add3A_689 = arith.addi %iota3A, %add3A_688 : vector<16xi32>
      %mul3A_690 = vector.broadcast %scan3A_154 : f32 to vector<16xf32>
      %mul3A_691 = arith.mulf %gather3A_686, %mul3A_690 : vector<16xf32>
      tpu.vector_store_idx %arg7[%add3A_689, %broadcast_in_dim3A_649], %mul3A_691 {add = true} : memref<64x256xf32, #tpu.memory_space<vmem>>[vector<16xi32>, vector<16xi32>], vector<16xf32>,
      %add3A_692 = arith.constant 48 : i32
      %add3A_693 = vector.broadcast %add3A_692 : i32 to vector<16xi32>
      %add3A_694 = arith.addi %iota3A, %add3A_693 : vector<16xi32>
      %gather3A_695 = arith.constant 5 : i32
      %gather3A_696 = arith.constant 0 : i32
      %gather3A_697 = arith.constant 0 : i32
      %gather3A_698 = tpu.memref_slice %arg8[%gather3A_695, %gather3A_696, %gather3A_697] : memref<8x64x128xf32, #tpu.memory_space<vmem>> -> memref<1x64x128xf32, #tpu.memory_space<vmem>>
      %gather3A_699 = tpu.memref_squeeze %gather3A_698 : memref<1x64x128xf32, #tpu.memory_space<vmem>> -> memref<64x128xf32, #tpu.memory_space<vmem>>
      %gather3A_700 = tpu.vector_load_idx %gather3A_699[%add3A_694, %broadcast_in_dim3A_648] : memref<64x128xf32, #tpu.memory_space<vmem>>[vector<16xi32>, vector<16xi32>], vector<16xf32>,
      %add3A_701 = arith.constant 48 : i32
      %add3A_702 = vector.broadcast %add3A_701 : i32 to vector<16xi32>
      %add3A_703 = arith.addi %iota3A, %add3A_702 : vector<16xi32>
      %mul3A_704 = vector.broadcast %scan3A_154 : f32 to vector<16xf32>
      %mul3A_705 = arith.mulf %gather3A_700, %mul3A_704 : vector<16xf32>
      tpu.vector_store_idx %arg7[%add3A_703, %broadcast_in_dim3A_649], %mul3A_705 {add = true} : memref<64x256xf32, #tpu.memory_space<vmem>>[vector<16xi32>, vector<16xi32>], vector<16xf32>,
      %add3A_706 = arith.constant 8 : i32
      %add3A_707 = arith.addi %add3A_628, %add3A_706 : i32
      %lt3A_708 = arith.constant 256 : i32
      %lt3A_709 = arith.cmpi slt, %add3A_707, %lt3A_708 : i32
      %convert_element_type3A_710 = arith.extui %lt3A_709 : i1 to i32
      %cond3A_711 = arith.constant 0 : i32
      %cond3A_712 = arith.cmpi ne, %convert_element_type3A_710, %cond3A_711 : i32
      scf.if %cond3A_712 {
        %slice3A_1593 = vector.extract_strided_slice %get3A_184 {offsets = [13], sizes = [1], strides = [1]} : vector<16xi32> to vector<1xi32>
        %squeeze3A_1594 = vector.extract %slice3A_1593[0] : i32 from vector<1xi32>
        %rem3A_1595 = arith.constant 128 : i32
        %rem3A_1596 = arith.remsi %squeeze3A_1594, %rem3A_1595 : i32
        %sub3A_1597 = arith.subi %squeeze3A_1594, %rem3A_1596 : i32
        %multiple_of3A_1598 = tpu.assume_multiple %sub3A_1597, 128 : i32
        %dma_start3A_1599 = arith.constant 5 : i32
        %dma_start3A_1600 = arith.constant 0 : i32
        %dma_start3A_1601 = arith.constant 0 : i32
        %dma_start3A_1602 = tpu.memref_slice %arg8[%dma_start3A_1599, %dma_start3A_1600, %dma_start3A_1601] : memref<8x64x128xf32, #tpu.memory_space<vmem>> -> memref<1x64x128xf32, #tpu.memory_space<vmem>>
        %dma_start3A_1603 = tpu.memref_squeeze %dma_start3A_1602 : memref<1x64x128xf32, #tpu.memory_space<vmem>> -> memref<64x128xf32, #tpu.memory_space<vmem>>
        %dma_start3A_1604 = arith.constant 0 : i32
        %dma_start3A_1605 = tpu.memref_slice %arg3[%dma_start3A_1604, %multiple_of3A_1598] : memref<64x1000000xf32, #tpu.memory_space<hbm>> -> memref<64x128xf32, #tpu.memory_space<hbm>>
        %dma_start3A_1606 = arith.constant 0 : i32
        %dma_start3A_1607 = arith.constant 0 : i32
        %dma_start3A_1608 = tpu.memref_slice %arg8[%dma_start3A_1599, %dma_start3A_1606, %dma_start3A_1607] : memref<8x64x128xf32, #tpu.memory_space<vmem>> -> memref<1x64x128xf32, #tpu.memory_space<vmem>>
        %dma_start3A_1609 = tpu.memref_squeeze %dma_start3A_1608 : memref<1x64x128xf32, #tpu.memory_space<vmem>> -> memref<64x128xf32, #tpu.memory_space<vmem>>
        %dma_start3A_1610 = arith.constant 0 : i32
        %dma_start3A_1611 = tpu.memref_slice %arg3[%dma_start3A_1610, %multiple_of3A_1598] : memref<64x1000000xf32, #tpu.memory_space<hbm>> -> memref<64x128xf32, #tpu.memory_space<hbm>>
        tpu.enqueue_dma source(%dma_start3A_1611 : memref<64x128xf32, #tpu.memory_space<hbm>>) target(%dma_start3A_1609 : memref<64x128xf32, #tpu.memory_space<vmem>>) target_semaphore(%arg14 : memref<!tpu.dma_semaphore, #tpu.memory_space<semaphore_mem>>)
      } else {
      }
      %mul3A_713 = arith.constant 16 : i32
      %mul3A_714 = arith.muli %scan3A_180, %mul3A_713 : i32
      %add3A_715 = arith.constant 6 : i32
      %add3A_716 = arith.addi %mul3A_714, %add3A_715 : i32
      %dma_wait3A_717 = arith.constant 6 : i32
      %dma_wait3A_718 = arith.constant 0 : i32
      %dma_wait3A_719 = arith.constant 0 : i32
      %dma_wait3A_720 = tpu.memref_slice %arg8[%dma_wait3A_717, %dma_wait3A_718, %dma_wait3A_719] : memref<8x64x128xf32, #tpu.memory_space<vmem>> -> memref<1x64x128xf32, #tpu.memory_space<vmem>>
      %dma_wait3A_721 = tpu.memref_squeeze %dma_wait3A_720 : memref<1x64x128xf32, #tpu.memory_space<vmem>> -> memref<64x128xf32, #tpu.memory_space<vmem>>
      %dma_wait3A_722 = arith.constant 0 : i32
      %dma_wait3A_723 = arith.constant 0 : i32
      %dma_wait3A_724 = tpu.memref_slice %arg3[%dma_wait3A_722, %dma_wait3A_723] : memref<64x1000000xf32, #tpu.memory_space<hbm>> -> memref<64x128xf32, #tpu.memory_space<hbm>>
      %dma_wait3A_725 = arith.constant 0 : i32
      %dma_wait3A_726 = arith.constant 0 : i32
      %dma_wait3A_727 = tpu.memref_slice %arg8[%dma_wait3A_717, %dma_wait3A_725, %dma_wait3A_726] : memref<8x64x128xf32, #tpu.memory_space<vmem>> -> memref<1x64x128xf32, #tpu.memory_space<vmem>>
      %dma_wait3A_728 = tpu.memref_squeeze %dma_wait3A_727 : memref<1x64x128xf32, #tpu.memory_space<vmem>> -> memref<64x128xf32, #tpu.memory_space<vmem>>
      %dma_wait3A_729 = arith.constant 0 : i32
      %dma_wait3A_730 = arith.constant 0 : i32
      %dma_wait3A_731 = tpu.memref_slice %arg3[%dma_wait3A_729, %dma_wait3A_730] : memref<64x1000000xf32, #tpu.memory_space<hbm>> -> memref<64x128xf32, #tpu.memory_space<hbm>>
      tpu.wait_dma2 semaphore(%arg15 : memref<!tpu.dma_semaphore, #tpu.memory_space<semaphore_mem>>) src(%dma_wait3A_731 : memref<64x128xf32, #tpu.memory_space<hbm>>) dst(%dma_wait3A_728 : memref<64x128xf32, #tpu.memory_space<vmem>>)
      %slice3A_732 = vector.extract_strided_slice %get3A_184 {offsets = [6], sizes = [1], strides = [1]} : vector<16xi32> to vector<1xi32>
      %squeeze3A_733 = vector.extract %slice3A_732[0] : i32 from vector<1xi32>
      %rem3A_734 = arith.constant 128 : i32
      %rem3A_735 = arith.remsi %squeeze3A_733, %rem3A_734 : i32
      %broadcast_in_dim3A_736 = vector.broadcast %rem3A_735 : i32 to vector<16xi32>
      %broadcast_in_dim3A_737 = vector.broadcast %add3A_716 : i32 to vector<16xi32>
      %add3A_738 = arith.constant 0 : i32
      %add3A_739 = vector.broadcast %add3A_738 : i32 to vector<16xi32>
      %add3A_740 = arith.addi %iota3A, %add3A_739 : vector<16xi32>
      %gather3A_741 = arith.constant 6 : i32
      %gather3A_742 = arith.constant 0 : i32
      %gather3A_743 = arith.constant 0 : i32
      %gather3A_744 = tpu.memref_slice %arg8[%gather3A_741, %gather3A_742, %gather3A_743] : memref<8x64x128xf32, #tpu.memory_space<vmem>> -> memref<1x64x128xf32, #tpu.memory_space<vmem>>
      %gather3A_745 = tpu.memref_squeeze %gather3A_744 : memref<1x64x128xf32, #tpu.memory_space<vmem>> -> memref<64x128xf32, #tpu.memory_space<vmem>>
      %gather3A_746 = tpu.vector_load_idx %gather3A_745[%add3A_740, %broadcast_in_dim3A_736] : memref<64x128xf32, #tpu.memory_space<vmem>>[vector<16xi32>, vector<16xi32>], vector<16xf32>,
      %add3A_747 = arith.constant 0 : i32
      %add3A_748 = vector.broadcast %add3A_747 : i32 to vector<16xi32>
      %add3A_749 = arith.addi %iota3A, %add3A_748 : vector<16xi32>
      %mul3A_750 = vector.broadcast %scan3A_154 : f32 to vector<16xf32>
      %mul3A_751 = arith.mulf %gather3A_746, %mul3A_750 : vector<16xf32>
      tpu.vector_store_idx %arg7[%add3A_749, %broadcast_in_dim3A_737], %mul3A_751 {add = true} : memref<64x256xf32, #tpu.memory_space<vmem>>[vector<16xi32>, vector<16xi32>], vector<16xf32>,
      %add3A_752 = arith.constant 16 : i32
      %add3A_753 = vector.broadcast %add3A_752 : i32 to vector<16xi32>
      %add3A_754 = arith.addi %iota3A, %add3A_753 : vector<16xi32>
      %gather3A_755 = arith.constant 6 : i32
      %gather3A_756 = arith.constant 0 : i32
      %gather3A_757 = arith.constant 0 : i32
      %gather3A_758 = tpu.memref_slice %arg8[%gather3A_755, %gather3A_756, %gather3A_757] : memref<8x64x128xf32, #tpu.memory_space<vmem>> -> memref<1x64x128xf32, #tpu.memory_space<vmem>>
      %gather3A_759 = tpu.memref_squeeze %gather3A_758 : memref<1x64x128xf32, #tpu.memory_space<vmem>> -> memref<64x128xf32, #tpu.memory_space<vmem>>
      %gather3A_760 = tpu.vector_load_idx %gather3A_759[%add3A_754, %broadcast_in_dim3A_736] : memref<64x128xf32, #tpu.memory_space<vmem>>[vector<16xi32>, vector<16xi32>], vector<16xf32>,
      %add3A_761 = arith.constant 16 : i32
      %add3A_762 = vector.broadcast %add3A_761 : i32 to vector<16xi32>
      %add3A_763 = arith.addi %iota3A, %add3A_762 : vector<16xi32>
      %mul3A_764 = vector.broadcast %scan3A_154 : f32 to vector<16xf32>
      %mul3A_765 = arith.mulf %gather3A_760, %mul3A_764 : vector<16xf32>
      tpu.vector_store_idx %arg7[%add3A_763, %broadcast_in_dim3A_737], %mul3A_765 {add = true} : memref<64x256xf32, #tpu.memory_space<vmem>>[vector<16xi32>, vector<16xi32>], vector<16xf32>,
      %add3A_766 = arith.constant 32 : i32
      %add3A_767 = vector.broadcast %add3A_766 : i32 to vector<16xi32>
      %add3A_768 = arith.addi %iota3A, %add3A_767 : vector<16xi32>
      %gather3A_769 = arith.constant 6 : i32
      %gather3A_770 = arith.constant 0 : i32
      %gather3A_771 = arith.constant 0 : i32
      %gather3A_772 = tpu.memref_slice %arg8[%gather3A_769, %gather3A_770, %gather3A_771] : memref<8x64x128xf32, #tpu.memory_space<vmem>> -> memref<1x64x128xf32, #tpu.memory_space<vmem>>
      %gather3A_773 = tpu.memref_squeeze %gather3A_772 : memref<1x64x128xf32, #tpu.memory_space<vmem>> -> memref<64x128xf32, #tpu.memory_space<vmem>>
      %gather3A_774 = tpu.vector_load_idx %gather3A_773[%add3A_768, %broadcast_in_dim3A_736] : memref<64x128xf32, #tpu.memory_space<vmem>>[vector<16xi32>, vector<16xi32>], vector<16xf32>,
      %add3A_775 = arith.constant 32 : i32
      %add3A_776 = vector.broadcast %add3A_775 : i32 to vector<16xi32>
      %add3A_777 = arith.addi %iota3A, %add3A_776 : vector<16xi32>
      %mul3A_778 = vector.broadcast %scan3A_154 : f32 to vector<16xf32>
      %mul3A_779 = arith.mulf %gather3A_774, %mul3A_778 : vector<16xf32>
      tpu.vector_store_idx %arg7[%add3A_777, %broadcast_in_dim3A_737], %mul3A_779 {add = true} : memref<64x256xf32, #tpu.memory_space<vmem>>[vector<16xi32>, vector<16xi32>], vector<16xf32>,
      %add3A_780 = arith.constant 48 : i32
      %add3A_781 = vector.broadcast %add3A_780 : i32 to vector<16xi32>
      %add3A_782 = arith.addi %iota3A, %add3A_781 : vector<16xi32>
      %gather3A_783 = arith.constant 6 : i32
      %gather3A_784 = arith.constant 0 : i32
      %gather3A_785 = arith.constant 0 : i32
      %gather3A_786 = tpu.memref_slice %arg8[%gather3A_783, %gather3A_784, %gather3A_785] : memref<8x64x128xf32, #tpu.memory_space<vmem>> -> memref<1x64x128xf32, #tpu.memory_space<vmem>>
      %gather3A_787 = tpu.memref_squeeze %gather3A_786 : memref<1x64x128xf32, #tpu.memory_space<vmem>> -> memref<64x128xf32, #tpu.memory_space<vmem>>
      %gather3A_788 = tpu.vector_load_idx %gather3A_787[%add3A_782, %broadcast_in_dim3A_736] : memref<64x128xf32, #tpu.memory_space<vmem>>[vector<16xi32>, vector<16xi32>], vector<16xf32>,
      %add3A_789 = arith.constant 48 : i32
      %add3A_790 = vector.broadcast %add3A_789 : i32 to vector<16xi32>
      %add3A_791 = arith.addi %iota3A, %add3A_790 : vector<16xi32>
      %mul3A_792 = vector.broadcast %scan3A_154 : f32 to vector<16xf32>
      %mul3A_793 = arith.mulf %gather3A_788, %mul3A_792 : vector<16xf32>
      tpu.vector_store_idx %arg7[%add3A_791, %broadcast_in_dim3A_737], %mul3A_793 {add = true} : memref<64x256xf32, #tpu.memory_space<vmem>>[vector<16xi32>, vector<16xi32>], vector<16xf32>,
      %add3A_794 = arith.constant 8 : i32
      %add3A_795 = arith.addi %add3A_716, %add3A_794 : i32
      %lt3A_796 = arith.constant 256 : i32
      %lt3A_797 = arith.cmpi slt, %add3A_795, %lt3A_796 : i32
      %convert_element_type3A_798 = arith.extui %lt3A_797 : i1 to i32
      %cond3A_799 = arith.constant 0 : i32
      %cond3A_800 = arith.cmpi ne, %convert_element_type3A_798, %cond3A_799 : i32
      scf.if %cond3A_800 {
        %slice3A_1593 = vector.extract_strided_slice %get3A_184 {offsets = [14], sizes = [1], strides = [1]} : vector<16xi32> to vector<1xi32>
        %squeeze3A_1594 = vector.extract %slice3A_1593[0] : i32 from vector<1xi32>
        %rem3A_1595 = arith.constant 128 : i32
        %rem3A_1596 = arith.remsi %squeeze3A_1594, %rem3A_1595 : i32
        %sub3A_1597 = arith.subi %squeeze3A_1594, %rem3A_1596 : i32
        %multiple_of3A_1598 = tpu.assume_multiple %sub3A_1597, 128 : i32
        %dma_start3A_1599 = arith.constant 6 : i32
        %dma_start3A_1600 = arith.constant 0 : i32
        %dma_start3A_1601 = arith.constant 0 : i32
        %dma_start3A_1602 = tpu.memref_slice %arg8[%dma_start3A_1599, %dma_start3A_1600, %dma_start3A_1601] : memref<8x64x128xf32, #tpu.memory_space<vmem>> -> memref<1x64x128xf32, #tpu.memory_space<vmem>>
        %dma_start3A_1603 = tpu.memref_squeeze %dma_start3A_1602 : memref<1x64x128xf32, #tpu.memory_space<vmem>> -> memref<64x128xf32, #tpu.memory_space<vmem>>
        %dma_start3A_1604 = arith.constant 0 : i32
        %dma_start3A_1605 = tpu.memref_slice %arg3[%dma_start3A_1604, %multiple_of3A_1598] : memref<64x1000000xf32, #tpu.memory_space<hbm>> -> memref<64x128xf32, #tpu.memory_space<hbm>>
        %dma_start3A_1606 = arith.constant 0 : i32
        %dma_start3A_1607 = arith.constant 0 : i32
        %dma_start3A_1608 = tpu.memref_slice %arg8[%dma_start3A_1599, %dma_start3A_1606, %dma_start3A_1607] : memref<8x64x128xf32, #tpu.memory_space<vmem>> -> memref<1x64x128xf32, #tpu.memory_space<vmem>>
        %dma_start3A_1609 = tpu.memref_squeeze %dma_start3A_1608 : memref<1x64x128xf32, #tpu.memory_space<vmem>> -> memref<64x128xf32, #tpu.memory_space<vmem>>
        %dma_start3A_1610 = arith.constant 0 : i32
        %dma_start3A_1611 = tpu.memref_slice %arg3[%dma_start3A_1610, %multiple_of3A_1598] : memref<64x1000000xf32, #tpu.memory_space<hbm>> -> memref<64x128xf32, #tpu.memory_space<hbm>>
        tpu.enqueue_dma source(%dma_start3A_1611 : memref<64x128xf32, #tpu.memory_space<hbm>>) target(%dma_start3A_1609 : memref<64x128xf32, #tpu.memory_space<vmem>>) target_semaphore(%arg15 : memref<!tpu.dma_semaphore, #tpu.memory_space<semaphore_mem>>)
      } else {
      }
      %mul3A_801 = arith.constant 16 : i32
      %mul3A_802 = arith.muli %scan3A_180, %mul3A_801 : i32
      %add3A_803 = arith.constant 7 : i32
      %add3A_804 = arith.addi %mul3A_802, %add3A_803 : i32
      %dma_wait3A_805 = arith.constant 7 : i32
      %dma_wait3A_806 = arith.constant 0 : i32
      %dma_wait3A_807 = arith.constant 0 : i32
      %dma_wait3A_808 = tpu.memref_slice %arg8[%dma_wait3A_805, %dma_wait3A_806, %dma_wait3A_807] : memref<8x64x128xf32, #tpu.memory_space<vmem>> -> memref<1x64x128xf32, #tpu.memory_space<vmem>>
      %dma_wait3A_809 = tpu.memref_squeeze %dma_wait3A_808 : memref<1x64x128xf32, #tpu.memory_space<vmem>> -> memref<64x128xf32, #tpu.memory_space<vmem>>
      %dma_wait3A_810 = arith.constant 0 : i32
      %dma_wait3A_811 = arith.constant 0 : i32
      %dma_wait3A_812 = tpu.memref_slice %arg3[%dma_wait3A_810, %dma_wait3A_811] : memref<64x1000000xf32, #tpu.memory_space<hbm>> -> memref<64x128xf32, #tpu.memory_space<hbm>>
      %dma_wait3A_813 = arith.constant 0 : i32
      %dma_wait3A_814 = arith.constant 0 : i32
      %dma_wait3A_815 = tpu.memref_slice %arg8[%dma_wait3A_805, %dma_wait3A_813, %dma_wait3A_814] : memref<8x64x128xf32, #tpu.memory_space<vmem>> -> memref<1x64x128xf32, #tpu.memory_space<vmem>>
      %dma_wait3A_816 = tpu.memref_squeeze %dma_wait3A_815 : memref<1x64x128xf32, #tpu.memory_space<vmem>> -> memref<64x128xf32, #tpu.memory_space<vmem>>
      %dma_wait3A_817 = arith.constant 0 : i32
      %dma_wait3A_818 = arith.constant 0 : i32
      %dma_wait3A_819 = tpu.memref_slice %arg3[%dma_wait3A_817, %dma_wait3A_818] : memref<64x1000000xf32, #tpu.memory_space<hbm>> -> memref<64x128xf32, #tpu.memory_space<hbm>>
      tpu.wait_dma2 semaphore(%arg16 : memref<!tpu.dma_semaphore, #tpu.memory_space<semaphore_mem>>) src(%dma_wait3A_819 : memref<64x128xf32, #tpu.memory_space<hbm>>) dst(%dma_wait3A_816 : memref<64x128xf32, #tpu.memory_space<vmem>>)
      %slice3A_820 = vector.extract_strided_slice %get3A_184 {offsets = [7], sizes = [1], strides = [1]} : vector<16xi32> to vector<1xi32>
      %squeeze3A_821 = vector.extract %slice3A_820[0] : i32 from vector<1xi32>
      %rem3A_822 = arith.constant 128 : i32
      %rem3A_823 = arith.remsi %squeeze3A_821, %rem3A_822 : i32
      %broadcast_in_dim3A_824 = vector.broadcast %rem3A_823 : i32 to vector<16xi32>
      %broadcast_in_dim3A_825 = vector.broadcast %add3A_804 : i32 to vector<16xi32>
      %add3A_826 = arith.constant 0 : i32
      %add3A_827 = vector.broadcast %add3A_826 : i32 to vector<16xi32>
      %add3A_828 = arith.addi %iota3A, %add3A_827 : vector<16xi32>
      %gather3A_829 = arith.constant 7 : i32
      %gather3A_830 = arith.constant 0 : i32
      %gather3A_831 = arith.constant 0 : i32
      %gather3A_832 = tpu.memref_slice %arg8[%gather3A_829, %gather3A_830, %gather3A_831] : memref<8x64x128xf32, #tpu.memory_space<vmem>> -> memref<1x64x128xf32, #tpu.memory_space<vmem>>
      %gather3A_833 = tpu.memref_squeeze %gather3A_832 : memref<1x64x128xf32, #tpu.memory_space<vmem>> -> memref<64x128xf32, #tpu.memory_space<vmem>>
      %gather3A_834 = tpu.vector_load_idx %gather3A_833[%add3A_828, %broadcast_in_dim3A_824] : memref<64x128xf32, #tpu.memory_space<vmem>>[vector<16xi32>, vector<16xi32>], vector<16xf32>,
      %add3A_835 = arith.constant 0 : i32
      %add3A_836 = vector.broadcast %add3A_835 : i32 to vector<16xi32>
      %add3A_837 = arith.addi %iota3A, %add3A_836 : vector<16xi32>
      %mul3A_838 = vector.broadcast %scan3A_154 : f32 to vector<16xf32>
      %mul3A_839 = arith.mulf %gather3A_834, %mul3A_838 : vector<16xf32>
      tpu.vector_store_idx %arg7[%add3A_837, %broadcast_in_dim3A_825], %mul3A_839 {add = true} : memref<64x256xf32, #tpu.memory_space<vmem>>[vector<16xi32>, vector<16xi32>], vector<16xf32>,
      %add3A_840 = arith.constant 16 : i32
      %add3A_841 = vector.broadcast %add3A_840 : i32 to vector<16xi32>
      %add3A_842 = arith.addi %iota3A, %add3A_841 : vector<16xi32>
      %gather3A_843 = arith.constant 7 : i32
      %gather3A_844 = arith.constant 0 : i32
      %gather3A_845 = arith.constant 0 : i32
      %gather3A_846 = tpu.memref_slice %arg8[%gather3A_843, %gather3A_844, %gather3A_845] : memref<8x64x128xf32, #tpu.memory_space<vmem>> -> memref<1x64x128xf32, #tpu.memory_space<vmem>>
      %gather3A_847 = tpu.memref_squeeze %gather3A_846 : memref<1x64x128xf32, #tpu.memory_space<vmem>> -> memref<64x128xf32, #tpu.memory_space<vmem>>
      %gather3A_848 = tpu.vector_load_idx %gather3A_847[%add3A_842, %broadcast_in_dim3A_824] : memref<64x128xf32, #tpu.memory_space<vmem>>[vector<16xi32>, vector<16xi32>], vector<16xf32>,
      %add3A_849 = arith.constant 16 : i32
      %add3A_850 = vector.broadcast %add3A_849 : i32 to vector<16xi32>
      %add3A_851 = arith.addi %iota3A, %add3A_850 : vector<16xi32>
      %mul3A_852 = vector.broadcast %scan3A_154 : f32 to vector<16xf32>
      %mul3A_853 = arith.mulf %gather3A_848, %mul3A_852 : vector<16xf32>
      tpu.vector_store_idx %arg7[%add3A_851, %broadcast_in_dim3A_825], %mul3A_853 {add = true} : memref<64x256xf32, #tpu.memory_space<vmem>>[vector<16xi32>, vector<16xi32>], vector<16xf32>,
      %add3A_854 = arith.constant 32 : i32
      %add3A_855 = vector.broadcast %add3A_854 : i32 to vector<16xi32>
      %add3A_856 = arith.addi %iota3A, %add3A_855 : vector<16xi32>
      %gather3A_857 = arith.constant 7 : i32
      %gather3A_858 = arith.constant 0 : i32
      %gather3A_859 = arith.constant 0 : i32
      %gather3A_860 = tpu.memref_slice %arg8[%gather3A_857, %gather3A_858, %gather3A_859] : memref<8x64x128xf32, #tpu.memory_space<vmem>> -> memref<1x64x128xf32, #tpu.memory_space<vmem>>
      %gather3A_861 = tpu.memref_squeeze %gather3A_860 : memref<1x64x128xf32, #tpu.memory_space<vmem>> -> memref<64x128xf32, #tpu.memory_space<vmem>>
      %gather3A_862 = tpu.vector_load_idx %gather3A_861[%add3A_856, %broadcast_in_dim3A_824] : memref<64x128xf32, #tpu.memory_space<vmem>>[vector<16xi32>, vector<16xi32>], vector<16xf32>,
      %add3A_863 = arith.constant 32 : i32
      %add3A_864 = vector.broadcast %add3A_863 : i32 to vector<16xi32>
      %add3A_865 = arith.addi %iota3A, %add3A_864 : vector<16xi32>
      %mul3A_866 = vector.broadcast %scan3A_154 : f32 to vector<16xf32>
      %mul3A_867 = arith.mulf %gather3A_862, %mul3A_866 : vector<16xf32>
      tpu.vector_store_idx %arg7[%add3A_865, %broadcast_in_dim3A_825], %mul3A_867 {add = true} : memref<64x256xf32, #tpu.memory_space<vmem>>[vector<16xi32>, vector<16xi32>], vector<16xf32>,
      %add3A_868 = arith.constant 48 : i32
      %add3A_869 = vector.broadcast %add3A_868 : i32 to vector<16xi32>
      %add3A_870 = arith.addi %iota3A, %add3A_869 : vector<16xi32>
      %gather3A_871 = arith.constant 7 : i32
      %gather3A_872 = arith.constant 0 : i32
      %gather3A_873 = arith.constant 0 : i32
      %gather3A_874 = tpu.memref_slice %arg8[%gather3A_871, %gather3A_872, %gather3A_873] : memref<8x64x128xf32, #tpu.memory_space<vmem>> -> memref<1x64x128xf32, #tpu.memory_space<vmem>>
      %gather3A_875 = tpu.memref_squeeze %gather3A_874 : memref<1x64x128xf32, #tpu.memory_space<vmem>> -> memref<64x128xf32, #tpu.memory_space<vmem>>
      %gather3A_876 = tpu.vector_load_idx %gather3A_875[%add3A_870, %broadcast_in_dim3A_824] : memref<64x128xf32, #tpu.memory_space<vmem>>[vector<16xi32>, vector<16xi32>], vector<16xf32>,
      %add3A_877 = arith.constant 48 : i32
      %add3A_878 = vector.broadcast %add3A_877 : i32 to vector<16xi32>
      %add3A_879 = arith.addi %iota3A, %add3A_878 : vector<16xi32>
      %mul3A_880 = vector.broadcast %scan3A_154 : f32 to vector<16xf32>
      %mul3A_881 = arith.mulf %gather3A_876, %mul3A_880 : vector<16xf32>
      tpu.vector_store_idx %arg7[%add3A_879, %broadcast_in_dim3A_825], %mul3A_881 {add = true} : memref<64x256xf32, #tpu.memory_space<vmem>>[vector<16xi32>, vector<16xi32>], vector<16xf32>,
      %add3A_882 = arith.constant 8 : i32
      %add3A_883 = arith.addi %add3A_804, %add3A_882 : i32
      %lt3A_884 = arith.constant 256 : i32
      %lt3A_885 = arith.cmpi slt, %add3A_883, %lt3A_884 : i32
      %convert_element_type3A_886 = arith.extui %lt3A_885 : i1 to i32
      %cond3A_887 = arith.constant 0 : i32
      %cond3A_888 = arith.cmpi ne, %convert_element_type3A_886, %cond3A_887 : i32
      scf.if %cond3A_888 {
        %slice3A_1593 = vector.extract_strided_slice %get3A_184 {offsets = [15], sizes = [1], strides = [1]} : vector<16xi32> to vector<1xi32>
        %squeeze3A_1594 = vector.extract %slice3A_1593[0] : i32 from vector<1xi32>
        %rem3A_1595 = arith.constant 128 : i32
        %rem3A_1596 = arith.remsi %squeeze3A_1594, %rem3A_1595 : i32
        %sub3A_1597 = arith.subi %squeeze3A_1594, %rem3A_1596 : i32
        %multiple_of3A_1598 = tpu.assume_multiple %sub3A_1597, 128 : i32
        %dma_start3A_1599 = arith.constant 7 : i32
        %dma_start3A_1600 = arith.constant 0 : i32
        %dma_start3A_1601 = arith.constant 0 : i32
        %dma_start3A_1602 = tpu.memref_slice %arg8[%dma_start3A_1599, %dma_start3A_1600, %dma_start3A_1601] : memref<8x64x128xf32, #tpu.memory_space<vmem>> -> memref<1x64x128xf32, #tpu.memory_space<vmem>>
        %dma_start3A_1603 = tpu.memref_squeeze %dma_start3A_1602 : memref<1x64x128xf32, #tpu.memory_space<vmem>> -> memref<64x128xf32, #tpu.memory_space<vmem>>
        %dma_start3A_1604 = arith.constant 0 : i32
        %dma_start3A_1605 = tpu.memref_slice %arg3[%dma_start3A_1604, %multiple_of3A_1598] : memref<64x1000000xf32, #tpu.memory_space<hbm>> -> memref<64x128xf32, #tpu.memory_space<hbm>>
        %dma_start3A_1606 = arith.constant 0 : i32
        %dma_start3A_1607 = arith.constant 0 : i32
        %dma_start3A_1608 = tpu.memref_slice %arg8[%dma_start3A_1599, %dma_start3A_1606, %dma_start3A_1607] : memref<8x64x128xf32, #tpu.memory_space<vmem>> -> memref<1x64x128xf32, #tpu.memory_space<vmem>>
        %dma_start3A_1609 = tpu.memref_squeeze %dma_start3A_1608 : memref<1x64x128xf32, #tpu.memory_space<vmem>> -> memref<64x128xf32, #tpu.memory_space<vmem>>
        %dma_start3A_1610 = arith.constant 0 : i32
        %dma_start3A_1611 = tpu.memref_slice %arg3[%dma_start3A_1610, %multiple_of3A_1598] : memref<64x1000000xf32, #tpu.memory_space<hbm>> -> memref<64x128xf32, #tpu.memory_space<hbm>>
        tpu.enqueue_dma source(%dma_start3A_1611 : memref<64x128xf32, #tpu.memory_space<hbm>>) target(%dma_start3A_1609 : memref<64x128xf32, #tpu.memory_space<vmem>>) target_semaphore(%arg16 : memref<!tpu.dma_semaphore, #tpu.memory_space<semaphore_mem>>)
      } else {
      }
      %mul3A_889 = arith.constant 16 : i32
      %mul3A_890 = arith.muli %scan3A_180, %mul3A_889 : i32
      %add3A_891 = arith.constant 8 : i32
      %add3A_892 = arith.addi %mul3A_890, %add3A_891 : i32
      %dma_wait3A_893 = arith.constant 0 : i32
      %dma_wait3A_894 = arith.constant 0 : i32
      %dma_wait3A_895 = arith.constant 0 : i32
      %dma_wait3A_896 = tpu.memref_slice %arg8[%dma_wait3A_893, %dma_wait3A_894, %dma_wait3A_895] : memref<8x64x128xf32, #tpu.memory_space<vmem>> -> memref<1x64x128xf32, #tpu.memory_space<vmem>>
      %dma_wait3A_897 = tpu.memref_squeeze %dma_wait3A_896 : memref<1x64x128xf32, #tpu.memory_space<vmem>> -> memref<64x128xf32, #tpu.memory_space<vmem>>
      %dma_wait3A_898 = arith.constant 0 : i32
      %dma_wait3A_899 = arith.constant 0 : i32
      %dma_wait3A_900 = tpu.memref_slice %arg3[%dma_wait3A_898, %dma_wait3A_899] : memref<64x1000000xf32, #tpu.memory_space<hbm>> -> memref<64x128xf32, #tpu.memory_space<hbm>>
      %dma_wait3A_901 = arith.constant 0 : i32
      %dma_wait3A_902 = arith.constant 0 : i32
      %dma_wait3A_903 = tpu.memref_slice %arg8[%dma_wait3A_893, %dma_wait3A_901, %dma_wait3A_902] : memref<8x64x128xf32, #tpu.memory_space<vmem>> -> memref<1x64x128xf32, #tpu.memory_space<vmem>>
      %dma_wait3A_904 = tpu.memref_squeeze %dma_wait3A_903 : memref<1x64x128xf32, #tpu.memory_space<vmem>> -> memref<64x128xf32, #tpu.memory_space<vmem>>
      %dma_wait3A_905 = arith.constant 0 : i32
      %dma_wait3A_906 = arith.constant 0 : i32
      %dma_wait3A_907 = tpu.memref_slice %arg3[%dma_wait3A_905, %dma_wait3A_906] : memref<64x1000000xf32, #tpu.memory_space<hbm>> -> memref<64x128xf32, #tpu.memory_space<hbm>>
      tpu.wait_dma2 semaphore(%arg9 : memref<!tpu.dma_semaphore, #tpu.memory_space<semaphore_mem>>) src(%dma_wait3A_907 : memref<64x128xf32, #tpu.memory_space<hbm>>) dst(%dma_wait3A_904 : memref<64x128xf32, #tpu.memory_space<vmem>>)
      %slice3A_908 = vector.extract_strided_slice %get3A_184 {offsets = [8], sizes = [1], strides = [1]} : vector<16xi32> to vector<1xi32>
      %squeeze3A_909 = vector.extract %slice3A_908[0] : i32 from vector<1xi32>
      %rem3A_910 = arith.constant 128 : i32
      %rem3A_911 = arith.remsi %squeeze3A_909, %rem3A_910 : i32
      %broadcast_in_dim3A_912 = vector.broadcast %rem3A_911 : i32 to vector<16xi32>
      %broadcast_in_dim3A_913 = vector.broadcast %add3A_892 : i32 to vector<16xi32>
      %add3A_914 = arith.constant 0 : i32
      %add3A_915 = vector.broadcast %add3A_914 : i32 to vector<16xi32>
      %add3A_916 = arith.addi %iota3A, %add3A_915 : vector<16xi32>
      %gather3A_917 = arith.constant 0 : i32
      %gather3A_918 = arith.constant 0 : i32
      %gather3A_919 = arith.constant 0 : i32
      %gather3A_920 = tpu.memref_slice %arg8[%gather3A_917, %gather3A_918, %gather3A_919] : memref<8x64x128xf32, #tpu.memory_space<vmem>> -> memref<1x64x128xf32, #tpu.memory_space<vmem>>
      %gather3A_921 = tpu.memref_squeeze %gather3A_920 : memref<1x64x128xf32, #tpu.memory_space<vmem>> -> memref<64x128xf32, #tpu.memory_space<vmem>>
      %gather3A_922 = tpu.vector_load_idx %gather3A_921[%add3A_916, %broadcast_in_dim3A_912] : memref<64x128xf32, #tpu.memory_space<vmem>>[vector<16xi32>, vector<16xi32>], vector<16xf32>,
      %add3A_923 = arith.constant 0 : i32
      %add3A_924 = vector.broadcast %add3A_923 : i32 to vector<16xi32>
      %add3A_925 = arith.addi %iota3A, %add3A_924 : vector<16xi32>
      %mul3A_926 = vector.broadcast %scan3A_154 : f32 to vector<16xf32>
      %mul3A_927 = arith.mulf %gather3A_922, %mul3A_926 : vector<16xf32>
      tpu.vector_store_idx %arg7[%add3A_925, %broadcast_in_dim3A_913], %mul3A_927 {add = true} : memref<64x256xf32, #tpu.memory_space<vmem>>[vector<16xi32>, vector<16xi32>], vector<16xf32>,
      %add3A_928 = arith.constant 16 : i32
      %add3A_929 = vector.broadcast %add3A_928 : i32 to vector<16xi32>
      %add3A_930 = arith.addi %iota3A, %add3A_929 : vector<16xi32>
      %gather3A_931 = arith.constant 0 : i32
      %gather3A_932 = arith.constant 0 : i32
      %gather3A_933 = arith.constant 0 : i32
      %gather3A_934 = tpu.memref_slice %arg8[%gather3A_931, %gather3A_932, %gather3A_933] : memref<8x64x128xf32, #tpu.memory_space<vmem>> -> memref<1x64x128xf32, #tpu.memory_space<vmem>>
      %gather3A_935 = tpu.memref_squeeze %gather3A_934 : memref<1x64x128xf32, #tpu.memory_space<vmem>> -> memref<64x128xf32, #tpu.memory_space<vmem>>
      %gather3A_936 = tpu.vector_load_idx %gather3A_935[%add3A_930, %broadcast_in_dim3A_912] : memref<64x128xf32, #tpu.memory_space<vmem>>[vector<16xi32>, vector<16xi32>], vector<16xf32>,
      %add3A_937 = arith.constant 16 : i32
      %add3A_938 = vector.broadcast %add3A_937 : i32 to vector<16xi32>
      %add3A_939 = arith.addi %iota3A, %add3A_938 : vector<16xi32>
      %mul3A_940 = vector.broadcast %scan3A_154 : f32 to vector<16xf32>
      %mul3A_941 = arith.mulf %gather3A_936, %mul3A_940 : vector<16xf32>
      tpu.vector_store_idx %arg7[%add3A_939, %broadcast_in_dim3A_913], %mul3A_941 {add = true} : memref<64x256xf32, #tpu.memory_space<vmem>>[vector<16xi32>, vector<16xi32>], vector<16xf32>,
      %add3A_942 = arith.constant 32 : i32
      %add3A_943 = vector.broadcast %add3A_942 : i32 to vector<16xi32>
      %add3A_944 = arith.addi %iota3A, %add3A_943 : vector<16xi32>
      %gather3A_945 = arith.constant 0 : i32
      %gather3A_946 = arith.constant 0 : i32
      %gather3A_947 = arith.constant 0 : i32
      %gather3A_948 = tpu.memref_slice %arg8[%gather3A_945, %gather3A_946, %gather3A_947] : memref<8x64x128xf32, #tpu.memory_space<vmem>> -> memref<1x64x128xf32, #tpu.memory_space<vmem>>
      %gather3A_949 = tpu.memref_squeeze %gather3A_948 : memref<1x64x128xf32, #tpu.memory_space<vmem>> -> memref<64x128xf32, #tpu.memory_space<vmem>>
      %gather3A_950 = tpu.vector_load_idx %gather3A_949[%add3A_944, %broadcast_in_dim3A_912] : memref<64x128xf32, #tpu.memory_space<vmem>>[vector<16xi32>, vector<16xi32>], vector<16xf32>,
      %add3A_951 = arith.constant 32 : i32
      %add3A_952 = vector.broadcast %add3A_951 : i32 to vector<16xi32>
      %add3A_953 = arith.addi %iota3A, %add3A_952 : vector<16xi32>
      %mul3A_954 = vector.broadcast %scan3A_154 : f32 to vector<16xf32>
      %mul3A_955 = arith.mulf %gather3A_950, %mul3A_954 : vector<16xf32>
      tpu.vector_store_idx %arg7[%add3A_953, %broadcast_in_dim3A_913], %mul3A_955 {add = true} : memref<64x256xf32, #tpu.memory_space<vmem>>[vector<16xi32>, vector<16xi32>], vector<16xf32>,
      %add3A_956 = arith.constant 48 : i32
      %add3A_957 = vector.broadcast %add3A_956 : i32 to vector<16xi32>
      %add3A_958 = arith.addi %iota3A, %add3A_957 : vector<16xi32>
      %gather3A_959 = arith.constant 0 : i32
      %gather3A_960 = arith.constant 0 : i32
      %gather3A_961 = arith.constant 0 : i32
      %gather3A_962 = tpu.memref_slice %arg8[%gather3A_959, %gather3A_960, %gather3A_961] : memref<8x64x128xf32, #tpu.memory_space<vmem>> -> memref<1x64x128xf32, #tpu.memory_space<vmem>>
      %gather3A_963 = tpu.memref_squeeze %gather3A_962 : memref<1x64x128xf32, #tpu.memory_space<vmem>> -> memref<64x128xf32, #tpu.memory_space<vmem>>
      %gather3A_964 = tpu.vector_load_idx %gather3A_963[%add3A_958, %broadcast_in_dim3A_912] : memref<64x128xf32, #tpu.memory_space<vmem>>[vector<16xi32>, vector<16xi32>], vector<16xf32>,
      %add3A_965 = arith.constant 48 : i32
      %add3A_966 = vector.broadcast %add3A_965 : i32 to vector<16xi32>
      %add3A_967 = arith.addi %iota3A, %add3A_966 : vector<16xi32>
      %mul3A_968 = vector.broadcast %scan3A_154 : f32 to vector<16xf32>
      %mul3A_969 = arith.mulf %gather3A_964, %mul3A_968 : vector<16xf32>
      tpu.vector_store_idx %arg7[%add3A_967, %broadcast_in_dim3A_913], %mul3A_969 {add = true} : memref<64x256xf32, #tpu.memory_space<vmem>>[vector<16xi32>, vector<16xi32>], vector<16xf32>,
      %add3A_970 = arith.constant 8 : i32
      %add3A_971 = arith.addi %add3A_892, %add3A_970 : i32
      %lt3A_972 = arith.constant 256 : i32
      %lt3A_973 = arith.cmpi slt, %add3A_971, %lt3A_972 : i32
      %convert_element_type3A_974 = arith.extui %lt3A_973 : i1 to i32
      %cond3A_975 = arith.constant 0 : i32
      %cond3A_976 = arith.cmpi ne, %convert_element_type3A_974, %cond3A_975 : i32
      scf.if %cond3A_976 {
        %slice3A_1593 = vector.extract_strided_slice %get3A_190 {offsets = [0], sizes = [1], strides = [1]} : vector<16xi32> to vector<1xi32>
        %squeeze3A_1594 = vector.extract %slice3A_1593[0] : i32 from vector<1xi32>
        %rem3A_1595 = arith.constant 128 : i32
        %rem3A_1596 = arith.remsi %squeeze3A_1594, %rem3A_1595 : i32
        %sub3A_1597 = arith.subi %squeeze3A_1594, %rem3A_1596 : i32
        %multiple_of3A_1598 = tpu.assume_multiple %sub3A_1597, 128 : i32
        %dma_start3A_1599 = arith.constant 0 : i32
        %dma_start3A_1600 = arith.constant 0 : i32
        %dma_start3A_1601 = arith.constant 0 : i32
        %dma_start3A_1602 = tpu.memref_slice %arg8[%dma_start3A_1599, %dma_start3A_1600, %dma_start3A_1601] : memref<8x64x128xf32, #tpu.memory_space<vmem>> -> memref<1x64x128xf32, #tpu.memory_space<vmem>>
        %dma_start3A_1603 = tpu.memref_squeeze %dma_start3A_1602 : memref<1x64x128xf32, #tpu.memory_space<vmem>> -> memref<64x128xf32, #tpu.memory_space<vmem>>
        %dma_start3A_1604 = arith.constant 0 : i32
        %dma_start3A_1605 = tpu.memref_slice %arg3[%dma_start3A_1604, %multiple_of3A_1598] : memref<64x1000000xf32, #tpu.memory_space<hbm>> -> memref<64x128xf32, #tpu.memory_space<hbm>>
        %dma_start3A_1606 = arith.constant 0 : i32
        %dma_start3A_1607 = arith.constant 0 : i32
        %dma_start3A_1608 = tpu.memref_slice %arg8[%dma_start3A_1599, %dma_start3A_1606, %dma_start3A_1607] : memref<8x64x128xf32, #tpu.memory_space<vmem>> -> memref<1x64x128xf32, #tpu.memory_space<vmem>>
        %dma_start3A_1609 = tpu.memref_squeeze %dma_start3A_1608 : memref<1x64x128xf32, #tpu.memory_space<vmem>> -> memref<64x128xf32, #tpu.memory_space<vmem>>
        %dma_start3A_1610 = arith.constant 0 : i32
        %dma_start3A_1611 = tpu.memref_slice %arg3[%dma_start3A_1610, %multiple_of3A_1598] : memref<64x1000000xf32, #tpu.memory_space<hbm>> -> memref<64x128xf32, #tpu.memory_space<hbm>>
        tpu.enqueue_dma source(%dma_start3A_1611 : memref<64x128xf32, #tpu.memory_space<hbm>>) target(%dma_start3A_1609 : memref<64x128xf32, #tpu.memory_space<vmem>>) target_semaphore(%arg9 : memref<!tpu.dma_semaphore, #tpu.memory_space<semaphore_mem>>)
      } else {
      }
      %mul3A_977 = arith.constant 16 : i32
      %mul3A_978 = arith.muli %scan3A_180, %mul3A_977 : i32
      %add3A_979 = arith.constant 9 : i32
      %add3A_980 = arith.addi %mul3A_978, %add3A_979 : i32
      %dma_wait3A_981 = arith.constant 1 : i32
      %dma_wait3A_982 = arith.constant 0 : i32
      %dma_wait3A_983 = arith.constant 0 : i32
      %dma_wait3A_984 = tpu.memref_slice %arg8[%dma_wait3A_981, %dma_wait3A_982, %dma_wait3A_983] : memref<8x64x128xf32, #tpu.memory_space<vmem>> -> memref<1x64x128xf32, #tpu.memory_space<vmem>>
      %dma_wait3A_985 = tpu.memref_squeeze %dma_wait3A_984 : memref<1x64x128xf32, #tpu.memory_space<vmem>> -> memref<64x128xf32, #tpu.memory_space<vmem>>
      %dma_wait3A_986 = arith.constant 0 : i32
      %dma_wait3A_987 = arith.constant 0 : i32
      %dma_wait3A_988 = tpu.memref_slice %arg3[%dma_wait3A_986, %dma_wait3A_987] : memref<64x1000000xf32, #tpu.memory_space<hbm>> -> memref<64x128xf32, #tpu.memory_space<hbm>>
      %dma_wait3A_989 = arith.constant 0 : i32
      %dma_wait3A_990 = arith.constant 0 : i32
      %dma_wait3A_991 = tpu.memref_slice %arg8[%dma_wait3A_981, %dma_wait3A_989, %dma_wait3A_990] : memref<8x64x128xf32, #tpu.memory_space<vmem>> -> memref<1x64x128xf32, #tpu.memory_space<vmem>>
      %dma_wait3A_992 = tpu.memref_squeeze %dma_wait3A_991 : memref<1x64x128xf32, #tpu.memory_space<vmem>> -> memref<64x128xf32, #tpu.memory_space<vmem>>
      %dma_wait3A_993 = arith.constant 0 : i32
      %dma_wait3A_994 = arith.constant 0 : i32
      %dma_wait3A_995 = tpu.memref_slice %arg3[%dma_wait3A_993, %dma_wait3A_994] : memref<64x1000000xf32, #tpu.memory_space<hbm>> -> memref<64x128xf32, #tpu.memory_space<hbm>>
      tpu.wait_dma2 semaphore(%arg10 : memref<!tpu.dma_semaphore, #tpu.memory_space<semaphore_mem>>) src(%dma_wait3A_995 : memref<64x128xf32, #tpu.memory_space<hbm>>) dst(%dma_wait3A_992 : memref<64x128xf32, #tpu.memory_space<vmem>>)
      %slice3A_996 = vector.extract_strided_slice %get3A_184 {offsets = [9], sizes = [1], strides = [1]} : vector<16xi32> to vector<1xi32>
      %squeeze3A_997 = vector.extract %slice3A_996[0] : i32 from vector<1xi32>
      %rem3A_998 = arith.constant 128 : i32
      %rem3A_999 = arith.remsi %squeeze3A_997, %rem3A_998 : i32
      %broadcast_in_dim3A_1000 = vector.broadcast %rem3A_999 : i32 to vector<16xi32>
      %broadcast_in_dim3A_1001 = vector.broadcast %add3A_980 : i32 to vector<16xi32>
      %add3A_1002 = arith.constant 0 : i32
      %add3A_1003 = vector.broadcast %add3A_1002 : i32 to vector<16xi32>
      %add3A_1004 = arith.addi %iota3A, %add3A_1003 : vector<16xi32>
      %gather3A_1005 = arith.constant 1 : i32
      %gather3A_1006 = arith.constant 0 : i32
      %gather3A_1007 = arith.constant 0 : i32
      %gather3A_1008 = tpu.memref_slice %arg8[%gather3A_1005, %gather3A_1006, %gather3A_1007] : memref<8x64x128xf32, #tpu.memory_space<vmem>> -> memref<1x64x128xf32, #tpu.memory_space<vmem>>
      %gather3A_1009 = tpu.memref_squeeze %gather3A_1008 : memref<1x64x128xf32, #tpu.memory_space<vmem>> -> memref<64x128xf32, #tpu.memory_space<vmem>>
      %gather3A_1010 = tpu.vector_load_idx %gather3A_1009[%add3A_1004, %broadcast_in_dim3A_1000] : memref<64x128xf32, #tpu.memory_space<vmem>>[vector<16xi32>, vector<16xi32>], vector<16xf32>,
      %add3A_1011 = arith.constant 0 : i32
      %add3A_1012 = vector.broadcast %add3A_1011 : i32 to vector<16xi32>
      %add3A_1013 = arith.addi %iota3A, %add3A_1012 : vector<16xi32>
      %mul3A_1014 = vector.broadcast %scan3A_154 : f32 to vector<16xf32>
      %mul3A_1015 = arith.mulf %gather3A_1010, %mul3A_1014 : vector<16xf32>
      tpu.vector_store_idx %arg7[%add3A_1013, %broadcast_in_dim3A_1001], %mul3A_1015 {add = true} : memref<64x256xf32, #tpu.memory_space<vmem>>[vector<16xi32>, vector<16xi32>], vector<16xf32>,
      %add3A_1016 = arith.constant 16 : i32
      %add3A_1017 = vector.broadcast %add3A_1016 : i32 to vector<16xi32>
      %add3A_1018 = arith.addi %iota3A, %add3A_1017 : vector<16xi32>
      %gather3A_1019 = arith.constant 1 : i32
      %gather3A_1020 = arith.constant 0 : i32
      %gather3A_1021 = arith.constant 0 : i32
      %gather3A_1022 = tpu.memref_slice %arg8[%gather3A_1019, %gather3A_1020, %gather3A_1021] : memref<8x64x128xf32, #tpu.memory_space<vmem>> -> memref<1x64x128xf32, #tpu.memory_space<vmem>>
      %gather3A_1023 = tpu.memref_squeeze %gather3A_1022 : memref<1x64x128xf32, #tpu.memory_space<vmem>> -> memref<64x128xf32, #tpu.memory_space<vmem>>
      %gather3A_1024 = tpu.vector_load_idx %gather3A_1023[%add3A_1018, %broadcast_in_dim3A_1000] : memref<64x128xf32, #tpu.memory_space<vmem>>[vector<16xi32>, vector<16xi32>], vector<16xf32>,
      %add3A_1025 = arith.constant 16 : i32
      %add3A_1026 = vector.broadcast %add3A_1025 : i32 to vector<16xi32>
      %add3A_1027 = arith.addi %iota3A, %add3A_1026 : vector<16xi32>
      %mul3A_1028 = vector.broadcast %scan3A_154 : f32 to vector<16xf32>
      %mul3A_1029 = arith.mulf %gather3A_1024, %mul3A_1028 : vector<16xf32>
      tpu.vector_store_idx %arg7[%add3A_1027, %broadcast_in_dim3A_1001], %mul3A_1029 {add = true} : memref<64x256xf32, #tpu.memory_space<vmem>>[vector<16xi32>, vector<16xi32>], vector<16xf32>,
      %add3A_1030 = arith.constant 32 : i32
      %add3A_1031 = vector.broadcast %add3A_1030 : i32 to vector<16xi32>
      %add3A_1032 = arith.addi %iota3A, %add3A_1031 : vector<16xi32>
      %gather3A_1033 = arith.constant 1 : i32
      %gather3A_1034 = arith.constant 0 : i32
      %gather3A_1035 = arith.constant 0 : i32
      %gather3A_1036 = tpu.memref_slice %arg8[%gather3A_1033, %gather3A_1034, %gather3A_1035] : memref<8x64x128xf32, #tpu.memory_space<vmem>> -> memref<1x64x128xf32, #tpu.memory_space<vmem>>
      %gather3A_1037 = tpu.memref_squeeze %gather3A_1036 : memref<1x64x128xf32, #tpu.memory_space<vmem>> -> memref<64x128xf32, #tpu.memory_space<vmem>>
      %gather3A_1038 = tpu.vector_load_idx %gather3A_1037[%add3A_1032, %broadcast_in_dim3A_1000] : memref<64x128xf32, #tpu.memory_space<vmem>>[vector<16xi32>, vector<16xi32>], vector<16xf32>,
      %add3A_1039 = arith.constant 32 : i32
      %add3A_1040 = vector.broadcast %add3A_1039 : i32 to vector<16xi32>
      %add3A_1041 = arith.addi %iota3A, %add3A_1040 : vector<16xi32>
      %mul3A_1042 = vector.broadcast %scan3A_154 : f32 to vector<16xf32>
      %mul3A_1043 = arith.mulf %gather3A_1038, %mul3A_1042 : vector<16xf32>
      tpu.vector_store_idx %arg7[%add3A_1041, %broadcast_in_dim3A_1001], %mul3A_1043 {add = true} : memref<64x256xf32, #tpu.memory_space<vmem>>[vector<16xi32>, vector<16xi32>], vector<16xf32>,
      %add3A_1044 = arith.constant 48 : i32
      %add3A_1045 = vector.broadcast %add3A_1044 : i32 to vector<16xi32>
      %add3A_1046 = arith.addi %iota3A, %add3A_1045 : vector<16xi32>
      %gather3A_1047 = arith.constant 1 : i32
      %gather3A_1048 = arith.constant 0 : i32
      %gather3A_1049 = arith.constant 0 : i32
      %gather3A_1050 = tpu.memref_slice %arg8[%gather3A_1047, %gather3A_1048, %gather3A_1049] : memref<8x64x128xf32, #tpu.memory_space<vmem>> -> memref<1x64x128xf32, #tpu.memory_space<vmem>>
      %gather3A_1051 = tpu.memref_squeeze %gather3A_1050 : memref<1x64x128xf32, #tpu.memory_space<vmem>> -> memref<64x128xf32, #tpu.memory_space<vmem>>
      %gather3A_1052 = tpu.vector_load_idx %gather3A_1051[%add3A_1046, %broadcast_in_dim3A_1000] : memref<64x128xf32, #tpu.memory_space<vmem>>[vector<16xi32>, vector<16xi32>], vector<16xf32>,
      %add3A_1053 = arith.constant 48 : i32
      %add3A_1054 = vector.broadcast %add3A_1053 : i32 to vector<16xi32>
      %add3A_1055 = arith.addi %iota3A, %add3A_1054 : vector<16xi32>
      %mul3A_1056 = vector.broadcast %scan3A_154 : f32 to vector<16xf32>
      %mul3A_1057 = arith.mulf %gather3A_1052, %mul3A_1056 : vector<16xf32>
      tpu.vector_store_idx %arg7[%add3A_1055, %broadcast_in_dim3A_1001], %mul3A_1057 {add = true} : memref<64x256xf32, #tpu.memory_space<vmem>>[vector<16xi32>, vector<16xi32>], vector<16xf32>,
      %add3A_1058 = arith.constant 8 : i32
      %add3A_1059 = arith.addi %add3A_980, %add3A_1058 : i32
      %lt3A_1060 = arith.constant 256 : i32
      %lt3A_1061 = arith.cmpi slt, %add3A_1059, %lt3A_1060 : i32
      %convert_element_type3A_1062 = arith.extui %lt3A_1061 : i1 to i32
      %cond3A_1063 = arith.constant 0 : i32
      %cond3A_1064 = arith.cmpi ne, %convert_element_type3A_1062, %cond3A_1063 : i32
      scf.if %cond3A_1064 {
        %slice3A_1593 = vector.extract_strided_slice %get3A_190 {offsets = [1], sizes = [1], strides = [1]} : vector<16xi32> to vector<1xi32>
        %squeeze3A_1594 = vector.extract %slice3A_1593[0] : i32 from vector<1xi32>
        %rem3A_1595 = arith.constant 128 : i32
        %rem3A_1596 = arith.remsi %squeeze3A_1594, %rem3A_1595 : i32
        %sub3A_1597 = arith.subi %squeeze3A_1594, %rem3A_1596 : i32
        %multiple_of3A_1598 = tpu.assume_multiple %sub3A_1597, 128 : i32
        %dma_start3A_1599 = arith.constant 1 : i32
        %dma_start3A_1600 = arith.constant 0 : i32
        %dma_start3A_1601 = arith.constant 0 : i32
        %dma_start3A_1602 = tpu.memref_slice %arg8[%dma_start3A_1599, %dma_start3A_1600, %dma_start3A_1601] : memref<8x64x128xf32, #tpu.memory_space<vmem>> -> memref<1x64x128xf32, #tpu.memory_space<vmem>>
        %dma_start3A_1603 = tpu.memref_squeeze %dma_start3A_1602 : memref<1x64x128xf32, #tpu.memory_space<vmem>> -> memref<64x128xf32, #tpu.memory_space<vmem>>
        %dma_start3A_1604 = arith.constant 0 : i32
        %dma_start3A_1605 = tpu.memref_slice %arg3[%dma_start3A_1604, %multiple_of3A_1598] : memref<64x1000000xf32, #tpu.memory_space<hbm>> -> memref<64x128xf32, #tpu.memory_space<hbm>>
        %dma_start3A_1606 = arith.constant 0 : i32
        %dma_start3A_1607 = arith.constant 0 : i32
        %dma_start3A_1608 = tpu.memref_slice %arg8[%dma_start3A_1599, %dma_start3A_1606, %dma_start3A_1607] : memref<8x64x128xf32, #tpu.memory_space<vmem>> -> memref<1x64x128xf32, #tpu.memory_space<vmem>>
        %dma_start3A_1609 = tpu.memref_squeeze %dma_start3A_1608 : memref<1x64x128xf32, #tpu.memory_space<vmem>> -> memref<64x128xf32, #tpu.memory_space<vmem>>
        %dma_start3A_1610 = arith.constant 0 : i32
        %dma_start3A_1611 = tpu.memref_slice %arg3[%dma_start3A_1610, %multiple_of3A_1598] : memref<64x1000000xf32, #tpu.memory_space<hbm>> -> memref<64x128xf32, #tpu.memory_space<hbm>>
        tpu.enqueue_dma source(%dma_start3A_1611 : memref<64x128xf32, #tpu.memory_space<hbm>>) target(%dma_start3A_1609 : memref<64x128xf32, #tpu.memory_space<vmem>>) target_semaphore(%arg10 : memref<!tpu.dma_semaphore, #tpu.memory_space<semaphore_mem>>)
      } else {
      }
      %mul3A_1065 = arith.constant 16 : i32
      %mul3A_1066 = arith.muli %scan3A_180, %mul3A_1065 : i32
      %add3A_1067 = arith.constant 10 : i32
      %add3A_1068 = arith.addi %mul3A_1066, %add3A_1067 : i32
      %dma_wait3A_1069 = arith.constant 2 : i32
      %dma_wait3A_1070 = arith.constant 0 : i32
      %dma_wait3A_1071 = arith.constant 0 : i32
      %dma_wait3A_1072 = tpu.memref_slice %arg8[%dma_wait3A_1069, %dma_wait3A_1070, %dma_wait3A_1071] : memref<8x64x128xf32, #tpu.memory_space<vmem>> -> memref<1x64x128xf32, #tpu.memory_space<vmem>>
      %dma_wait3A_1073 = tpu.memref_squeeze %dma_wait3A_1072 : memref<1x64x128xf32, #tpu.memory_space<vmem>> -> memref<64x128xf32, #tpu.memory_space<vmem>>
      %dma_wait3A_1074 = arith.constant 0 : i32
      %dma_wait3A_1075 = arith.constant 0 : i32
      %dma_wait3A_1076 = tpu.memref_slice %arg3[%dma_wait3A_1074, %dma_wait3A_1075] : memref<64x1000000xf32, #tpu.memory_space<hbm>> -> memref<64x128xf32, #tpu.memory_space<hbm>>
      %dma_wait3A_1077 = arith.constant 0 : i32
      %dma_wait3A_1078 = arith.constant 0 : i32
      %dma_wait3A_1079 = tpu.memref_slice %arg8[%dma_wait3A_1069, %dma_wait3A_1077, %dma_wait3A_1078] : memref<8x64x128xf32, #tpu.memory_space<vmem>> -> memref<1x64x128xf32, #tpu.memory_space<vmem>>
      %dma_wait3A_1080 = tpu.memref_squeeze %dma_wait3A_1079 : memref<1x64x128xf32, #tpu.memory_space<vmem>> -> memref<64x128xf32, #tpu.memory_space<vmem>>
      %dma_wait3A_1081 = arith.constant 0 : i32
      %dma_wait3A_1082 = arith.constant 0 : i32
      %dma_wait3A_1083 = tpu.memref_slice %arg3[%dma_wait3A_1081, %dma_wait3A_1082] : memref<64x1000000xf32, #tpu.memory_space<hbm>> -> memref<64x128xf32, #tpu.memory_space<hbm>>
      tpu.wait_dma2 semaphore(%arg11 : memref<!tpu.dma_semaphore, #tpu.memory_space<semaphore_mem>>) src(%dma_wait3A_1083 : memref<64x128xf32, #tpu.memory_space<hbm>>) dst(%dma_wait3A_1080 : memref<64x128xf32, #tpu.memory_space<vmem>>)
      %slice3A_1084 = vector.extract_strided_slice %get3A_184 {offsets = [10], sizes = [1], strides = [1]} : vector<16xi32> to vector<1xi32>
      %squeeze3A_1085 = vector.extract %slice3A_1084[0] : i32 from vector<1xi32>
      %rem3A_1086 = arith.constant 128 : i32
      %rem3A_1087 = arith.remsi %squeeze3A_1085, %rem3A_1086 : i32
      %broadcast_in_dim3A_1088 = vector.broadcast %rem3A_1087 : i32 to vector<16xi32>
      %broadcast_in_dim3A_1089 = vector.broadcast %add3A_1068 : i32 to vector<16xi32>
      %add3A_1090 = arith.constant 0 : i32
      %add3A_1091 = vector.broadcast %add3A_1090 : i32 to vector<16xi32>
      %add3A_1092 = arith.addi %iota3A, %add3A_1091 : vector<16xi32>
      %gather3A_1093 = arith.constant 2 : i32
      %gather3A_1094 = arith.constant 0 : i32
      %gather3A_1095 = arith.constant 0 : i32
      %gather3A_1096 = tpu.memref_slice %arg8[%gather3A_1093, %gather3A_1094, %gather3A_1095] : memref<8x64x128xf32, #tpu.memory_space<vmem>> -> memref<1x64x128xf32, #tpu.memory_space<vmem>>
      %gather3A_1097 = tpu.memref_squeeze %gather3A_1096 : memref<1x64x128xf32, #tpu.memory_space<vmem>> -> memref<64x128xf32, #tpu.memory_space<vmem>>
      %gather3A_1098 = tpu.vector_load_idx %gather3A_1097[%add3A_1092, %broadcast_in_dim3A_1088] : memref<64x128xf32, #tpu.memory_space<vmem>>[vector<16xi32>, vector<16xi32>], vector<16xf32>,
      %add3A_1099 = arith.constant 0 : i32
      %add3A_1100 = vector.broadcast %add3A_1099 : i32 to vector<16xi32>
      %add3A_1101 = arith.addi %iota3A, %add3A_1100 : vector<16xi32>
      %mul3A_1102 = vector.broadcast %scan3A_154 : f32 to vector<16xf32>
      %mul3A_1103 = arith.mulf %gather3A_1098, %mul3A_1102 : vector<16xf32>
      tpu.vector_store_idx %arg7[%add3A_1101, %broadcast_in_dim3A_1089], %mul3A_1103 {add = true} : memref<64x256xf32, #tpu.memory_space<vmem>>[vector<16xi32>, vector<16xi32>], vector<16xf32>,
      %add3A_1104 = arith.constant 16 : i32
      %add3A_1105 = vector.broadcast %add3A_1104 : i32 to vector<16xi32>
      %add3A_1106 = arith.addi %iota3A, %add3A_1105 : vector<16xi32>
      %gather3A_1107 = arith.constant 2 : i32
      %gather3A_1108 = arith.constant 0 : i32
      %gather3A_1109 = arith.constant 0 : i32
      %gather3A_1110 = tpu.memref_slice %arg8[%gather3A_1107, %gather3A_1108, %gather3A_1109] : memref<8x64x128xf32, #tpu.memory_space<vmem>> -> memref<1x64x128xf32, #tpu.memory_space<vmem>>
      %gather3A_1111 = tpu.memref_squeeze %gather3A_1110 : memref<1x64x128xf32, #tpu.memory_space<vmem>> -> memref<64x128xf32, #tpu.memory_space<vmem>>
      %gather3A_1112 = tpu.vector_load_idx %gather3A_1111[%add3A_1106, %broadcast_in_dim3A_1088] : memref<64x128xf32, #tpu.memory_space<vmem>>[vector<16xi32>, vector<16xi32>], vector<16xf32>,
      %add3A_1113 = arith.constant 16 : i32
      %add3A_1114 = vector.broadcast %add3A_1113 : i32 to vector<16xi32>
      %add3A_1115 = arith.addi %iota3A, %add3A_1114 : vector<16xi32>
      %mul3A_1116 = vector.broadcast %scan3A_154 : f32 to vector<16xf32>
      %mul3A_1117 = arith.mulf %gather3A_1112, %mul3A_1116 : vector<16xf32>
      tpu.vector_store_idx %arg7[%add3A_1115, %broadcast_in_dim3A_1089], %mul3A_1117 {add = true} : memref<64x256xf32, #tpu.memory_space<vmem>>[vector<16xi32>, vector<16xi32>], vector<16xf32>,
      %add3A_1118 = arith.constant 32 : i32
      %add3A_1119 = vector.broadcast %add3A_1118 : i32 to vector<16xi32>
      %add3A_1120 = arith.addi %iota3A, %add3A_1119 : vector<16xi32>
      %gather3A_1121 = arith.constant 2 : i32
      %gather3A_1122 = arith.constant 0 : i32
      %gather3A_1123 = arith.constant 0 : i32
      %gather3A_1124 = tpu.memref_slice %arg8[%gather3A_1121, %gather3A_1122, %gather3A_1123] : memref<8x64x128xf32, #tpu.memory_space<vmem>> -> memref<1x64x128xf32, #tpu.memory_space<vmem>>
      %gather3A_1125 = tpu.memref_squeeze %gather3A_1124 : memref<1x64x128xf32, #tpu.memory_space<vmem>> -> memref<64x128xf32, #tpu.memory_space<vmem>>
      %gather3A_1126 = tpu.vector_load_idx %gather3A_1125[%add3A_1120, %broadcast_in_dim3A_1088] : memref<64x128xf32, #tpu.memory_space<vmem>>[vector<16xi32>, vector<16xi32>], vector<16xf32>,
      %add3A_1127 = arith.constant 32 : i32
      %add3A_1128 = vector.broadcast %add3A_1127 : i32 to vector<16xi32>
      %add3A_1129 = arith.addi %iota3A, %add3A_1128 : vector<16xi32>
      %mul3A_1130 = vector.broadcast %scan3A_154 : f32 to vector<16xf32>
      %mul3A_1131 = arith.mulf %gather3A_1126, %mul3A_1130 : vector<16xf32>
      tpu.vector_store_idx %arg7[%add3A_1129, %broadcast_in_dim3A_1089], %mul3A_1131 {add = true} : memref<64x256xf32, #tpu.memory_space<vmem>>[vector<16xi32>, vector<16xi32>], vector<16xf32>,
      %add3A_1132 = arith.constant 48 : i32
      %add3A_1133 = vector.broadcast %add3A_1132 : i32 to vector<16xi32>
      %add3A_1134 = arith.addi %iota3A, %add3A_1133 : vector<16xi32>
      %gather3A_1135 = arith.constant 2 : i32
      %gather3A_1136 = arith.constant 0 : i32
      %gather3A_1137 = arith.constant 0 : i32
      %gather3A_1138 = tpu.memref_slice %arg8[%gather3A_1135, %gather3A_1136, %gather3A_1137] : memref<8x64x128xf32, #tpu.memory_space<vmem>> -> memref<1x64x128xf32, #tpu.memory_space<vmem>>
      %gather3A_1139 = tpu.memref_squeeze %gather3A_1138 : memref<1x64x128xf32, #tpu.memory_space<vmem>> -> memref<64x128xf32, #tpu.memory_space<vmem>>
      %gather3A_1140 = tpu.vector_load_idx %gather3A_1139[%add3A_1134, %broadcast_in_dim3A_1088] : memref<64x128xf32, #tpu.memory_space<vmem>>[vector<16xi32>, vector<16xi32>], vector<16xf32>,
      %add3A_1141 = arith.constant 48 : i32
      %add3A_1142 = vector.broadcast %add3A_1141 : i32 to vector<16xi32>
      %add3A_1143 = arith.addi %iota3A, %add3A_1142 : vector<16xi32>
      %mul3A_1144 = vector.broadcast %scan3A_154 : f32 to vector<16xf32>
      %mul3A_1145 = arith.mulf %gather3A_1140, %mul3A_1144 : vector<16xf32>
      tpu.vector_store_idx %arg7[%add3A_1143, %broadcast_in_dim3A_1089], %mul3A_1145 {add = true} : memref<64x256xf32, #tpu.memory_space<vmem>>[vector<16xi32>, vector<16xi32>], vector<16xf32>,
      %add3A_1146 = arith.constant 8 : i32
      %add3A_1147 = arith.addi %add3A_1068, %add3A_1146 : i32
      %lt3A_1148 = arith.constant 256 : i32
      %lt3A_1149 = arith.cmpi slt, %add3A_1147, %lt3A_1148 : i32
      %convert_element_type3A_1150 = arith.extui %lt3A_1149 : i1 to i32
      %cond3A_1151 = arith.constant 0 : i32
      %cond3A_1152 = arith.cmpi ne, %convert_element_type3A_1150, %cond3A_1151 : i32
      scf.if %cond3A_1152 {
        %slice3A_1593 = vector.extract_strided_slice %get3A_190 {offsets = [2], sizes = [1], strides = [1]} : vector<16xi32> to vector<1xi32>
        %squeeze3A_1594 = vector.extract %slice3A_1593[0] : i32 from vector<1xi32>
        %rem3A_1595 = arith.constant 128 : i32
        %rem3A_1596 = arith.remsi %squeeze3A_1594, %rem3A_1595 : i32
        %sub3A_1597 = arith.subi %squeeze3A_1594, %rem3A_1596 : i32
        %multiple_of3A_1598 = tpu.assume_multiple %sub3A_1597, 128 : i32
        %dma_start3A_1599 = arith.constant 2 : i32
        %dma_start3A_1600 = arith.constant 0 : i32
        %dma_start3A_1601 = arith.constant 0 : i32
        %dma_start3A_1602 = tpu.memref_slice %arg8[%dma_start3A_1599, %dma_start3A_1600, %dma_start3A_1601] : memref<8x64x128xf32, #tpu.memory_space<vmem>> -> memref<1x64x128xf32, #tpu.memory_space<vmem>>
        %dma_start3A_1603 = tpu.memref_squeeze %dma_start3A_1602 : memref<1x64x128xf32, #tpu.memory_space<vmem>> -> memref<64x128xf32, #tpu.memory_space<vmem>>
        %dma_start3A_1604 = arith.constant 0 : i32
        %dma_start3A_1605 = tpu.memref_slice %arg3[%dma_start3A_1604, %multiple_of3A_1598] : memref<64x1000000xf32, #tpu.memory_space<hbm>> -> memref<64x128xf32, #tpu.memory_space<hbm>>
        %dma_start3A_1606 = arith.constant 0 : i32
        %dma_start3A_1607 = arith.constant 0 : i32
        %dma_start3A_1608 = tpu.memref_slice %arg8[%dma_start3A_1599, %dma_start3A_1606, %dma_start3A_1607] : memref<8x64x128xf32, #tpu.memory_space<vmem>> -> memref<1x64x128xf32, #tpu.memory_space<vmem>>
        %dma_start3A_1609 = tpu.memref_squeeze %dma_start3A_1608 : memref<1x64x128xf32, #tpu.memory_space<vmem>> -> memref<64x128xf32, #tpu.memory_space<vmem>>
        %dma_start3A_1610 = arith.constant 0 : i32
        %dma_start3A_1611 = tpu.memref_slice %arg3[%dma_start3A_1610, %multiple_of3A_1598] : memref<64x1000000xf32, #tpu.memory_space<hbm>> -> memref<64x128xf32, #tpu.memory_space<hbm>>
        tpu.enqueue_dma source(%dma_start3A_1611 : memref<64x128xf32, #tpu.memory_space<hbm>>) target(%dma_start3A_1609 : memref<64x128xf32, #tpu.memory_space<vmem>>) target_semaphore(%arg11 : memref<!tpu.dma_semaphore, #tpu.memory_space<semaphore_mem>>)
      } else {
      }
      %mul3A_1153 = arith.constant 16 : i32
      %mul3A_1154 = arith.muli %scan3A_180, %mul3A_1153 : i32
      %add3A_1155 = arith.constant 11 : i32
      %add3A_1156 = arith.addi %mul3A_1154, %add3A_1155 : i32
      %dma_wait3A_1157 = arith.constant 3 : i32
      %dma_wait3A_1158 = arith.constant 0 : i32
      %dma_wait3A_1159 = arith.constant 0 : i32
      %dma_wait3A_1160 = tpu.memref_slice %arg8[%dma_wait3A_1157, %dma_wait3A_1158, %dma_wait3A_1159] : memref<8x64x128xf32, #tpu.memory_space<vmem>> -> memref<1x64x128xf32, #tpu.memory_space<vmem>>
      %dma_wait3A_1161 = tpu.memref_squeeze %dma_wait3A_1160 : memref<1x64x128xf32, #tpu.memory_space<vmem>> -> memref<64x128xf32, #tpu.memory_space<vmem>>
      %dma_wait3A_1162 = arith.constant 0 : i32
      %dma_wait3A_1163 = arith.constant 0 : i32
      %dma_wait3A_1164 = tpu.memref_slice %arg3[%dma_wait3A_1162, %dma_wait3A_1163] : memref<64x1000000xf32, #tpu.memory_space<hbm>> -> memref<64x128xf32, #tpu.memory_space<hbm>>
      %dma_wait3A_1165 = arith.constant 0 : i32
      %dma_wait3A_1166 = arith.constant 0 : i32
      %dma_wait3A_1167 = tpu.memref_slice %arg8[%dma_wait3A_1157, %dma_wait3A_1165, %dma_wait3A_1166] : memref<8x64x128xf32, #tpu.memory_space<vmem>> -> memref<1x64x128xf32, #tpu.memory_space<vmem>>
      %dma_wait3A_1168 = tpu.memref_squeeze %dma_wait3A_1167 : memref<1x64x128xf32, #tpu.memory_space<vmem>> -> memref<64x128xf32, #tpu.memory_space<vmem>>
      %dma_wait3A_1169 = arith.constant 0 : i32
      %dma_wait3A_1170 = arith.constant 0 : i32
      %dma_wait3A_1171 = tpu.memref_slice %arg3[%dma_wait3A_1169, %dma_wait3A_1170] : memref<64x1000000xf32, #tpu.memory_space<hbm>> -> memref<64x128xf32, #tpu.memory_space<hbm>>
      tpu.wait_dma2 semaphore(%arg12 : memref<!tpu.dma_semaphore, #tpu.memory_space<semaphore_mem>>) src(%dma_wait3A_1171 : memref<64x128xf32, #tpu.memory_space<hbm>>) dst(%dma_wait3A_1168 : memref<64x128xf32, #tpu.memory_space<vmem>>)
      %slice3A_1172 = vector.extract_strided_slice %get3A_184 {offsets = [11], sizes = [1], strides = [1]} : vector<16xi32> to vector<1xi32>
      %squeeze3A_1173 = vector.extract %slice3A_1172[0] : i32 from vector<1xi32>
      %rem3A_1174 = arith.constant 128 : i32
      %rem3A_1175 = arith.remsi %squeeze3A_1173, %rem3A_1174 : i32
      %broadcast_in_dim3A_1176 = vector.broadcast %rem3A_1175 : i32 to vector<16xi32>
      %broadcast_in_dim3A_1177 = vector.broadcast %add3A_1156 : i32 to vector<16xi32>
      %add3A_1178 = arith.constant 0 : i32
      %add3A_1179 = vector.broadcast %add3A_1178 : i32 to vector<16xi32>
      %add3A_1180 = arith.addi %iota3A, %add3A_1179 : vector<16xi32>
      %gather3A_1181 = arith.constant 3 : i32
      %gather3A_1182 = arith.constant 0 : i32
      %gather3A_1183 = arith.constant 0 : i32
      %gather3A_1184 = tpu.memref_slice %arg8[%gather3A_1181, %gather3A_1182, %gather3A_1183] : memref<8x64x128xf32, #tpu.memory_space<vmem>> -> memref<1x64x128xf32, #tpu.memory_space<vmem>>
      %gather3A_1185 = tpu.memref_squeeze %gather3A_1184 : memref<1x64x128xf32, #tpu.memory_space<vmem>> -> memref<64x128xf32, #tpu.memory_space<vmem>>
      %gather3A_1186 = tpu.vector_load_idx %gather3A_1185[%add3A_1180, %broadcast_in_dim3A_1176] : memref<64x128xf32, #tpu.memory_space<vmem>>[vector<16xi32>, vector<16xi32>], vector<16xf32>,
      %add3A_1187 = arith.constant 0 : i32
      %add3A_1188 = vector.broadcast %add3A_1187 : i32 to vector<16xi32>
      %add3A_1189 = arith.addi %iota3A, %add3A_1188 : vector<16xi32>
      %mul3A_1190 = vector.broadcast %scan3A_154 : f32 to vector<16xf32>
      %mul3A_1191 = arith.mulf %gather3A_1186, %mul3A_1190 : vector<16xf32>
      tpu.vector_store_idx %arg7[%add3A_1189, %broadcast_in_dim3A_1177], %mul3A_1191 {add = true} : memref<64x256xf32, #tpu.memory_space<vmem>>[vector<16xi32>, vector<16xi32>], vector<16xf32>,
      %add3A_1192 = arith.constant 16 : i32
      %add3A_1193 = vector.broadcast %add3A_1192 : i32 to vector<16xi32>
      %add3A_1194 = arith.addi %iota3A, %add3A_1193 : vector<16xi32>
      %gather3A_1195 = arith.constant 3 : i32
      %gather3A_1196 = arith.constant 0 : i32
      %gather3A_1197 = arith.constant 0 : i32
      %gather3A_1198 = tpu.memref_slice %arg8[%gather3A_1195, %gather3A_1196, %gather3A_1197] : memref<8x64x128xf32, #tpu.memory_space<vmem>> -> memref<1x64x128xf32, #tpu.memory_space<vmem>>
      %gather3A_1199 = tpu.memref_squeeze %gather3A_1198 : memref<1x64x128xf32, #tpu.memory_space<vmem>> -> memref<64x128xf32, #tpu.memory_space<vmem>>
      %gather3A_1200 = tpu.vector_load_idx %gather3A_1199[%add3A_1194, %broadcast_in_dim3A_1176] : memref<64x128xf32, #tpu.memory_space<vmem>>[vector<16xi32>, vector<16xi32>], vector<16xf32>,
      %add3A_1201 = arith.constant 16 : i32
      %add3A_1202 = vector.broadcast %add3A_1201 : i32 to vector<16xi32>
      %add3A_1203 = arith.addi %iota3A, %add3A_1202 : vector<16xi32>
      %mul3A_1204 = vector.broadcast %scan3A_154 : f32 to vector<16xf32>
      %mul3A_1205 = arith.mulf %gather3A_1200, %mul3A_1204 : vector<16xf32>
      tpu.vector_store_idx %arg7[%add3A_1203, %broadcast_in_dim3A_1177], %mul3A_1205 {add = true} : memref<64x256xf32, #tpu.memory_space<vmem>>[vector<16xi32>, vector<16xi32>], vector<16xf32>,
      %add3A_1206 = arith.constant 32 : i32
      %add3A_1207 = vector.broadcast %add3A_1206 : i32 to vector<16xi32>
      %add3A_1208 = arith.addi %iota3A, %add3A_1207 : vector<16xi32>
      %gather3A_1209 = arith.constant 3 : i32
      %gather3A_1210 = arith.constant 0 : i32
      %gather3A_1211 = arith.constant 0 : i32
      %gather3A_1212 = tpu.memref_slice %arg8[%gather3A_1209, %gather3A_1210, %gather3A_1211] : memref<8x64x128xf32, #tpu.memory_space<vmem>> -> memref<1x64x128xf32, #tpu.memory_space<vmem>>
      %gather3A_1213 = tpu.memref_squeeze %gather3A_1212 : memref<1x64x128xf32, #tpu.memory_space<vmem>> -> memref<64x128xf32, #tpu.memory_space<vmem>>
      %gather3A_1214 = tpu.vector_load_idx %gather3A_1213[%add3A_1208, %broadcast_in_dim3A_1176] : memref<64x128xf32, #tpu.memory_space<vmem>>[vector<16xi32>, vector<16xi32>], vector<16xf32>,
      %add3A_1215 = arith.constant 32 : i32
      %add3A_1216 = vector.broadcast %add3A_1215 : i32 to vector<16xi32>
      %add3A_1217 = arith.addi %iota3A, %add3A_1216 : vector<16xi32>
      %mul3A_1218 = vector.broadcast %scan3A_154 : f32 to vector<16xf32>
      %mul3A_1219 = arith.mulf %gather3A_1214, %mul3A_1218 : vector<16xf32>
      tpu.vector_store_idx %arg7[%add3A_1217, %broadcast_in_dim3A_1177], %mul3A_1219 {add = true} : memref<64x256xf32, #tpu.memory_space<vmem>>[vector<16xi32>, vector<16xi32>], vector<16xf32>,
      %add3A_1220 = arith.constant 48 : i32
      %add3A_1221 = vector.broadcast %add3A_1220 : i32 to vector<16xi32>
      %add3A_1222 = arith.addi %iota3A, %add3A_1221 : vector<16xi32>
      %gather3A_1223 = arith.constant 3 : i32
      %gather3A_1224 = arith.constant 0 : i32
      %gather3A_1225 = arith.constant 0 : i32
      %gather3A_1226 = tpu.memref_slice %arg8[%gather3A_1223, %gather3A_1224, %gather3A_1225] : memref<8x64x128xf32, #tpu.memory_space<vmem>> -> memref<1x64x128xf32, #tpu.memory_space<vmem>>
      %gather3A_1227 = tpu.memref_squeeze %gather3A_1226 : memref<1x64x128xf32, #tpu.memory_space<vmem>> -> memref<64x128xf32, #tpu.memory_space<vmem>>
      %gather3A_1228 = tpu.vector_load_idx %gather3A_1227[%add3A_1222, %broadcast_in_dim3A_1176] : memref<64x128xf32, #tpu.memory_space<vmem>>[vector<16xi32>, vector<16xi32>], vector<16xf32>,
      %add3A_1229 = arith.constant 48 : i32
      %add3A_1230 = vector.broadcast %add3A_1229 : i32 to vector<16xi32>
      %add3A_1231 = arith.addi %iota3A, %add3A_1230 : vector<16xi32>
      %mul3A_1232 = vector.broadcast %scan3A_154 : f32 to vector<16xf32>
      %mul3A_1233 = arith.mulf %gather3A_1228, %mul3A_1232 : vector<16xf32>
      tpu.vector_store_idx %arg7[%add3A_1231, %broadcast_in_dim3A_1177], %mul3A_1233 {add = true} : memref<64x256xf32, #tpu.memory_space<vmem>>[vector<16xi32>, vector<16xi32>], vector<16xf32>,
      %add3A_1234 = arith.constant 8 : i32
      %add3A_1235 = arith.addi %add3A_1156, %add3A_1234 : i32
      %lt3A_1236 = arith.constant 256 : i32
      %lt3A_1237 = arith.cmpi slt, %add3A_1235, %lt3A_1236 : i32
      %convert_element_type3A_1238 = arith.extui %lt3A_1237 : i1 to i32
      %cond3A_1239 = arith.constant 0 : i32
      %cond3A_1240 = arith.cmpi ne, %convert_element_type3A_1238, %cond3A_1239 : i32
      scf.if %cond3A_1240 {
        %slice3A_1593 = vector.extract_strided_slice %get3A_190 {offsets = [3], sizes = [1], strides = [1]} : vector<16xi32> to vector<1xi32>
        %squeeze3A_1594 = vector.extract %slice3A_1593[0] : i32 from vector<1xi32>
        %rem3A_1595 = arith.constant 128 : i32
        %rem3A_1596 = arith.remsi %squeeze3A_1594, %rem3A_1595 : i32
        %sub3A_1597 = arith.subi %squeeze3A_1594, %rem3A_1596 : i32
        %multiple_of3A_1598 = tpu.assume_multiple %sub3A_1597, 128 : i32
        %dma_start3A_1599 = arith.constant 3 : i32
        %dma_start3A_1600 = arith.constant 0 : i32
        %dma_start3A_1601 = arith.constant 0 : i32
        %dma_start3A_1602 = tpu.memref_slice %arg8[%dma_start3A_1599, %dma_start3A_1600, %dma_start3A_1601] : memref<8x64x128xf32, #tpu.memory_space<vmem>> -> memref<1x64x128xf32, #tpu.memory_space<vmem>>
        %dma_start3A_1603 = tpu.memref_squeeze %dma_start3A_1602 : memref<1x64x128xf32, #tpu.memory_space<vmem>> -> memref<64x128xf32, #tpu.memory_space<vmem>>
        %dma_start3A_1604 = arith.constant 0 : i32
        %dma_start3A_1605 = tpu.memref_slice %arg3[%dma_start3A_1604, %multiple_of3A_1598] : memref<64x1000000xf32, #tpu.memory_space<hbm>> -> memref<64x128xf32, #tpu.memory_space<hbm>>
        %dma_start3A_1606 = arith.constant 0 : i32
        %dma_start3A_1607 = arith.constant 0 : i32
        %dma_start3A_1608 = tpu.memref_slice %arg8[%dma_start3A_1599, %dma_start3A_1606, %dma_start3A_1607] : memref<8x64x128xf32, #tpu.memory_space<vmem>> -> memref<1x64x128xf32, #tpu.memory_space<vmem>>
        %dma_start3A_1609 = tpu.memref_squeeze %dma_start3A_1608 : memref<1x64x128xf32, #tpu.memory_space<vmem>> -> memref<64x128xf32, #tpu.memory_space<vmem>>
        %dma_start3A_1610 = arith.constant 0 : i32
        %dma_start3A_1611 = tpu.memref_slice %arg3[%dma_start3A_1610, %multiple_of3A_1598] : memref<64x1000000xf32, #tpu.memory_space<hbm>> -> memref<64x128xf32, #tpu.memory_space<hbm>>
        tpu.enqueue_dma source(%dma_start3A_1611 : memref<64x128xf32, #tpu.memory_space<hbm>>) target(%dma_start3A_1609 : memref<64x128xf32, #tpu.memory_space<vmem>>) target_semaphore(%arg12 : memref<!tpu.dma_semaphore, #tpu.memory_space<semaphore_mem>>)
      } else {
      }
      %mul3A_1241 = arith.constant 16 : i32
      %mul3A_1242 = arith.muli %scan3A_180, %mul3A_1241 : i32
      %add3A_1243 = arith.constant 12 : i32
      %add3A_1244 = arith.addi %mul3A_1242, %add3A_1243 : i32
      %dma_wait3A_1245 = arith.constant 4 : i32
      %dma_wait3A_1246 = arith.constant 0 : i32
      %dma_wait3A_1247 = arith.constant 0 : i32
      %dma_wait3A_1248 = tpu.memref_slice %arg8[%dma_wait3A_1245, %dma_wait3A_1246, %dma_wait3A_1247] : memref<8x64x128xf32, #tpu.memory_space<vmem>> -> memref<1x64x128xf32, #tpu.memory_space<vmem>>
      %dma_wait3A_1249 = tpu.memref_squeeze %dma_wait3A_1248 : memref<1x64x128xf32, #tpu.memory_space<vmem>> -> memref<64x128xf32, #tpu.memory_space<vmem>>
      %dma_wait3A_1250 = arith.constant 0 : i32
      %dma_wait3A_1251 = arith.constant 0 : i32
      %dma_wait3A_1252 = tpu.memref_slice %arg3[%dma_wait3A_1250, %dma_wait3A_1251] : memref<64x1000000xf32, #tpu.memory_space<hbm>> -> memref<64x128xf32, #tpu.memory_space<hbm>>
      %dma_wait3A_1253 = arith.constant 0 : i32
      %dma_wait3A_1254 = arith.constant 0 : i32
      %dma_wait3A_1255 = tpu.memref_slice %arg8[%dma_wait3A_1245, %dma_wait3A_1253, %dma_wait3A_1254] : memref<8x64x128xf32, #tpu.memory_space<vmem>> -> memref<1x64x128xf32, #tpu.memory_space<vmem>>
      %dma_wait3A_1256 = tpu.memref_squeeze %dma_wait3A_1255 : memref<1x64x128xf32, #tpu.memory_space<vmem>> -> memref<64x128xf32, #tpu.memory_space<vmem>>
      %dma_wait3A_1257 = arith.constant 0 : i32
      %dma_wait3A_1258 = arith.constant 0 : i32
      %dma_wait3A_1259 = tpu.memref_slice %arg3[%dma_wait3A_1257, %dma_wait3A_1258] : memref<64x1000000xf32, #tpu.memory_space<hbm>> -> memref<64x128xf32, #tpu.memory_space<hbm>>
      tpu.wait_dma2 semaphore(%arg13 : memref<!tpu.dma_semaphore, #tpu.memory_space<semaphore_mem>>) src(%dma_wait3A_1259 : memref<64x128xf32, #tpu.memory_space<hbm>>) dst(%dma_wait3A_1256 : memref<64x128xf32, #tpu.memory_space<vmem>>)
      %slice3A_1260 = vector.extract_strided_slice %get3A_184 {offsets = [12], sizes = [1], strides = [1]} : vector<16xi32> to vector<1xi32>
      %squeeze3A_1261 = vector.extract %slice3A_1260[0] : i32 from vector<1xi32>
      %rem3A_1262 = arith.constant 128 : i32
      %rem3A_1263 = arith.remsi %squeeze3A_1261, %rem3A_1262 : i32
      %broadcast_in_dim3A_1264 = vector.broadcast %rem3A_1263 : i32 to vector<16xi32>
      %broadcast_in_dim3A_1265 = vector.broadcast %add3A_1244 : i32 to vector<16xi32>
      %add3A_1266 = arith.constant 0 : i32
      %add3A_1267 = vector.broadcast %add3A_1266 : i32 to vector<16xi32>
      %add3A_1268 = arith.addi %iota3A, %add3A_1267 : vector<16xi32>
      %gather3A_1269 = arith.constant 4 : i32
      %gather3A_1270 = arith.constant 0 : i32
      %gather3A_1271 = arith.constant 0 : i32
      %gather3A_1272 = tpu.memref_slice %arg8[%gather3A_1269, %gather3A_1270, %gather3A_1271] : memref<8x64x128xf32, #tpu.memory_space<vmem>> -> memref<1x64x128xf32, #tpu.memory_space<vmem>>
      %gather3A_1273 = tpu.memref_squeeze %gather3A_1272 : memref<1x64x128xf32, #tpu.memory_space<vmem>> -> memref<64x128xf32, #tpu.memory_space<vmem>>
      %gather3A_1274 = tpu.vector_load_idx %gather3A_1273[%add3A_1268, %broadcast_in_dim3A_1264] : memref<64x128xf32, #tpu.memory_space<vmem>>[vector<16xi32>, vector<16xi32>], vector<16xf32>,
      %add3A_1275 = arith.constant 0 : i32
      %add3A_1276 = vector.broadcast %add3A_1275 : i32 to vector<16xi32>
      %add3A_1277 = arith.addi %iota3A, %add3A_1276 : vector<16xi32>
      %mul3A_1278 = vector.broadcast %scan3A_154 : f32 to vector<16xf32>
      %mul3A_1279 = arith.mulf %gather3A_1274, %mul3A_1278 : vector<16xf32>
      tpu.vector_store_idx %arg7[%add3A_1277, %broadcast_in_dim3A_1265], %mul3A_1279 {add = true} : memref<64x256xf32, #tpu.memory_space<vmem>>[vector<16xi32>, vector<16xi32>], vector<16xf32>,
      %add3A_1280 = arith.constant 16 : i32
      %add3A_1281 = vector.broadcast %add3A_1280 : i32 to vector<16xi32>
      %add3A_1282 = arith.addi %iota3A, %add3A_1281 : vector<16xi32>
      %gather3A_1283 = arith.constant 4 : i32
      %gather3A_1284 = arith.constant 0 : i32
      %gather3A_1285 = arith.constant 0 : i32
      %gather3A_1286 = tpu.memref_slice %arg8[%gather3A_1283, %gather3A_1284, %gather3A_1285] : memref<8x64x128xf32, #tpu.memory_space<vmem>> -> memref<1x64x128xf32, #tpu.memory_space<vmem>>
      %gather3A_1287 = tpu.memref_squeeze %gather3A_1286 : memref<1x64x128xf32, #tpu.memory_space<vmem>> -> memref<64x128xf32, #tpu.memory_space<vmem>>
      %gather3A_1288 = tpu.vector_load_idx %gather3A_1287[%add3A_1282, %broadcast_in_dim3A_1264] : memref<64x128xf32, #tpu.memory_space<vmem>>[vector<16xi32>, vector<16xi32>], vector<16xf32>,
      %add3A_1289 = arith.constant 16 : i32
      %add3A_1290 = vector.broadcast %add3A_1289 : i32 to vector<16xi32>
      %add3A_1291 = arith.addi %iota3A, %add3A_1290 : vector<16xi32>
      %mul3A_1292 = vector.broadcast %scan3A_154 : f32 to vector<16xf32>
      %mul3A_1293 = arith.mulf %gather3A_1288, %mul3A_1292 : vector<16xf32>
      tpu.vector_store_idx %arg7[%add3A_1291, %broadcast_in_dim3A_1265], %mul3A_1293 {add = true} : memref<64x256xf32, #tpu.memory_space<vmem>>[vector<16xi32>, vector<16xi32>], vector<16xf32>,
      %add3A_1294 = arith.constant 32 : i32
      %add3A_1295 = vector.broadcast %add3A_1294 : i32 to vector<16xi32>
      %add3A_1296 = arith.addi %iota3A, %add3A_1295 : vector<16xi32>
      %gather3A_1297 = arith.constant 4 : i32
      %gather3A_1298 = arith.constant 0 : i32
      %gather3A_1299 = arith.constant 0 : i32
      %gather3A_1300 = tpu.memref_slice %arg8[%gather3A_1297, %gather3A_1298, %gather3A_1299] : memref<8x64x128xf32, #tpu.memory_space<vmem>> -> memref<1x64x128xf32, #tpu.memory_space<vmem>>
      %gather3A_1301 = tpu.memref_squeeze %gather3A_1300 : memref<1x64x128xf32, #tpu.memory_space<vmem>> -> memref<64x128xf32, #tpu.memory_space<vmem>>
      %gather3A_1302 = tpu.vector_load_idx %gather3A_1301[%add3A_1296, %broadcast_in_dim3A_1264] : memref<64x128xf32, #tpu.memory_space<vmem>>[vector<16xi32>, vector<16xi32>], vector<16xf32>,
      %add3A_1303 = arith.constant 32 : i32
      %add3A_1304 = vector.broadcast %add3A_1303 : i32 to vector<16xi32>
      %add3A_1305 = arith.addi %iota3A, %add3A_1304 : vector<16xi32>
      %mul3A_1306 = vector.broadcast %scan3A_154 : f32 to vector<16xf32>
      %mul3A_1307 = arith.mulf %gather3A_1302, %mul3A_1306 : vector<16xf32>
      tpu.vector_store_idx %arg7[%add3A_1305, %broadcast_in_dim3A_1265], %mul3A_1307 {add = true} : memref<64x256xf32, #tpu.memory_space<vmem>>[vector<16xi32>, vector<16xi32>], vector<16xf32>,
      %add3A_1308 = arith.constant 48 : i32
      %add3A_1309 = vector.broadcast %add3A_1308 : i32 to vector<16xi32>
      %add3A_1310 = arith.addi %iota3A, %add3A_1309 : vector<16xi32>
      %gather3A_1311 = arith.constant 4 : i32
      %gather3A_1312 = arith.constant 0 : i32
      %gather3A_1313 = arith.constant 0 : i32
      %gather3A_1314 = tpu.memref_slice %arg8[%gather3A_1311, %gather3A_1312, %gather3A_1313] : memref<8x64x128xf32, #tpu.memory_space<vmem>> -> memref<1x64x128xf32, #tpu.memory_space<vmem>>
      %gather3A_1315 = tpu.memref_squeeze %gather3A_1314 : memref<1x64x128xf32, #tpu.memory_space<vmem>> -> memref<64x128xf32, #tpu.memory_space<vmem>>
      %gather3A_1316 = tpu.vector_load_idx %gather3A_1315[%add3A_1310, %broadcast_in_dim3A_1264] : memref<64x128xf32, #tpu.memory_space<vmem>>[vector<16xi32>, vector<16xi32>], vector<16xf32>,
      %add3A_1317 = arith.constant 48 : i32
      %add3A_1318 = vector.broadcast %add3A_1317 : i32 to vector<16xi32>
      %add3A_1319 = arith.addi %iota3A, %add3A_1318 : vector<16xi32>
      %mul3A_1320 = vector.broadcast %scan3A_154 : f32 to vector<16xf32>
      %mul3A_1321 = arith.mulf %gather3A_1316, %mul3A_1320 : vector<16xf32>
      tpu.vector_store_idx %arg7[%add3A_1319, %broadcast_in_dim3A_1265], %mul3A_1321 {add = true} : memref<64x256xf32, #tpu.memory_space<vmem>>[vector<16xi32>, vector<16xi32>], vector<16xf32>,
      %add3A_1322 = arith.constant 8 : i32
      %add3A_1323 = arith.addi %add3A_1244, %add3A_1322 : i32
      %lt3A_1324 = arith.constant 256 : i32
      %lt3A_1325 = arith.cmpi slt, %add3A_1323, %lt3A_1324 : i32
      %convert_element_type3A_1326 = arith.extui %lt3A_1325 : i1 to i32
      %cond3A_1327 = arith.constant 0 : i32
      %cond3A_1328 = arith.cmpi ne, %convert_element_type3A_1326, %cond3A_1327 : i32
      scf.if %cond3A_1328 {
        %slice3A_1593 = vector.extract_strided_slice %get3A_190 {offsets = [4], sizes = [1], strides = [1]} : vector<16xi32> to vector<1xi32>
        %squeeze3A_1594 = vector.extract %slice3A_1593[0] : i32 from vector<1xi32>
        %rem3A_1595 = arith.constant 128 : i32
        %rem3A_1596 = arith.remsi %squeeze3A_1594, %rem3A_1595 : i32
        %sub3A_1597 = arith.subi %squeeze3A_1594, %rem3A_1596 : i32
        %multiple_of3A_1598 = tpu.assume_multiple %sub3A_1597, 128 : i32
        %dma_start3A_1599 = arith.constant 4 : i32
        %dma_start3A_1600 = arith.constant 0 : i32
        %dma_start3A_1601 = arith.constant 0 : i32
        %dma_start3A_1602 = tpu.memref_slice %arg8[%dma_start3A_1599, %dma_start3A_1600, %dma_start3A_1601] : memref<8x64x128xf32, #tpu.memory_space<vmem>> -> memref<1x64x128xf32, #tpu.memory_space<vmem>>
        %dma_start3A_1603 = tpu.memref_squeeze %dma_start3A_1602 : memref<1x64x128xf32, #tpu.memory_space<vmem>> -> memref<64x128xf32, #tpu.memory_space<vmem>>
        %dma_start3A_1604 = arith.constant 0 : i32
        %dma_start3A_1605 = tpu.memref_slice %arg3[%dma_start3A_1604, %multiple_of3A_1598] : memref<64x1000000xf32, #tpu.memory_space<hbm>> -> memref<64x128xf32, #tpu.memory_space<hbm>>
        %dma_start3A_1606 = arith.constant 0 : i32
        %dma_start3A_1607 = arith.constant 0 : i32
        %dma_start3A_1608 = tpu.memref_slice %arg8[%dma_start3A_1599, %dma_start3A_1606, %dma_start3A_1607] : memref<8x64x128xf32, #tpu.memory_space<vmem>> -> memref<1x64x128xf32, #tpu.memory_space<vmem>>
        %dma_start3A_1609 = tpu.memref_squeeze %dma_start3A_1608 : memref<1x64x128xf32, #tpu.memory_space<vmem>> -> memref<64x128xf32, #tpu.memory_space<vmem>>
        %dma_start3A_1610 = arith.constant 0 : i32
        %dma_start3A_1611 = tpu.memref_slice %arg3[%dma_start3A_1610, %multiple_of3A_1598] : memref<64x1000000xf32, #tpu.memory_space<hbm>> -> memref<64x128xf32, #tpu.memory_space<hbm>>
        tpu.enqueue_dma source(%dma_start3A_1611 : memref<64x128xf32, #tpu.memory_space<hbm>>) target(%dma_start3A_1609 : memref<64x128xf32, #tpu.memory_space<vmem>>) target_semaphore(%arg13 : memref<!tpu.dma_semaphore, #tpu.memory_space<semaphore_mem>>)
      } else {
      }
      %mul3A_1329 = arith.constant 16 : i32
      %mul3A_1330 = arith.muli %scan3A_180, %mul3A_1329 : i32
      %add3A_1331 = arith.constant 13 : i32
      %add3A_1332 = arith.addi %mul3A_1330, %add3A_1331 : i32
      %dma_wait3A_1333 = arith.constant 5 : i32
      %dma_wait3A_1334 = arith.constant 0 : i32
      %dma_wait3A_1335 = arith.constant 0 : i32
      %dma_wait3A_1336 = tpu.memref_slice %arg8[%dma_wait3A_1333, %dma_wait3A_1334, %dma_wait3A_1335] : memref<8x64x128xf32, #tpu.memory_space<vmem>> -> memref<1x64x128xf32, #tpu.memory_space<vmem>>
      %dma_wait3A_1337 = tpu.memref_squeeze %dma_wait3A_1336 : memref<1x64x128xf32, #tpu.memory_space<vmem>> -> memref<64x128xf32, #tpu.memory_space<vmem>>
      %dma_wait3A_1338 = arith.constant 0 : i32
      %dma_wait3A_1339 = arith.constant 0 : i32
      %dma_wait3A_1340 = tpu.memref_slice %arg3[%dma_wait3A_1338, %dma_wait3A_1339] : memref<64x1000000xf32, #tpu.memory_space<hbm>> -> memref<64x128xf32, #tpu.memory_space<hbm>>
      %dma_wait3A_1341 = arith.constant 0 : i32
      %dma_wait3A_1342 = arith.constant 0 : i32
      %dma_wait3A_1343 = tpu.memref_slice %arg8[%dma_wait3A_1333, %dma_wait3A_1341, %dma_wait3A_1342] : memref<8x64x128xf32, #tpu.memory_space<vmem>> -> memref<1x64x128xf32, #tpu.memory_space<vmem>>
      %dma_wait3A_1344 = tpu.memref_squeeze %dma_wait3A_1343 : memref<1x64x128xf32, #tpu.memory_space<vmem>> -> memref<64x128xf32, #tpu.memory_space<vmem>>
      %dma_wait3A_1345 = arith.constant 0 : i32
      %dma_wait3A_1346 = arith.constant 0 : i32
      %dma_wait3A_1347 = tpu.memref_slice %arg3[%dma_wait3A_1345, %dma_wait3A_1346] : memref<64x1000000xf32, #tpu.memory_space<hbm>> -> memref<64x128xf32, #tpu.memory_space<hbm>>
      tpu.wait_dma2 semaphore(%arg14 : memref<!tpu.dma_semaphore, #tpu.memory_space<semaphore_mem>>) src(%dma_wait3A_1347 : memref<64x128xf32, #tpu.memory_space<hbm>>) dst(%dma_wait3A_1344 : memref<64x128xf32, #tpu.memory_space<vmem>>)
      %slice3A_1348 = vector.extract_strided_slice %get3A_184 {offsets = [13], sizes = [1], strides = [1]} : vector<16xi32> to vector<1xi32>
      %squeeze3A_1349 = vector.extract %slice3A_1348[0] : i32 from vector<1xi32>
      %rem3A_1350 = arith.constant 128 : i32
      %rem3A_1351 = arith.remsi %squeeze3A_1349, %rem3A_1350 : i32
      %broadcast_in_dim3A_1352 = vector.broadcast %rem3A_1351 : i32 to vector<16xi32>
      %broadcast_in_dim3A_1353 = vector.broadcast %add3A_1332 : i32 to vector<16xi32>
      %add3A_1354 = arith.constant 0 : i32
      %add3A_1355 = vector.broadcast %add3A_1354 : i32 to vector<16xi32>
      %add3A_1356 = arith.addi %iota3A, %add3A_1355 : vector<16xi32>
      %gather3A_1357 = arith.constant 5 : i32
      %gather3A_1358 = arith.constant 0 : i32
      %gather3A_1359 = arith.constant 0 : i32
      %gather3A_1360 = tpu.memref_slice %arg8[%gather3A_1357, %gather3A_1358, %gather3A_1359] : memref<8x64x128xf32, #tpu.memory_space<vmem>> -> memref<1x64x128xf32, #tpu.memory_space<vmem>>
      %gather3A_1361 = tpu.memref_squeeze %gather3A_1360 : memref<1x64x128xf32, #tpu.memory_space<vmem>> -> memref<64x128xf32, #tpu.memory_space<vmem>>
      %gather3A_1362 = tpu.vector_load_idx %gather3A_1361[%add3A_1356, %broadcast_in_dim3A_1352] : memref<64x128xf32, #tpu.memory_space<vmem>>[vector<16xi32>, vector<16xi32>], vector<16xf32>,
      %add3A_1363 = arith.constant 0 : i32
      %add3A_1364 = vector.broadcast %add3A_1363 : i32 to vector<16xi32>
      %add3A_1365 = arith.addi %iota3A, %add3A_1364 : vector<16xi32>
      %mul3A_1366 = vector.broadcast %scan3A_154 : f32 to vector<16xf32>
      %mul3A_1367 = arith.mulf %gather3A_1362, %mul3A_1366 : vector<16xf32>
      tpu.vector_store_idx %arg7[%add3A_1365, %broadcast_in_dim3A_1353], %mul3A_1367 {add = true} : memref<64x256xf32, #tpu.memory_space<vmem>>[vector<16xi32>, vector<16xi32>], vector<16xf32>,
      %add3A_1368 = arith.constant 16 : i32
      %add3A_1369 = vector.broadcast %add3A_1368 : i32 to vector<16xi32>
      %add3A_1370 = arith.addi %iota3A, %add3A_1369 : vector<16xi32>
      %gather3A_1371 = arith.constant 5 : i32
      %gather3A_1372 = arith.constant 0 : i32
      %gather3A_1373 = arith.constant 0 : i32
      %gather3A_1374 = tpu.memref_slice %arg8[%gather3A_1371, %gather3A_1372, %gather3A_1373] : memref<8x64x128xf32, #tpu.memory_space<vmem>> -> memref<1x64x128xf32, #tpu.memory_space<vmem>>
      %gather3A_1375 = tpu.memref_squeeze %gather3A_1374 : memref<1x64x128xf32, #tpu.memory_space<vmem>> -> memref<64x128xf32, #tpu.memory_space<vmem>>
      %gather3A_1376 = tpu.vector_load_idx %gather3A_1375[%add3A_1370, %broadcast_in_dim3A_1352] : memref<64x128xf32, #tpu.memory_space<vmem>>[vector<16xi32>, vector<16xi32>], vector<16xf32>,
      %add3A_1377 = arith.constant 16 : i32
      %add3A_1378 = vector.broadcast %add3A_1377 : i32 to vector<16xi32>
      %add3A_1379 = arith.addi %iota3A, %add3A_1378 : vector<16xi32>
      %mul3A_1380 = vector.broadcast %scan3A_154 : f32 to vector<16xf32>
      %mul3A_1381 = arith.mulf %gather3A_1376, %mul3A_1380 : vector<16xf32>
      tpu.vector_store_idx %arg7[%add3A_1379, %broadcast_in_dim3A_1353], %mul3A_1381 {add = true} : memref<64x256xf32, #tpu.memory_space<vmem>>[vector<16xi32>, vector<16xi32>], vector<16xf32>,
      %add3A_1382 = arith.constant 32 : i32
      %add3A_1383 = vector.broadcast %add3A_1382 : i32 to vector<16xi32>
      %add3A_1384 = arith.addi %iota3A, %add3A_1383 : vector<16xi32>
      %gather3A_1385 = arith.constant 5 : i32
      %gather3A_1386 = arith.constant 0 : i32
      %gather3A_1387 = arith.constant 0 : i32
      %gather3A_1388 = tpu.memref_slice %arg8[%gather3A_1385, %gather3A_1386, %gather3A_1387] : memref<8x64x128xf32, #tpu.memory_space<vmem>> -> memref<1x64x128xf32, #tpu.memory_space<vmem>>
      %gather3A_1389 = tpu.memref_squeeze %gather3A_1388 : memref<1x64x128xf32, #tpu.memory_space<vmem>> -> memref<64x128xf32, #tpu.memory_space<vmem>>
      %gather3A_1390 = tpu.vector_load_idx %gather3A_1389[%add3A_1384, %broadcast_in_dim3A_1352] : memref<64x128xf32, #tpu.memory_space<vmem>>[vector<16xi32>, vector<16xi32>], vector<16xf32>,
      %add3A_1391 = arith.constant 32 : i32
      %add3A_1392 = vector.broadcast %add3A_1391 : i32 to vector<16xi32>
      %add3A_1393 = arith.addi %iota3A, %add3A_1392 : vector<16xi32>
      %mul3A_1394 = vector.broadcast %scan3A_154 : f32 to vector<16xf32>
      %mul3A_1395 = arith.mulf %gather3A_1390, %mul3A_1394 : vector<16xf32>
      tpu.vector_store_idx %arg7[%add3A_1393, %broadcast_in_dim3A_1353], %mul3A_1395 {add = true} : memref<64x256xf32, #tpu.memory_space<vmem>>[vector<16xi32>, vector<16xi32>], vector<16xf32>,
      %add3A_1396 = arith.constant 48 : i32
      %add3A_1397 = vector.broadcast %add3A_1396 : i32 to vector<16xi32>
      %add3A_1398 = arith.addi %iota3A, %add3A_1397 : vector<16xi32>
      %gather3A_1399 = arith.constant 5 : i32
      %gather3A_1400 = arith.constant 0 : i32
      %gather3A_1401 = arith.constant 0 : i32
      %gather3A_1402 = tpu.memref_slice %arg8[%gather3A_1399, %gather3A_1400, %gather3A_1401] : memref<8x64x128xf32, #tpu.memory_space<vmem>> -> memref<1x64x128xf32, #tpu.memory_space<vmem>>
      %gather3A_1403 = tpu.memref_squeeze %gather3A_1402 : memref<1x64x128xf32, #tpu.memory_space<vmem>> -> memref<64x128xf32, #tpu.memory_space<vmem>>
      %gather3A_1404 = tpu.vector_load_idx %gather3A_1403[%add3A_1398, %broadcast_in_dim3A_1352] : memref<64x128xf32, #tpu.memory_space<vmem>>[vector<16xi32>, vector<16xi32>], vector<16xf32>,
      %add3A_1405 = arith.constant 48 : i32
      %add3A_1406 = vector.broadcast %add3A_1405 : i32 to vector<16xi32>
      %add3A_1407 = arith.addi %iota3A, %add3A_1406 : vector<16xi32>
      %mul3A_1408 = vector.broadcast %scan3A_154 : f32 to vector<16xf32>
      %mul3A_1409 = arith.mulf %gather3A_1404, %mul3A_1408 : vector<16xf32>
      tpu.vector_store_idx %arg7[%add3A_1407, %broadcast_in_dim3A_1353], %mul3A_1409 {add = true} : memref<64x256xf32, #tpu.memory_space<vmem>>[vector<16xi32>, vector<16xi32>], vector<16xf32>,
      %add3A_1410 = arith.constant 8 : i32
      %add3A_1411 = arith.addi %add3A_1332, %add3A_1410 : i32
      %lt3A_1412 = arith.constant 256 : i32
      %lt3A_1413 = arith.cmpi slt, %add3A_1411, %lt3A_1412 : i32
      %convert_element_type3A_1414 = arith.extui %lt3A_1413 : i1 to i32
      %cond3A_1415 = arith.constant 0 : i32
      %cond3A_1416 = arith.cmpi ne, %convert_element_type3A_1414, %cond3A_1415 : i32
      scf.if %cond3A_1416 {
        %slice3A_1593 = vector.extract_strided_slice %get3A_190 {offsets = [5], sizes = [1], strides = [1]} : vector<16xi32> to vector<1xi32>
        %squeeze3A_1594 = vector.extract %slice3A_1593[0] : i32 from vector<1xi32>
        %rem3A_1595 = arith.constant 128 : i32
        %rem3A_1596 = arith.remsi %squeeze3A_1594, %rem3A_1595 : i32
        %sub3A_1597 = arith.subi %squeeze3A_1594, %rem3A_1596 : i32
        %multiple_of3A_1598 = tpu.assume_multiple %sub3A_1597, 128 : i32
        %dma_start3A_1599 = arith.constant 5 : i32
        %dma_start3A_1600 = arith.constant 0 : i32
        %dma_start3A_1601 = arith.constant 0 : i32
        %dma_start3A_1602 = tpu.memref_slice %arg8[%dma_start3A_1599, %dma_start3A_1600, %dma_start3A_1601] : memref<8x64x128xf32, #tpu.memory_space<vmem>> -> memref<1x64x128xf32, #tpu.memory_space<vmem>>
        %dma_start3A_1603 = tpu.memref_squeeze %dma_start3A_1602 : memref<1x64x128xf32, #tpu.memory_space<vmem>> -> memref<64x128xf32, #tpu.memory_space<vmem>>
        %dma_start3A_1604 = arith.constant 0 : i32
        %dma_start3A_1605 = tpu.memref_slice %arg3[%dma_start3A_1604, %multiple_of3A_1598] : memref<64x1000000xf32, #tpu.memory_space<hbm>> -> memref<64x128xf32, #tpu.memory_space<hbm>>
        %dma_start3A_1606 = arith.constant 0 : i32
        %dma_start3A_1607 = arith.constant 0 : i32
        %dma_start3A_1608 = tpu.memref_slice %arg8[%dma_start3A_1599, %dma_start3A_1606, %dma_start3A_1607] : memref<8x64x128xf32, #tpu.memory_space<vmem>> -> memref<1x64x128xf32, #tpu.memory_space<vmem>>
        %dma_start3A_1609 = tpu.memref_squeeze %dma_start3A_1608 : memref<1x64x128xf32, #tpu.memory_space<vmem>> -> memref<64x128xf32, #tpu.memory_space<vmem>>
        %dma_start3A_1610 = arith.constant 0 : i32
        %dma_start3A_1611 = tpu.memref_slice %arg3[%dma_start3A_1610, %multiple_of3A_1598] : memref<64x1000000xf32, #tpu.memory_space<hbm>> -> memref<64x128xf32, #tpu.memory_space<hbm>>
        tpu.enqueue_dma source(%dma_start3A_1611 : memref<64x128xf32, #tpu.memory_space<hbm>>) target(%dma_start3A_1609 : memref<64x128xf32, #tpu.memory_space<vmem>>) target_semaphore(%arg14 : memref<!tpu.dma_semaphore, #tpu.memory_space<semaphore_mem>>)
      } else {
      }
      %mul3A_1417 = arith.constant 16 : i32
      %mul3A_1418 = arith.muli %scan3A_180, %mul3A_1417 : i32
      %add3A_1419 = arith.constant 14 : i32
      %add3A_1420 = arith.addi %mul3A_1418, %add3A_1419 : i32
      %dma_wait3A_1421 = arith.constant 6 : i32
      %dma_wait3A_1422 = arith.constant 0 : i32
      %dma_wait3A_1423 = arith.constant 0 : i32
      %dma_wait3A_1424 = tpu.memref_slice %arg8[%dma_wait3A_1421, %dma_wait3A_1422, %dma_wait3A_1423] : memref<8x64x128xf32, #tpu.memory_space<vmem>> -> memref<1x64x128xf32, #tpu.memory_space<vmem>>
      %dma_wait3A_1425 = tpu.memref_squeeze %dma_wait3A_1424 : memref<1x64x128xf32, #tpu.memory_space<vmem>> -> memref<64x128xf32, #tpu.memory_space<vmem>>
      %dma_wait3A_1426 = arith.constant 0 : i32
      %dma_wait3A_1427 = arith.constant 0 : i32
      %dma_wait3A_1428 = tpu.memref_slice %arg3[%dma_wait3A_1426, %dma_wait3A_1427] : memref<64x1000000xf32, #tpu.memory_space<hbm>> -> memref<64x128xf32, #tpu.memory_space<hbm>>
      %dma_wait3A_1429 = arith.constant 0 : i32
      %dma_wait3A_1430 = arith.constant 0 : i32
      %dma_wait3A_1431 = tpu.memref_slice %arg8[%dma_wait3A_1421, %dma_wait3A_1429, %dma_wait3A_1430] : memref<8x64x128xf32, #tpu.memory_space<vmem>> -> memref<1x64x128xf32, #tpu.memory_space<vmem>>
      %dma_wait3A_1432 = tpu.memref_squeeze %dma_wait3A_1431 : memref<1x64x128xf32, #tpu.memory_space<vmem>> -> memref<64x128xf32, #tpu.memory_space<vmem>>
      %dma_wait3A_1433 = arith.constant 0 : i32
      %dma_wait3A_1434 = arith.constant 0 : i32
      %dma_wait3A_1435 = tpu.memref_slice %arg3[%dma_wait3A_1433, %dma_wait3A_1434] : memref<64x1000000xf32, #tpu.memory_space<hbm>> -> memref<64x128xf32, #tpu.memory_space<hbm>>
      tpu.wait_dma2 semaphore(%arg15 : memref<!tpu.dma_semaphore, #tpu.memory_space<semaphore_mem>>) src(%dma_wait3A_1435 : memref<64x128xf32, #tpu.memory_space<hbm>>) dst(%dma_wait3A_1432 : memref<64x128xf32, #tpu.memory_space<vmem>>)
      %slice3A_1436 = vector.extract_strided_slice %get3A_184 {offsets = [14], sizes = [1], strides = [1]} : vector<16xi32> to vector<1xi32>
      %squeeze3A_1437 = vector.extract %slice3A_1436[0] : i32 from vector<1xi32>
      %rem3A_1438 = arith.constant 128 : i32
      %rem3A_1439 = arith.remsi %squeeze3A_1437, %rem3A_1438 : i32
      %broadcast_in_dim3A_1440 = vector.broadcast %rem3A_1439 : i32 to vector<16xi32>
      %broadcast_in_dim3A_1441 = vector.broadcast %add3A_1420 : i32 to vector<16xi32>
      %add3A_1442 = arith.constant 0 : i32
      %add3A_1443 = vector.broadcast %add3A_1442 : i32 to vector<16xi32>
      %add3A_1444 = arith.addi %iota3A, %add3A_1443 : vector<16xi32>
      %gather3A_1445 = arith.constant 6 : i32
      %gather3A_1446 = arith.constant 0 : i32
      %gather3A_1447 = arith.constant 0 : i32
      %gather3A_1448 = tpu.memref_slice %arg8[%gather3A_1445, %gather3A_1446, %gather3A_1447] : memref<8x64x128xf32, #tpu.memory_space<vmem>> -> memref<1x64x128xf32, #tpu.memory_space<vmem>>
      %gather3A_1449 = tpu.memref_squeeze %gather3A_1448 : memref<1x64x128xf32, #tpu.memory_space<vmem>> -> memref<64x128xf32, #tpu.memory_space<vmem>>
      %gather3A_1450 = tpu.vector_load_idx %gather3A_1449[%add3A_1444, %broadcast_in_dim3A_1440] : memref<64x128xf32, #tpu.memory_space<vmem>>[vector<16xi32>, vector<16xi32>], vector<16xf32>,
      %add3A_1451 = arith.constant 0 : i32
      %add3A_1452 = vector.broadcast %add3A_1451 : i32 to vector<16xi32>
      %add3A_1453 = arith.addi %iota3A, %add3A_1452 : vector<16xi32>
      %mul3A_1454 = vector.broadcast %scan3A_154 : f32 to vector<16xf32>
      %mul3A_1455 = arith.mulf %gather3A_1450, %mul3A_1454 : vector<16xf32>
      tpu.vector_store_idx %arg7[%add3A_1453, %broadcast_in_dim3A_1441], %mul3A_1455 {add = true} : memref<64x256xf32, #tpu.memory_space<vmem>>[vector<16xi32>, vector<16xi32>], vector<16xf32>,
      %add3A_1456 = arith.constant 16 : i32
      %add3A_1457 = vector.broadcast %add3A_1456 : i32 to vector<16xi32>
      %add3A_1458 = arith.addi %iota3A, %add3A_1457 : vector<16xi32>
      %gather3A_1459 = arith.constant 6 : i32
      %gather3A_1460 = arith.constant 0 : i32
      %gather3A_1461 = arith.constant 0 : i32
      %gather3A_1462 = tpu.memref_slice %arg8[%gather3A_1459, %gather3A_1460, %gather3A_1461] : memref<8x64x128xf32, #tpu.memory_space<vmem>> -> memref<1x64x128xf32, #tpu.memory_space<vmem>>
      %gather3A_1463 = tpu.memref_squeeze %gather3A_1462 : memref<1x64x128xf32, #tpu.memory_space<vmem>> -> memref<64x128xf32, #tpu.memory_space<vmem>>
      %gather3A_1464 = tpu.vector_load_idx %gather3A_1463[%add3A_1458, %broadcast_in_dim3A_1440] : memref<64x128xf32, #tpu.memory_space<vmem>>[vector<16xi32>, vector<16xi32>], vector<16xf32>,
      %add3A_1465 = arith.constant 16 : i32
      %add3A_1466 = vector.broadcast %add3A_1465 : i32 to vector<16xi32>
      %add3A_1467 = arith.addi %iota3A, %add3A_1466 : vector<16xi32>
      %mul3A_1468 = vector.broadcast %scan3A_154 : f32 to vector<16xf32>
      %mul3A_1469 = arith.mulf %gather3A_1464, %mul3A_1468 : vector<16xf32>
      tpu.vector_store_idx %arg7[%add3A_1467, %broadcast_in_dim3A_1441], %mul3A_1469 {add = true} : memref<64x256xf32, #tpu.memory_space<vmem>>[vector<16xi32>, vector<16xi32>], vector<16xf32>,
      %add3A_1470 = arith.constant 32 : i32
      %add3A_1471 = vector.broadcast %add3A_1470 : i32 to vector<16xi32>
      %add3A_1472 = arith.addi %iota3A, %add3A_1471 : vector<16xi32>
      %gather3A_1473 = arith.constant 6 : i32
      %gather3A_1474 = arith.constant 0 : i32
      %gather3A_1475 = arith.constant 0 : i32
      %gather3A_1476 = tpu.memref_slice %arg8[%gather3A_1473, %gather3A_1474, %gather3A_1475] : memref<8x64x128xf32, #tpu.memory_space<vmem>> -> memref<1x64x128xf32, #tpu.memory_space<vmem>>
      %gather3A_1477 = tpu.memref_squeeze %gather3A_1476 : memref<1x64x128xf32, #tpu.memory_space<vmem>> -> memref<64x128xf32, #tpu.memory_space<vmem>>
      %gather3A_1478 = tpu.vector_load_idx %gather3A_1477[%add3A_1472, %broadcast_in_dim3A_1440] : memref<64x128xf32, #tpu.memory_space<vmem>>[vector<16xi32>, vector<16xi32>], vector<16xf32>,
      %add3A_1479 = arith.constant 32 : i32
      %add3A_1480 = vector.broadcast %add3A_1479 : i32 to vector<16xi32>
      %add3A_1481 = arith.addi %iota3A, %add3A_1480 : vector<16xi32>
      %mul3A_1482 = vector.broadcast %scan3A_154 : f32 to vector<16xf32>
      %mul3A_1483 = arith.mulf %gather3A_1478, %mul3A_1482 : vector<16xf32>
      tpu.vector_store_idx %arg7[%add3A_1481, %broadcast_in_dim3A_1441], %mul3A_1483 {add = true} : memref<64x256xf32, #tpu.memory_space<vmem>>[vector<16xi32>, vector<16xi32>], vector<16xf32>,
      %add3A_1484 = arith.constant 48 : i32
      %add3A_1485 = vector.broadcast %add3A_1484 : i32 to vector<16xi32>
      %add3A_1486 = arith.addi %iota3A, %add3A_1485 : vector<16xi32>
      %gather3A_1487 = arith.constant 6 : i32
      %gather3A_1488 = arith.constant 0 : i32
      %gather3A_1489 = arith.constant 0 : i32
      %gather3A_1490 = tpu.memref_slice %arg8[%gather3A_1487, %gather3A_1488, %gather3A_1489] : memref<8x64x128xf32, #tpu.memory_space<vmem>> -> memref<1x64x128xf32, #tpu.memory_space<vmem>>
      %gather3A_1491 = tpu.memref_squeeze %gather3A_1490 : memref<1x64x128xf32, #tpu.memory_space<vmem>> -> memref<64x128xf32, #tpu.memory_space<vmem>>
      %gather3A_1492 = tpu.vector_load_idx %gather3A_1491[%add3A_1486, %broadcast_in_dim3A_1440] : memref<64x128xf32, #tpu.memory_space<vmem>>[vector<16xi32>, vector<16xi32>], vector<16xf32>,
      %add3A_1493 = arith.constant 48 : i32
      %add3A_1494 = vector.broadcast %add3A_1493 : i32 to vector<16xi32>
      %add3A_1495 = arith.addi %iota3A, %add3A_1494 : vector<16xi32>
      %mul3A_1496 = vector.broadcast %scan3A_154 : f32 to vector<16xf32>
      %mul3A_1497 = arith.mulf %gather3A_1492, %mul3A_1496 : vector<16xf32>
      tpu.vector_store_idx %arg7[%add3A_1495, %broadcast_in_dim3A_1441], %mul3A_1497 {add = true} : memref<64x256xf32, #tpu.memory_space<vmem>>[vector<16xi32>, vector<16xi32>], vector<16xf32>,
      %add3A_1498 = arith.constant 8 : i32
      %add3A_1499 = arith.addi %add3A_1420, %add3A_1498 : i32
      %lt3A_1500 = arith.constant 256 : i32
      %lt3A_1501 = arith.cmpi slt, %add3A_1499, %lt3A_1500 : i32
      %convert_element_type3A_1502 = arith.extui %lt3A_1501 : i1 to i32
      %cond3A_1503 = arith.constant 0 : i32
      %cond3A_1504 = arith.cmpi ne, %convert_element_type3A_1502, %cond3A_1503 : i32
      scf.if %cond3A_1504 {
        %slice3A_1593 = vector.extract_strided_slice %get3A_190 {offsets = [6], sizes = [1], strides = [1]} : vector<16xi32> to vector<1xi32>
        %squeeze3A_1594 = vector.extract %slice3A_1593[0] : i32 from vector<1xi32>
        %rem3A_1595 = arith.constant 128 : i32
        %rem3A_1596 = arith.remsi %squeeze3A_1594, %rem3A_1595 : i32
        %sub3A_1597 = arith.subi %squeeze3A_1594, %rem3A_1596 : i32
        %multiple_of3A_1598 = tpu.assume_multiple %sub3A_1597, 128 : i32
        %dma_start3A_1599 = arith.constant 6 : i32
        %dma_start3A_1600 = arith.constant 0 : i32
        %dma_start3A_1601 = arith.constant 0 : i32
        %dma_start3A_1602 = tpu.memref_slice %arg8[%dma_start3A_1599, %dma_start3A_1600, %dma_start3A_1601] : memref<8x64x128xf32, #tpu.memory_space<vmem>> -> memref<1x64x128xf32, #tpu.memory_space<vmem>>
        %dma_start3A_1603 = tpu.memref_squeeze %dma_start3A_1602 : memref<1x64x128xf32, #tpu.memory_space<vmem>> -> memref<64x128xf32, #tpu.memory_space<vmem>>
        %dma_start3A_1604 = arith.constant 0 : i32
        %dma_start3A_1605 = tpu.memref_slice %arg3[%dma_start3A_1604, %multiple_of3A_1598] : memref<64x1000000xf32, #tpu.memory_space<hbm>> -> memref<64x128xf32, #tpu.memory_space<hbm>>
        %dma_start3A_1606 = arith.constant 0 : i32
        %dma_start3A_1607 = arith.constant 0 : i32
        %dma_start3A_1608 = tpu.memref_slice %arg8[%dma_start3A_1599, %dma_start3A_1606, %dma_start3A_1607] : memref<8x64x128xf32, #tpu.memory_space<vmem>> -> memref<1x64x128xf32, #tpu.memory_space<vmem>>
        %dma_start3A_1609 = tpu.memref_squeeze %dma_start3A_1608 : memref<1x64x128xf32, #tpu.memory_space<vmem>> -> memref<64x128xf32, #tpu.memory_space<vmem>>
        %dma_start3A_1610 = arith.constant 0 : i32
        %dma_start3A_1611 = tpu.memref_slice %arg3[%dma_start3A_1610, %multiple_of3A_1598] : memref<64x1000000xf32, #tpu.memory_space<hbm>> -> memref<64x128xf32, #tpu.memory_space<hbm>>
        tpu.enqueue_dma source(%dma_start3A_1611 : memref<64x128xf32, #tpu.memory_space<hbm>>) target(%dma_start3A_1609 : memref<64x128xf32, #tpu.memory_space<vmem>>) target_semaphore(%arg15 : memref<!tpu.dma_semaphore, #tpu.memory_space<semaphore_mem>>)
      } else {
      }
      %mul3A_1505 = arith.constant 16 : i32
      %mul3A_1506 = arith.muli %scan3A_180, %mul3A_1505 : i32
      %add3A_1507 = arith.constant 15 : i32
      %add3A_1508 = arith.addi %mul3A_1506, %add3A_1507 : i32
      %dma_wait3A_1509 = arith.constant 7 : i32
      %dma_wait3A_1510 = arith.constant 0 : i32
      %dma_wait3A_1511 = arith.constant 0 : i32
      %dma_wait3A_1512 = tpu.memref_slice %arg8[%dma_wait3A_1509, %dma_wait3A_1510, %dma_wait3A_1511] : memref<8x64x128xf32, #tpu.memory_space<vmem>> -> memref<1x64x128xf32, #tpu.memory_space<vmem>>
      %dma_wait3A_1513 = tpu.memref_squeeze %dma_wait3A_1512 : memref<1x64x128xf32, #tpu.memory_space<vmem>> -> memref<64x128xf32, #tpu.memory_space<vmem>>
      %dma_wait3A_1514 = arith.constant 0 : i32
      %dma_wait3A_1515 = arith.constant 0 : i32
      %dma_wait3A_1516 = tpu.memref_slice %arg3[%dma_wait3A_1514, %dma_wait3A_1515] : memref<64x1000000xf32, #tpu.memory_space<hbm>> -> memref<64x128xf32, #tpu.memory_space<hbm>>
      %dma_wait3A_1517 = arith.constant 0 : i32
      %dma_wait3A_1518 = arith.constant 0 : i32
      %dma_wait3A_1519 = tpu.memref_slice %arg8[%dma_wait3A_1509, %dma_wait3A_1517, %dma_wait3A_1518] : memref<8x64x128xf32, #tpu.memory_space<vmem>> -> memref<1x64x128xf32, #tpu.memory_space<vmem>>
      %dma_wait3A_1520 = tpu.memref_squeeze %dma_wait3A_1519 : memref<1x64x128xf32, #tpu.memory_space<vmem>> -> memref<64x128xf32, #tpu.memory_space<vmem>>
      %dma_wait3A_1521 = arith.constant 0 : i32
      %dma_wait3A_1522 = arith.constant 0 : i32
      %dma_wait3A_1523 = tpu.memref_slice %arg3[%dma_wait3A_1521, %dma_wait3A_1522] : memref<64x1000000xf32, #tpu.memory_space<hbm>> -> memref<64x128xf32, #tpu.memory_space<hbm>>
      tpu.wait_dma2 semaphore(%arg16 : memref<!tpu.dma_semaphore, #tpu.memory_space<semaphore_mem>>) src(%dma_wait3A_1523 : memref<64x128xf32, #tpu.memory_space<hbm>>) dst(%dma_wait3A_1520 : memref<64x128xf32, #tpu.memory_space<vmem>>)
      %slice3A_1524 = vector.extract_strided_slice %get3A_184 {offsets = [15], sizes = [1], strides = [1]} : vector<16xi32> to vector<1xi32>
      %squeeze3A_1525 = vector.extract %slice3A_1524[0] : i32 from vector<1xi32>
      %rem3A_1526 = arith.constant 128 : i32
      %rem3A_1527 = arith.remsi %squeeze3A_1525, %rem3A_1526 : i32
      %broadcast_in_dim3A_1528 = vector.broadcast %rem3A_1527 : i32 to vector<16xi32>
      %broadcast_in_dim3A_1529 = vector.broadcast %add3A_1508 : i32 to vector<16xi32>
      %add3A_1530 = arith.constant 0 : i32
      %add3A_1531 = vector.broadcast %add3A_1530 : i32 to vector<16xi32>
      %add3A_1532 = arith.addi %iota3A, %add3A_1531 : vector<16xi32>
      %gather3A_1533 = arith.constant 7 : i32
      %gather3A_1534 = arith.constant 0 : i32
      %gather3A_1535 = arith.constant 0 : i32
      %gather3A_1536 = tpu.memref_slice %arg8[%gather3A_1533, %gather3A_1534, %gather3A_1535] : memref<8x64x128xf32, #tpu.memory_space<vmem>> -> memref<1x64x128xf32, #tpu.memory_space<vmem>>
      %gather3A_1537 = tpu.memref_squeeze %gather3A_1536 : memref<1x64x128xf32, #tpu.memory_space<vmem>> -> memref<64x128xf32, #tpu.memory_space<vmem>>
      %gather3A_1538 = tpu.vector_load_idx %gather3A_1537[%add3A_1532, %broadcast_in_dim3A_1528] : memref<64x128xf32, #tpu.memory_space<vmem>>[vector<16xi32>, vector<16xi32>], vector<16xf32>,
      %add3A_1539 = arith.constant 0 : i32
      %add3A_1540 = vector.broadcast %add3A_1539 : i32 to vector<16xi32>
      %add3A_1541 = arith.addi %iota3A, %add3A_1540 : vector<16xi32>
      %mul3A_1542 = vector.broadcast %scan3A_154 : f32 to vector<16xf32>
      %mul3A_1543 = arith.mulf %gather3A_1538, %mul3A_1542 : vector<16xf32>
      tpu.vector_store_idx %arg7[%add3A_1541, %broadcast_in_dim3A_1529], %mul3A_1543 {add = true} : memref<64x256xf32, #tpu.memory_space<vmem>>[vector<16xi32>, vector<16xi32>], vector<16xf32>,
      %add3A_1544 = arith.constant 16 : i32
      %add3A_1545 = vector.broadcast %add3A_1544 : i32 to vector<16xi32>
      %add3A_1546 = arith.addi %iota3A, %add3A_1545 : vector<16xi32>
      %gather3A_1547 = arith.constant 7 : i32
      %gather3A_1548 = arith.constant 0 : i32
      %gather3A_1549 = arith.constant 0 : i32
      %gather3A_1550 = tpu.memref_slice %arg8[%gather3A_1547, %gather3A_1548, %gather3A_1549] : memref<8x64x128xf32, #tpu.memory_space<vmem>> -> memref<1x64x128xf32, #tpu.memory_space<vmem>>
      %gather3A_1551 = tpu.memref_squeeze %gather3A_1550 : memref<1x64x128xf32, #tpu.memory_space<vmem>> -> memref<64x128xf32, #tpu.memory_space<vmem>>
      %gather3A_1552 = tpu.vector_load_idx %gather3A_1551[%add3A_1546, %broadcast_in_dim3A_1528] : memref<64x128xf32, #tpu.memory_space<vmem>>[vector<16xi32>, vector<16xi32>], vector<16xf32>,
      %add3A_1553 = arith.constant 16 : i32
      %add3A_1554 = vector.broadcast %add3A_1553 : i32 to vector<16xi32>
      %add3A_1555 = arith.addi %iota3A, %add3A_1554 : vector<16xi32>
      %mul3A_1556 = vector.broadcast %scan3A_154 : f32 to vector<16xf32>
      %mul3A_1557 = arith.mulf %gather3A_1552, %mul3A_1556 : vector<16xf32>
      tpu.vector_store_idx %arg7[%add3A_1555, %broadcast_in_dim3A_1529], %mul3A_1557 {add = true} : memref<64x256xf32, #tpu.memory_space<vmem>>[vector<16xi32>, vector<16xi32>], vector<16xf32>,
      %add3A_1558 = arith.constant 32 : i32
      %add3A_1559 = vector.broadcast %add3A_1558 : i32 to vector<16xi32>
      %add3A_1560 = arith.addi %iota3A, %add3A_1559 : vector<16xi32>
      %gather3A_1561 = arith.constant 7 : i32
      %gather3A_1562 = arith.constant 0 : i32
      %gather3A_1563 = arith.constant 0 : i32
      %gather3A_1564 = tpu.memref_slice %arg8[%gather3A_1561, %gather3A_1562, %gather3A_1563] : memref<8x64x128xf32, #tpu.memory_space<vmem>> -> memref<1x64x128xf32, #tpu.memory_space<vmem>>
      %gather3A_1565 = tpu.memref_squeeze %gather3A_1564 : memref<1x64x128xf32, #tpu.memory_space<vmem>> -> memref<64x128xf32, #tpu.memory_space<vmem>>
      %gather3A_1566 = tpu.vector_load_idx %gather3A_1565[%add3A_1560, %broadcast_in_dim3A_1528] : memref<64x128xf32, #tpu.memory_space<vmem>>[vector<16xi32>, vector<16xi32>], vector<16xf32>,
      %add3A_1567 = arith.constant 32 : i32
      %add3A_1568 = vector.broadcast %add3A_1567 : i32 to vector<16xi32>
      %add3A_1569 = arith.addi %iota3A, %add3A_1568 : vector<16xi32>
      %mul3A_1570 = vector.broadcast %scan3A_154 : f32 to vector<16xf32>
      %mul3A_1571 = arith.mulf %gather3A_1566, %mul3A_1570 : vector<16xf32>
      tpu.vector_store_idx %arg7[%add3A_1569, %broadcast_in_dim3A_1529], %mul3A_1571 {add = true} : memref<64x256xf32, #tpu.memory_space<vmem>>[vector<16xi32>, vector<16xi32>], vector<16xf32>,
      %add3A_1572 = arith.constant 48 : i32
      %add3A_1573 = vector.broadcast %add3A_1572 : i32 to vector<16xi32>
      %add3A_1574 = arith.addi %iota3A, %add3A_1573 : vector<16xi32>
      %gather3A_1575 = arith.constant 7 : i32
      %gather3A_1576 = arith.constant 0 : i32
      %gather3A_1577 = arith.constant 0 : i32
      %gather3A_1578 = tpu.memref_slice %arg8[%gather3A_1575, %gather3A_1576, %gather3A_1577] : memref<8x64x128xf32, #tpu.memory_space<vmem>> -> memref<1x64x128xf32, #tpu.memory_space<vmem>>
      %gather3A_1579 = tpu.memref_squeeze %gather3A_1578 : memref<1x64x128xf32, #tpu.memory_space<vmem>> -> memref<64x128xf32, #tpu.memory_space<vmem>>
      %gather3A_1580 = tpu.vector_load_idx %gather3A_1579[%add3A_1574, %broadcast_in_dim3A_1528] : memref<64x128xf32, #tpu.memory_space<vmem>>[vector<16xi32>, vector<16xi32>], vector<16xf32>,
      %add3A_1581 = arith.constant 48 : i32
      %add3A_1582 = vector.broadcast %add3A_1581 : i32 to vector<16xi32>
      %add3A_1583 = arith.addi %iota3A, %add3A_1582 : vector<16xi32>
      %mul3A_1584 = vector.broadcast %scan3A_154 : f32 to vector<16xf32>
      %mul3A_1585 = arith.mulf %gather3A_1580, %mul3A_1584 : vector<16xf32>
      tpu.vector_store_idx %arg7[%add3A_1583, %broadcast_in_dim3A_1529], %mul3A_1585 {add = true} : memref<64x256xf32, #tpu.memory_space<vmem>>[vector<16xi32>, vector<16xi32>], vector<16xf32>,
      %add3A_1586 = arith.constant 8 : i32
      %add3A_1587 = arith.addi %add3A_1508, %add3A_1586 : i32
      %lt3A_1588 = arith.constant 256 : i32
      %lt3A_1589 = arith.cmpi slt, %add3A_1587, %lt3A_1588 : i32
      %convert_element_type3A_1590 = arith.extui %lt3A_1589 : i1 to i32
      %cond3A_1591 = arith.constant 0 : i32
      %cond3A_1592 = arith.cmpi ne, %convert_element_type3A_1590, %cond3A_1591 : i32
      scf.if %cond3A_1592 {
        %slice3A_1593 = vector.extract_strided_slice %get3A_190 {offsets = [7], sizes = [1], strides = [1]} : vector<16xi32> to vector<1xi32>
        %squeeze3A_1594 = vector.extract %slice3A_1593[0] : i32 from vector<1xi32>
        %rem3A_1595 = arith.constant 128 : i32
        %rem3A_1596 = arith.remsi %squeeze3A_1594, %rem3A_1595 : i32
        %sub3A_1597 = arith.subi %squeeze3A_1594, %rem3A_1596 : i32
        %multiple_of3A_1598 = tpu.assume_multiple %sub3A_1597, 128 : i32
        %dma_start3A_1599 = arith.constant 7 : i32
        %dma_start3A_1600 = arith.constant 0 : i32
        %dma_start3A_1601 = arith.constant 0 : i32
        %dma_start3A_1602 = tpu.memref_slice %arg8[%dma_start3A_1599, %dma_start3A_1600, %dma_start3A_1601] : memref<8x64x128xf32, #tpu.memory_space<vmem>> -> memref<1x64x128xf32, #tpu.memory_space<vmem>>
        %dma_start3A_1603 = tpu.memref_squeeze %dma_start3A_1602 : memref<1x64x128xf32, #tpu.memory_space<vmem>> -> memref<64x128xf32, #tpu.memory_space<vmem>>
        %dma_start3A_1604 = arith.constant 0 : i32
        %dma_start3A_1605 = tpu.memref_slice %arg3[%dma_start3A_1604, %multiple_of3A_1598] : memref<64x1000000xf32, #tpu.memory_space<hbm>> -> memref<64x128xf32, #tpu.memory_space<hbm>>
        %dma_start3A_1606 = arith.constant 0 : i32
        %dma_start3A_1607 = arith.constant 0 : i32
        %dma_start3A_1608 = tpu.memref_slice %arg8[%dma_start3A_1599, %dma_start3A_1606, %dma_start3A_1607] : memref<8x64x128xf32, #tpu.memory_space<vmem>> -> memref<1x64x128xf32, #tpu.memory_space<vmem>>
        %dma_start3A_1609 = tpu.memref_squeeze %dma_start3A_1608 : memref<1x64x128xf32, #tpu.memory_space<vmem>> -> memref<64x128xf32, #tpu.memory_space<vmem>>
        %dma_start3A_1610 = arith.constant 0 : i32
        %dma_start3A_1611 = tpu.memref_slice %arg3[%dma_start3A_1610, %multiple_of3A_1598] : memref<64x1000000xf32, #tpu.memory_space<hbm>> -> memref<64x128xf32, #tpu.memory_space<hbm>>
        tpu.enqueue_dma source(%dma_start3A_1611 : memref<64x128xf32, #tpu.memory_space<hbm>>) target(%dma_start3A_1609 : memref<64x128xf32, #tpu.memory_space<vmem>>) target_semaphore(%arg16 : memref<!tpu.dma_semaphore, #tpu.memory_space<semaphore_mem>>)
      } else {
      }
    }
    %scan3A_159 = arith.constant 16 : i32
    %jit3A = arith.constant 8 : i32
    %div3A = arith.divsi %add3A, %jit3A : i32
    %sign3A = arith.constant 0 : i32
    %sign3A_160 = arith.cmpi sgt, %add3A, %sign3A : i32
    %sign3A_161 = arith.extui %sign3A_160 : i1 to i32
    %sign3A_162 = arith.constant 0 : i32
    %sign3A_163 = arith.cmpi slt, %add3A, %sign3A_162 : i32
    %sign3A_164 = arith.extui %sign3A_163 : i1 to i32
    %sign3A_165 = arith.subi %sign3A_161, %sign3A_164 : i32
    %sign3A_166 = arith.constant 0 : i32
    %sign3A_167 = arith.cmpi sgt, %jit3A, %sign3A_166 : i32
    %sign3A_168 = arith.extui %sign3A_167 : i1 to i32
    %sign3A_169 = arith.constant 0 : i32
    %sign3A_170 = arith.cmpi slt, %jit3A, %sign3A_169 : i32
    %sign3A_171 = arith.extui %sign3A_170 : i1 to i32
    %sign3A_172 = arith.subi %sign3A_168, %sign3A_171 : i32
    %ne3A = arith.cmpi ne, %sign3A_165, %sign3A_172 : i32
    %rem3A_173 = arith.remsi %add3A, %jit3A : i32
    %ne3A_174 = arith.constant 0 : i32
    %ne3A_175 = arith.cmpi ne, %rem3A_173, %ne3A_174 : i32
    %and3A = arith.andi %ne3A, %ne3A_175 : i1
    %sub3A_176 = arith.constant 1 : i32
    %sub3A_177 = arith.subi %div3A, %sub3A_176 : i32
    %select_n3A = arith.select %and3A, %sub3A_177, %div3A : i32
    %mul3A_178 = arith.constant 256 : i32
    %mul3A_179 = arith.muli %rem3A_3, %mul3A_178 : i32
    "tpu.region"() ({
      %run_scoped3A = tpu.sem_alloc : memref<!tpu.dma_semaphore, #tpu.memory_space<semaphore_mem>>
      %dma_start3A_180 = arith.constant 0 : i32
      %dma_start3A_181 = tpu.memref_slice %arg5[%select_n3A, %dma_start3A_180, %mul3A_179] : memref<4x64x2048xf32, #tpu.memory_space<hbm>> -> memref<1x64x256xf32, #tpu.memory_space<hbm>>
      %dma_start3A_182 = tpu.memref_squeeze %dma_start3A_181 : memref<1x64x256xf32, #tpu.memory_space<hbm>> -> memref<64x256xf32, #tpu.memory_space<hbm>>
      %dma_start3A_183 = arith.constant 0 : i32
      %dma_start3A_184 = tpu.memref_slice %arg5[%select_n3A, %dma_start3A_183, %mul3A_179] : memref<4x64x2048xf32, #tpu.memory_space<hbm>> -> memref<1x64x256xf32, #tpu.memory_space<hbm>>
      %dma_start3A_185 = tpu.memref_squeeze %dma_start3A_184 : memref<1x64x256xf32, #tpu.memory_space<hbm>> -> memref<64x256xf32, #tpu.memory_space<hbm>>
      tpu.enqueue_dma source(%arg7 : memref<64x256xf32, #tpu.memory_space<vmem>>) target(%dma_start3A_185 : memref<64x256xf32, #tpu.memory_space<hbm>>) target_semaphore(%run_scoped3A : memref<!tpu.dma_semaphore, #tpu.memory_space<semaphore_mem>>)
      %dma_wait3A = arith.constant 0 : i32
      %dma_wait3A_186 = tpu.memref_slice %arg5[%select_n3A, %dma_wait3A, %mul3A_179] : memref<4x64x2048xf32, #tpu.memory_space<hbm>> -> memref<1x64x256xf32, #tpu.memory_space<hbm>>
      %dma_wait3A_187 = tpu.memref_squeeze %dma_wait3A_186 : memref<1x64x256xf32, #tpu.memory_space<hbm>> -> memref<64x256xf32, #tpu.memory_space<hbm>>
      %dma_wait3A_188 = arith.constant 0 : i32
      %dma_wait3A_189 = tpu.memref_slice %arg5[%select_n3A, %dma_wait3A_188, %mul3A_179] : memref<4x64x2048xf32, #tpu.memory_space<hbm>> -> memref<1x64x256xf32, #tpu.memory_space<hbm>>
      %dma_wait3A_190 = tpu.memref_squeeze %dma_wait3A_189 : memref<1x64x256xf32, #tpu.memory_space<hbm>> -> memref<64x256xf32, #tpu.memory_space<hbm>>
      tpu.wait_dma2 semaphore(%run_scoped3A : memref<!tpu.dma_semaphore, #tpu.memory_space<semaphore_mem>>) src(%arg7 : memref<64x256xf32, #tpu.memory_space<vmem>>) dst(%dma_wait3A_190 : memref<64x256xf32, #tpu.memory_space<hbm>>)
      tpu.yield
    }) : () -> ()
    return
  }
}

</mosaic_0001>

<sc_bundles>
// kernel: kernel.3.cloned.1.call-start
scs
__scs_entry_jumppad:
0x0: {  	(pc) =	sbr.rel $0x88, $3  }
0x1: {  	(tag) =	ssettag $0x0;
	lr =	simm.s32 $0x1  }
0x2: {  	[smem:$0x3F9F] =	sst lr;
	_ =	strace $0xD0000000  }
0x3: {  	_ = 	snop  }
0x4: {  	_ = 	snop  }
0x5: {  	_ = 	snop  }
0x6: {  	_ = 	snop  }
0x7: {  	_ = 	snop  }
__scs_overlays_trampoline_lowered:
0x8: {  	[smem:$0x3FAE] =	sst s0  }
0x9: {  	[smem:$0x3FAF] =	sst s1  }
0xa: {  	[smem:$0x3FB0] =	sst s2  }
0xb: {  	[smem:$0x3FB1] =	sst s3  }
0xc: {  	[smem:$0x3FB2] =	sst s4  }
0xd: {  	[smem:$0x3FB3] =	sst s5  }
0xe: {  	[smem:$0x3FB4] =	sst s6  }
0xf: {  	[smem:$0x3FB5] =	sst s7  }
0x10: {  	[smem:$0x3FB6] =	sst s8  }
0x11: {  	[smem:$0x3FB7] =	sst s9;
	s0 =	simm.s32 @!p0 $0x0  }
0x12: {  	s1 =	sld [smem:$0x3F9D];
	s0 =	simm.s32 @p0 $0x1  }
0x13: {  	[smem:$0x3FB8] =	sst s0;
	s0 =	simm.s32 @!p1 $0x0  }
0x14: {  	s2 =	sld [smem:$0x3F9C];
	s0 =	simm.s32 @p1 $0x1  }
0x15: {  	[smem:$0x3FB9] =	sst s0;
	s0 =	simm.s32 @!p2 $0x0  }
0x16: {  	s3 =	sld [smem:$0x3FDB];
	s0 =	simm.s32 @p2 $0x1  }
0x17: {  	s4 =	simm.s32 $0x1BF5;
	[smem:$0x3FBB] =	sst s0  }
0x18: {  	s0 =	sld [smem:$0x3F9E];
	_ =	swait.ge [sflag:s4], $0x0  }
0x19: {  	s7 =	sld [smem:$0x3F9F]  }
0x1a: {  	s8 =	sadd.s32 $0xFFFFE003, lr  }
0x1b: {  	s9 =	sadd.s32 $0xFFFFFEF7, lr;
	s5 =	simm.s32 $0xFFFFFFFF;
	p2 =	slt.u32 s8, $0xFFFFF086  }
0x1c: {  	p1 =	slt.u32 s9, $0xF7A;
	s5 =	simm.s32 @!p2 $0x0  }
0x1d: {  	s5 =	simm.s32 @p1 $0x1;
	p0 =	seq.s32 s7, s2  }
0x1e: {  	s7 =	smul.u32 @!p0 $0xF7A, s2;
	p2 =	seq.s32 @!p0 s5, $0x0  }
0x1f: {  	s9 =	smul.u32 $0xF7A, s1;
	s8 =	simm.s32 @!p0 $0x1BF5;
	p2 =	por !p2, p0  }
0x20: {  	[sflag:s8] =	ssyncset.s32 @!p0 $0xFFFFF086;
	s6 =	sadd.s32 @!p0 s3, s7;
	s7 =	simm.s32 @!p0 $0x108  }
0x21: {  	s3 =	sadd.s32 s3, s9;
	s6 =	sadd.s32 @!p0 $0x88, s6;
	s7 =	simm.s32 @p2 $0x1082  }
0x22: {  	[simem:s7], [sflag:s8] =	dma.local @!p0 [hbm:s6], $0xF7A  }
0x23: {  	s9 =	sor.u32 $0xD0000000, s2;
	s6 =	simm.s32 $0x108;
	_ =	swait.ge @!p0 [sflag:s8], $0x0  }
0x24: {  	s3 =	sadd.s32 $0x88, s3;
	s6 =	simm.s32 @!p1 $0x1082;
	[sflag:s4] =	ssyncset.s32 $0xFFFFF086  }
0x25: {  	[simem:s6], [sflag:s4] =	dma.local [hbm:s3], $0xF7A  }
0x26: {  	[smem:$0x3F9F] =	sst s1;
	(tag) =	ssettag s2;
	_ =	strace s9  }
0x27: {  	s1 =	sld [smem:$0x3FAF]  }
0x28: {  	s2 =	sld [smem:$0x3FB0]  }
0x29: {  	s4 =	sld [smem:$0x3FB2]  }
0x2a: {  	p0 =	seq.s32 s5, $0x0;
	s5 =	sld [smem:$0x3FB3]  }
0x2b: {  	s6 =	sld [smem:$0x3FB4]  }
0x2c: {  	s7 =	sld [smem:$0x3FB5]  }
0x2d: {  	s3 =	simm.s32 $0x108;
	s8 =	sld [smem:$0x3FB6]  }
0x2e: {  	s3 =	simm.s32 @!p0 $0x1082;
	s9 =	sld [smem:$0x3FB7]  }
0x2f: {  	lr =	sadd.s32 s0, s3;
	s0 =	sld [smem:$0x3FAE]  }
0x30: {  	s3 =	sld [smem:$0x3FB1]  }
0x31: {  	[smem:$0x3FBA] =	sst s10  }
0x32: {  	s10 =	sld [smem:$0x3FB8];
	_ =	sdelay $0x3  }
0x33: {  	p0 =	seq.s32 s10, $0x1;
	s10 =	sld [smem:$0x3FBA];
	_ =	sdelay $0x3  }
0x34: {  	[smem:$0x3FBA] =	sst s10  }
0x35: {  	s10 =	sld [smem:$0x3FB9];
	_ =	sdelay $0x3  }
0x36: {  	p1 =	seq.s32 s10, $0x1;
	s10 =	sld [smem:$0x3FBA];
	_ =	sdelay $0x3  }
0x37: {  	[smem:$0x3FBA] =	sst s10  }
0x38: {  	s10 =	sld [smem:$0x3FBB]  }
0x39: {  	_ = 	snop;
	(pc) =	sbr.ind lr, $3  }
0x3a: {  	_ = 	snop  }
0x3b: {  	_ = 	snop  }
0x3c: {  	p2 =	seq.s32 s10, $0x1;
	s10 =	sld [smem:$0x3FBA]  }
0x3d: {  	_ =	shalt  }
0x3e: {  	_ =	shalt  }
0x3f: {  	_ =	shalt  }
0x40: {  	_ =	shalt  }
0x41: {  	_ =	shalt  }
0x42: {  	_ =	shalt  }
0x43: {  	_ =	shalt  }
0x44: {  	_ =	shalt  }
0x45: {  	_ =	shalt  }
0x46: {  	_ =	shalt  }
0x47: {  	_ =	shalt  }
0x48: {  	_ =	shalt  }
0x49: {  	_ =	shalt  }
0x4a: {  	_ =	shalt  }
0x4b: {  	_ =	shalt  }
0x4c: {  	_ =	shalt  }
0x4d: {  	_ =	shalt  }
0x4e: {  	_ =	shalt  }
0x4f: {  	_ =	shalt  }
0x50: {  	_ =	shalt  }
0x51: {  	_ =	shalt  }
0x52: {  	_ =	shalt  }
0x53: {  	_ =	shalt  }
0x54: {  	_ =	shalt  }
0x55: {  	_ =	shalt  }
0x56: {  	_ =	shalt  }
0x57: {  	_ =	shalt  }
0x58: {  	_ =	shalt  }
0x59: {  	_ =	shalt  }
0x5a: {  	_ =	shalt  }
0x5b: {  	_ =	shalt  }
0x5c: {  	_ =	shalt  }
0x5d: {  	_ =	shalt  }
0x5e: {  	_ =	shalt  }
0x5f: {  	_ =	shalt  }
0x60: {  	_ =	shalt  }
0x61: {  	_ =	shalt  }
0x62: {  	_ =	shalt  }
0x63: {  	_ =	shalt  }
0x64: {  	_ =	shalt  }
0x65: {  	_ =	shalt  }
0x66: {  	_ =	shalt  }
0x67: {  	_ =	shalt  }
0x68: {  	_ =	shalt  }
0x69: {  	_ =	shalt  }
0x6a: {  	_ =	shalt  }
0x6b: {  	_ =	shalt  }
0x6c: {  	_ =	shalt  }
0x6d: {  	_ =	shalt  }
0x6e: {  	_ =	shalt  }
0x6f: {  	_ =	shalt  }
0x70: {  	_ =	shalt  }
0x71: {  	_ =	shalt  }
0x72: {  	_ =	shalt  }
0x73: {  	_ =	shalt  }
0x74: {  	_ =	shalt  }
0x75: {  	_ =	shalt  }
0x76: {  	_ =	shalt  }
0x77: {  	_ =	shalt  }
0x78: {  	_ =	shalt  }
0x79: {  	_ =	shalt  }
0x7a: {  	_ =	shalt  }
0x7b: {  	_ =	shalt  }
0x7c: {  	_ =	shalt  }
0x7d: {  	_ =	shalt  }
0x7e: {  	_ =	shalt  }
0x7f: {  	_ =	shalt  }
0x80: {  	_ =	shalt  }
0x81: {  	_ =	shalt  }
0x82: {  	_ =	shalt  }
0x83: {  	_ =	shalt  }
0x84: {  	_ =	shalt  }
0x85: {  	_ =	shalt  }
0x86: {  	_ =	shalt  }
0x87: {  	_ =	shalt  }
.Lfunc_end0:
.L_simem_size_0:
called_computation_lowered:
.L_overlay_start_0:
0x88: {  	s2 =	sld [smem:$0x3FD9]  }
0x89: {  	s3 =	sld [smem:$0x3FFE];
	_ =	sdelay $0x1  }
0x8a: {  	s1 =	srdreg.scid  }
0x8b: {  	s0 =	sand.u32 $0x1, s1  }
0x8c: {  	s17 =	sshll.u32 s0, $0xA;
	s2 =	sadd.s32 s3, s2  }
0x8d: {  	s2 =	sadd.s32 s2, s17  }
0x8e: {  	[smem:$0x3FC6] =	sst s2  }
0x8f: {  	_ = 	snop  }
0x90: {  	s2 =	sld [smem:$0x3FC8]  }
0x91: {  	s18 =	sld [smem:$0x3FD0];
	(tm) =	ssettm $0x1  }
0x92: {  	s4 =	sld [smem:$0x3FFB];
	_ =	sdelay $0x3  }
0x93: {  	_ =	strace s4  }
0x94: {  	s4 =	sld [smem:$0x3FFC];
	_ =	sdelay $0x3  }
0x95: {  	_ =	strace s4  }
0x96: {  	s4 =	sld [smem:$0x3FFD];
	_ =	sdelay $0x3  }
0x97: {  	_ =	strace s4  }
0x98: {  	_ =	strace $0x8FFFFFFF  }
0x99: {  	s19 =	sld [smem:$0x3FDB];
	_ =	sdelay $0x1  }
0x9a: {  	s5 =	simm.s32 $_scs_section_size  }
0x9b: {  	s6 =	simm.s32 $_size__tile_overlayer_lowered;
	s7 =	simm.s32 $_tile_overlayer_lowered  }
0x9c: {  	s22 =	simm.s32 $0x1BFF;
	s21 =	sshll.u32 s7, $0x1;
	s4 =	sadd.s32 s5, s19  }
0x9d: {  	s8 =	simm.s32 $0x0;
	s20 =	sshll.u32 s6, $0x1;
	s6 =	sadd.s32 s21, s4  }
0x9e: {  	[timem:s8], [sflag:s22] =	dma.local [hbm:s6], s20  }
0x9f: {  	_ =	swait.ge [sflag:s22], s20  }
0xa0: {  	s5 =	ssub.s32 $0x0, s20;
	[sflag:s22] =	ssyncset.done $0x0  }
0xa1: {  	[sflag:s22] =	ssyncadd.s32 s5;
	_ =	sdelay $0x1  }
0xa2: {  	s23 =	simm.s32 $0x1B8B  }
0xa3: {  	_ =	swait.ge [sflag:s23], $0x1  }
0xa4: {  	[sflag:s23] =	ssyncset.done $0x0  }
0xa5: {  	s25 =	simm.s32 $0x1B8E;
	s24 =	sld [smem:$0x3FFE];
	[sflag:s23] =	ssyncadd.s32 $0xFFFFFFFF  }
0xa6: {  	s26 =	simm.s32 $execute0_lowered;
	[smem:$0x3FD2] =	sst s25  }
0xa7: {  	s6 =	sshll.u32 s26, $0x1;
	_ =	strace $0x80000046;
	[dreg:$0x1] =	wrdreg $0xFFFFFFFF  }
0xa8: {  	s28 =	simm.s32 $_size_execute0_lowered;
	s4 =	sadd.s32 s4, s6;
	[dreg:$0x0] =	wrdreg $0x0  }
0xa9: {  	s6 =	sshll.u32 s28, $0x1;
	[dreg:$0x2] =	wrdreg s4  }
0xaa: {  	[dreg:$0x3] =	wrdreg s6  }
0xab: {  	[dreg:$0x4] =	wrdreg $0xC0  }
0xac: {  	_ =	task [dreg:s8], $0x5FFFF  }
0xad: {  	[dreg:$0x1] =	wrdreg $0xFFFFFFFF  }
0xae: {  	[dreg:$0x0] =	wrdreg $0x60  }
0xaf: {  	[dreg:$0x2] =	wrdreg s24  }
0xb0: {  	[dreg:$0x3] =	wrdreg s2  }
0xb1: {  	[dreg:$0x4] =	wrdreg s18  }
0xb2: {  	[dreg:$0x5] =	wrdreg $0x9  }
0xb3: {  	_ =	task.clear_ibuf [dreg:s8], $0x6FFFF;
	_ =	strace $0x90000046  }
0xb4: {  	s29 =	simm.s32 $0x9;
	_ =	strace $0x80000048  }
0xb5: {  	_ =	swait.ge [sflag:s29], $0x1  }
0xb6: {  	[sflag:s29] =	ssyncadd.s32 $0xFFFFFFFF  }
0xb7: {  	_ =	strace $0x90000048  }
0xb8: {  	_ =	sfence  }
0xb9: {  	s30 =	sld [smem:$0x0];
	_ =	sdelay $0x2  }
0xba: {  	s31 =	sshll.u32 s1, $0xD;
	s1 =	sshrl.u32 s1, $0x2  }
0xbb: {  	s3 =	sand.u32 $0x4000, s31;
	s1 =	sadd.s32 s1, s30  }
0xbc: {  	s0 =	sor.u32 s3, s0;
	s1 =	sshll.u32 s1, $0x11  }
0xbd: {  	s0 =	sor.u32 s1, s0  }
0xbe: {  	s0 =	sadd.s32 $0x8F2B, s0  }
0xbf: {  	[sflag:s0] =	ssyncadd.remote.s32 $0x1  }
0xc0: {  	_ =	sfence.sel $0xFFFF  }
0xc1: {  	[dreg:$0x0] =	wrdreg $0xFFFFFFFF;
	(pc) =	sbr.abs _section_cstart, $3  }
0xc2: {  	[dreg:$0x1] =	wrdreg $0xFFFFFFFF  }
0xc3: {  	_ =	task.clear_ibuf [dreg:s8], $0x2FFFF;
	_ =	strace $0x9FFFFFFF  }
0xc4: {  	(tm) =	ssettm $0x7FFFFFFF  }
0xc5: {  	_ =	shalt  }
tec
execute0_lowered:
.L_overlay_start_1:
0x0: {  	(tag) =	ssettag $0x1  }
0x1: {  	v0 =	vimm.s32 $0xB80;
	vm14 =	vcmask $0x300;
	vm13 =	vcmask $0x704  }
0x2: {  	vm12 =	vcmask $0xB08;
	vm11 =	vcmask $0xF0C;
	vm10 =	vcmask $0x1310  }
0x3: {  	vm9 =	vcmask $0x1714;
	vm8 =	vcmask $0x1B18;
	vm7 =	vcmask $0x1F1C  }
0x4: {  	vm6 =	vcmask $0x2320;
	vm5 =	vcmask $0x2724;
	vm4 =	vcmask $0x2B28  }
0x5: {  	vm3 =	vcmask $0x2F2C;
	v1 =	vlaneseq.u32;
	vm2 =	vcmask $0x3330  }
0x6: {  	vm1 =	vcmask $0x3734;
	vm0 =	vcmask $0x3B38;
	v3 =	vimm.s32 $0x1B80  }
0x7: {  	v4 =	vimm.s32 $0x2B80;
	v5 =	vimm.s32 $0x3B80;
	v0 =	vsel vm14, $0x0, v0  }
0x8: {  	v3 =	vsel vm14, $0x1000, v3;
	v4 =	vsel vm14, $0x2000, v4;
	v5 =	vsel vm14, $0x3000, v5  }
0x9: {  	v0 =	vsel vm13, $0x80, v0;
	v3 =	vsel vm13, $0x1080, v3;
	v4 =	vsel vm13, $0x2080, v4  }
0xa: {  	v5 =	vsel vm13, $0x3080, v5;
	v0 =	vsel vm12, $0x100, v0;
	v3 =	vsel vm12, $0x1100, v3  }
0xb: {  	s1 =	rddreg [dreg:$0x0];
	v4 =	vsel vm12, $0x2100, v4;
	v5 =	vsel vm12, $0x3100, v5;
	v0 =	vsel vm11, $0x180, v0  }
0xc: {  	s0 =	rddreg [dreg:$0x1];
	v3 =	vsel vm11, $0x1180, v3;
	v4 =	vsel vm11, $0x2180, v4;
	v5 =	vsel vm11, $0x3180, v5  }
0xd: {  	s2 =	srdreg.scid;
	s6 =	stileid.u32;
	v0 =	vsel vm10, $0x200, v0;
	v3 =	vsel vm10, $0x1200, v3;
	v4 =	vsel vm10, $0x2200, v4  }
0xe: {  	s3 =	rddreg [dreg:$0x2];
	s5 =	simm.s32 $0x0;
	s9 =	simm.s32 $0x400;
	v5 =	vsel vm10, $0x3200, v5;
	v0 =	vsel vm9, $0x280, v0;
	v3 =	vsel vm9, $0x1280, v3  }
0xf: {  	s12 =	simm.s32 $0x6180;
	s13 =	simm.s32 $0x8180;
	s14 =	simm.s32 $0xA180;
	v4 =	vsel vm9, $0x2280, v4;
	v5 =	vsel vm9, $0x3280, v5;
	v0 =	vsel vm8, $0x300, v0  }
0x10: {  	s15 =	simm.s32 $0xC180;
	s16 =	simm.s32 $0xE180;
	s8 =	simm.s32 $0x10180;
	v3 =	vsel vm8, $0x1300, v3;
	v4 =	vsel vm8, $0x2300, v4;
	v5 =	vsel vm8, $0x3300, v5  }
0x11: {  	s30 =	simm.s32 $0x12180;
	s21 =	simm.s32 $0x180;
	s31 =	simm.s32 $0x6;
	v0 =	vsel vm7, $0x380, v0;
	v3 =	vsel vm7, $0x1380, v3;
	v4 =	vsel vm7, $0x2380, v4  }
0x12: {  	s17 =	simm.s32 $0xE180;
	s23 =	simm.s32 $0x7;
	s18 =	simm.s32 $0x8;
	v5 =	vsel vm7, $0x3380, v5;
	v0 =	vsel vm6, $0x800, v0;
	v3 =	vsel vm6, $0x1800, v3  }
0x13: {  	s2 =	sand.u32 $0x1, s2;
	s4 =	sshll.u32 s6, $0x1;
	[smem:$0x7FF] =	sst s5;
	v4 =	vsel vm6, $0x2800, v4;
	v5 =	vsel vm6, $0x3800, v5;
	v0 =	vsel vm5, $0x880, v0  }
0x14: {  	s6 =	sshll.u32 s6, $0xC;
	s4 =	sor.u32 s2, s4;
	_ =	strace $0x80000047;
	v3 =	vsel vm5, $0x1880, v3;
	v4 =	vsel vm5, $0x2880, v4;
	v5 =	vsel vm5, $0x3880, v5  }
0x15: {  	s2 =	ssub.s32 $0x2, s2;
	s6 =	sand.u32 $0xC000, s6;
	s26 =	sshll.u32 s4, $0x5;
	v0 =	vsel vm4, $0x900, v0;
	v3 =	vsel vm4, $0x1900, v3;
	v4 =	vsel vm4, $0x2900, v4  }
0x16: {  	s4 =	sshll.u32 s4, $0x8;
	s7 =	sshrl.u32 s2, $0x1;
	s3 =	sadd.s32 s3, s6;
	v5 =	vsel vm4, $0x3900, v5;
	v2 =	vsel vm3, $0x980, v0;
	v0 =	vmul.u32 $0x80, v1  }
0x17: {  	s5 =	sadd.s32 s26, s1;
	s2 =	ssub.s32 s2, s7;
	s7 =	simm.s32 $0x7A1400;
	v3 =	vsel vm3, $0x1980, v3;
	v4 =	vsel vm3, $0x2980, v4;
	v5 =	vsel vm3, $0x3980, v5  }
.Ltmp0:
0x18: {  	s4 =	sand.u32 $0x700, s4;
	s5 =	sadd.s32 $0x400, s5;
	v1 =	vsel vm2, $0xA00, v2;
	v3 =	vsel vm2, $0x1A00, v3;
	v6 =	vsel vm2, $0x2A00, v4;
	(pc) =	sbr.rel .LBB2_1-.Ltmp0, $4  }
0x19: {  	s1 =	sadd.s32 s4, s1;
	s28 =	sadd.s32 s4, s3;
	[dreg:$0x4] =	wrdreg s5;
	v5 =	vsel vm2, $0x3A00, v5;
	v1 =	vsel vm1, $0xA80, v1;
	v2 =	vor.u32 $0x800, v0  }
0x1a: {  	s29 =	smax.u32 s2, $0x1;
	s3 =	simm.s32 $0x9;
	[dreg:$0x6] =	wrdreg s28;
	v3 =	vsel vm1, $0x1A80, v3;
	v4 =	vor.u32 $0x1000, v0;
	v6 =	vsel vm1, $0x2A80, v6  }
0x1b: {  	s4 =	simm.s32 $0x800;
	s1 =	sadd.s32 $0x800, s1;
	[dreg:$0x7] =	wrdreg s29;
	v7 =	vsel vm1, $0x3A80, v5;
	v1 =	vsel vm0, $0xB00, v1;
	v3 =	vsel vm0, $0x1B00, v3  }
0x1c: {  	s2 =	simm.s32 $0x0;
	s5 =	simm.s32 $0x4000;
	[dreg:$0x5] =	wrdreg s1;
	v5 =	vsel vm0, $0x2B00, v6;
	v6 =	vor.u32 $0x1800, v0;
	v7 =	vsel vm0, $0x3B00, v7  }
.LBB2_4:
0x1d: {  	s1 =	rddreg [dreg:$0x6]  }
0x1e: {  	s4 =	simm.s32 $0x800;
	s5 =	simm.s32 $0x4000;
	s3 =	simm.s32 $0x9  }
0x1f: {  	[hbm4b:s1+s4] =	stream.strided.scatter [tilespmem:s21], [sflag:$0x9], $0x4000, s5, s4, $0x38;
	[tilespmem:$0x14180] =	vst v63  }
0x20: {  	_ =	swait.ge [sflag:s3], $0x4000  }
0x21: {  	s2 =	rddreg [dreg:$0x8]  }
0x22: {  	s29 =	rddreg [dreg:$0x7];
	s2 =	sadd.s32 $0x1, s2  }
0x23: {  	p0 =	sne.s32 s2, s29  }
.Ltmp1:
0x24: {  	_ = 	snop;
	(pc) =	sbr.rel @!p0 .LBB2_5-.Ltmp1, $3  }
0x25: {  	_ =	sdelay $0x1  }
0x26: {  	[sflag:s3] =	ssyncset.done $0x0  }
0x27: {  	s7 =	simm.s32 $0x7A1400;
	s9 =	simm.s32 $0x400;
	[sflag:s3] =	ssyncadd.s32 $0xFFFFC000  }
.LBB2_1:
0x28: {  	[dreg:$0x8] =	wrdreg s2  }
0x29: {  	s1 =	simm.s32 $0x0;
	s24 =	rddreg [dreg:$0x4]  }
0x2a: {  	[tilespmem:s1], [sflag:$0x9] =	stream.linear.gather [hbm4b:s24+s1], $0x100, $0x38;
	[tilespmem:$0x14180] =	vst v63  }
0x2b: {  	_ =	swait.ge [sflag:s3], $0x100  }
0x2c: {  	[sflag:s3] =	ssyncset.done $0x0  }
0x2d: {  	[sflag:s3] =	ssyncadd.s32 $0xFFFFFF00  }
0x2e: {  	v8 =	vld [tilespmem:$0x0];
	_ =	sdelay $0x4  }
0x2f: {  	(v2sf) =	vpush v8, $0x0;
	_ =	sdelay $0x2  }
0x30: {  	(v2sf) =	vpush v8, $0x1;
	_ =	sdelay $0x3  }
0x31: {  	(v2sf) =	vpush v8, $0x2;
	_ =	sdelay $0x7  }
0x32: {  	s25 =	spop (v2sf);
	(v2sf) =	vpush v8, $0x3  }
0x33: {  	s26 =	sshra.s32 s25, $0x1F  }
0x34: {  	s2 =	sshrl.u32 s26, $0x19  }
0x35: {  	s29 =	spop (v2sf);
	s1 =	sadd.s32 s2, s25  }
0x36: {  	s6 =	sshra.s32 s29, $0x1F;
	s1 =	sand.u32 $0xFFFFF80, s1  }
0x37: {  	s28 =	simm.s32 $0x4180;
	s2 =	sshrl.u32 s6, $0x19;
	s1 =	sadd.s32 s0, s1  }
0x38: {  	[tilespmem:s28], [sflag:$0x1] =	stream.strided.gather [hbm4b:s1+s9], $0x2000, s7, s9, $0x38;
	[tilespmem:$0x14180] =	vst v63  }
0x39: {  	(v2sf) =	vpush v8, $0x4;
	s10 =	spop (v2sf);
	s1 =	sadd.s32 s2, s29  }
0x3a: {  	s11 =	sshra.s32 s10, $0x1F;
	s1 =	sand.u32 $0xFFFFF80, s1  }
0x3b: {  	s2 =	sshrl.u32 s11, $0x19;
	s1 =	sadd.s32 s0, s1  }
0x3c: {  	[tilespmem:s12], [sflag:$0x2] =	stream.strided.gather [hbm4b:s1+s9], $0x2000, s7, s9, $0x38;
	[tilespmem:$0x14180] =	vst v63  }
0x3d: {  	(v2sf) =	vpush v8, $0x5;
	s1 =	sadd.s32 s2, s10  }
0x3e: {  	s1 =	sand.u32 $0xFFFFF80, s1  }
0x3f: {  	s1 =	sadd.s32 s0, s1  }
0x40: {  	[tilespmem:s13], [sflag:$0x3] =	stream.strided.gather [hbm4b:s1+s9], $0x2000, s7, s9, $0x38;
	[tilespmem:$0x14180] =	vst v63  }
0x41: {  	s12 =	spop (v2sf)  }
0x42: {  	s13 =	sshra.s32 s12, $0x1F  }
0x43: {  	(v2sf) =	vpush v8, $0x6;
	s2 =	sshrl.u32 s13, $0x19  }
0x44: {  	s1 =	sadd.s32 s2, s12  }
0x45: {  	s1 =	sand.u32 $0xFFFFF80, s1  }
0x46: {  	s1 =	sadd.s32 s0, s1  }
0x47: {  	[tilespmem:s14], [sflag:$0x4] =	stream.strided.gather [hbm4b:s1+s9], $0x2000, s7, s9, $0x38;
	[tilespmem:$0x14180] =	vst v63  }
0x48: {  	s14 =	spop (v2sf)  }
0x49: {  	s19 =	sshra.s32 s14, $0x1F  }
0x4a: {  	s2 =	sshrl.u32 s19, $0x19  }
0x4b: {  	(v2sf) =	vpush v8, $0x7;
	s1 =	sadd.s32 s2, s14  }
0x4c: {  	s20 =	spop (v2sf);
	s1 =	sand.u32 $0xFFFFF80, s1  }
0x4d: {  	s22 =	sshra.s32 s20, $0x1F;
	s1 =	sadd.s32 s0, s1  }
0x4e: {  	[tilespmem:s15], [sflag:$0x5] =	stream.strided.gather [hbm4b:s1+s9], $0x2000, s7, s9, $0x38;
	[tilespmem:$0x14180] =	vst v63  }
0x4f: {  	s1 =	sshrl.u32 s22, $0x19  }
0x50: {  	s1 =	sadd.s32 s1, s20  }
0x51: {  	s1 =	sand.u32 $0xFFFFF80, s1  }
0x52: {  	s24 =	spop (v2sf);
	s1 =	sadd.s32 s0, s1  }
0x53: {  	[tilespmem:s16], [sflag:$0x6] =	stream.strided.gather [hbm4b:s1+s9], $0x2000, s7, s9, $0x38;
	[tilespmem:$0x14180] =	vst v63  }
0x54: {  	s25 =	sshra.s32 s24, $0x1F  }
0x55: {  	s1 =	sshrl.u32 s25, $0x19  }
0x56: {  	s1 =	sadd.s32 s1, s24  }
0x57: {  	s1 =	sand.u32 $0xFFFFF80, s1  }
0x58: {  	s1 =	sadd.s32 s0, s1  }
0x59: {  	[tilespmem:s8], [sflag:$0x7] =	stream.strided.gather [hbm4b:s1+s9], $0x2000, s7, s9, $0x38;
	[tilespmem:$0x14180] =	vst v63  }
0x5a: {  	s26 =	spop (v2sf)  }
0x5b: {  	s28 =	sshra.s32 s26, $0x1F  }
0x5c: {  	s2 =	sshrl.u32 s28, $0x19  }
0x5d: {  	s1 =	sadd.s32 s2, s26  }
0x5e: {  	s1 =	sand.u32 $0xFFFFF80, s1  }
0x5f: {  	s1 =	sadd.s32 s0, s1  }
0x60: {  	[tilespmem:s30], [sflag:$0x8] =	stream.strided.gather [hbm4b:s1+s9], $0x2000, s7, s9, $0x38;
	[tilespmem:$0x14180] =	vst v63  }
0x61: {  	s29 =	rddreg [dreg:$0x5]  }
0x62: {  	[tilespmem:s21], [sflag:$0x9] =	stream.strided.gather [hbm4b:s29+s4], $0x4000, s5, s4, $0x38;
	[tilespmem:$0x14180] =	vst v63  }
0x63: {  	_ =	swait.ge [sflag:s3], $0x4000  }
0x64: {  	[sflag:s3] =	ssyncset.done $0x0  }
0x65: {  	s2 =	simm.s32 $0xF;
	s1 =	simm.s32 $0x10;
	[sflag:s3] =	ssyncadd.s32 $0xFFFFC000  }
.LBB2_2:
0x66: {  	v9 =	vld [tilespmem:s1+$0xFFFFFFF0];
	_ =	sdelay $0x2  }
0x67: {  	[dreg:$0x9] =	wrdreg s1;
	s11 =	simm.s32 $0x1  }
0x68: {  	v8 =	vld [tilespmem:s1+$0x0];
	_ =	swait.ge [sflag:s11], $0x2000  }
0x69: {  	(v2sf) =	vpush v9, $0x0;
	_ =	sdelay $0xe  }
0x6a: {  	s3 =	spop (v2sf)  }
0x6b: {  	s4 =	sshra.s32 s3, $0x1F  }
0x6c: {  	s4 =	sshrl.u32 s4, $0x19  }
0x6d: {  	s4 =	sadd.s32 s4, s3  }
0x6e: {  	s4 =	sand.u32 $0xFFFFFF80, s4  }
0x6f: {  	s3 =	ssub.s32 s3, s4  }
0x70: {  	v10 =	vadd.s32 s3, v0;
	_ =	sdelay $0x1  }
0x71: {  	s12 =	sadd.s32 $0xFFFFFFF1, s2  }
0x72: {  	v11 =	vmov s12;
	[sflag:s11] =	ssyncset.done $0x0  }
0x73: {  	s12 =	simm.s32 $0x4180;
	v12 =	vshll.u32 v11, $0x3;
	[sflag:s11] =	ssyncadd.s32 $0xFFFFE000  }
0x74: {  	v11 =	vand.u32 $0x70, v11;
	v12 =	vand.u32 $0x400, v12;
	v10 =	vld.idx.msk [tilespmem:v10+s12+$0x0], $0xffff  }
0x75: {  	v11 =	vor.u32 v11, v12  }
0x76: {  	v12 =	vor.u32 v1, v11  }
0x77: {  	v13 =	vadd.s32 s3, v2;
	_ =	sdelay $0x1  }
0x78: {  	v10 =	vmul.f32 $8.000000000e+00, v10;
	_ =	sdelay $0x1  }
0x79: {  	[tilespmem:v12+s21+$0x0] =	vst.idx.add.f32.msk $0xffff, v10  }
0x7a: {  	v10 =	vld.idx.msk [tilespmem:v13+s12+$0x0], $0xffff;
	_ =	sdelay $0x1  }
0x7b: {  	v44 =	vor.u32 v3, v11  }
0x7c: {  	(v2sf) =	vpush v9, $0x8;
	v45 =	vadd.s32 s3, v4;
	_ =	sdelay $0x1  }
0x7d: {  	v10 =	vmul.f32 $8.000000000e+00, v10;
	_ =	sdelay $0x1  }
0x7e: {  	[tilespmem:v44+s21+$0x0] =	vst.idx.add.f32.msk $0xffff, v10  }
0x7f: {  	v10 =	vld.idx.msk [tilespmem:v45+s12+$0x0], $0xffff;
	_ =	sdelay $0x1  }
0x80: {  	v46 =	vor.u32 v5, v11  }
0x81: {  	v47 =	vadd.s32 s3, v6;
	_ =	sdelay $0x1  }
0x82: {  	v10 =	vmul.f32 $8.000000000e+00, v10;
	_ =	sdelay $0x1  }
0x83: {  	[tilespmem:v46+s21+$0x0] =	vst.idx.add.f32.msk $0xffff, v10  }
0x84: {  	v10 =	vld.idx.msk [tilespmem:v47+s12+$0x0], $0xffff;
	_ =	sdelay $0x1  }
0x85: {  	v11 =	vor.u32 v7, v11;
	s3 =	spop (v2sf)  }
0x86: {  	s13 =	sshra.s32 s3, $0x1F  }
0x87: {  	s4 =	sshrl.u32 s13, $0x19  }
0x88: {  	s11 =	sadd.s32 s4, s3;
	v10 =	vmul.f32 $8.000000000e+00, v10  }
0x89: {  	s4 =	sand.u32 $0xFFFFF80, s11  }
0x8a: {  	s14 =	simm.s32 $0x2;
	s4 =	sadd.s32 s0, s4;
	[tilespmem:v11+s21+$0x0] =	vst.idx.add.f32.msk $0xffff, v10  }
0x8b: {  	[tilespmem:s12], [sflag:$0x1] =	stream.strided.gather [hbm4b:s4+s9], $0x2000, s7, s9, $0x38;
	[tilespmem:$0x14180] =	vst v63  }
0x8c: {  	_ =	swait.ge [sflag:s14], $0x2000  }
0x8d: {  	(v2sf) =	vpush v9, $0x1;
	_ =	sdelay $0xe  }
0x8e: {  	s15 =	spop (v2sf)  }
0x8f: {  	s5 =	sshra.s32 s15, $0x1F  }
0x90: {  	s5 =	sshrl.u32 s5, $0x19  }
0x91: {  	s5 =	sadd.s32 s5, s15  }
0x92: {  	s5 =	sand.u32 $0xFFFFFF80, s5  }
0x93: {  	s4 =	ssub.s32 s15, s5  }
0x94: {  	v10 =	vadd.s32 s4, v0;
	_ =	sdelay $0x1  }
0x95: {  	s16 =	sadd.s32 $0xFFFFFFF2, s2  }
0x96: {  	v11 =	vmov s16;
	[sflag:s14] =	ssyncset.done $0x0  }
0x97: {  	s13 =	simm.s32 $0x6180;
	v48 =	vshll.u32 v11, $0x3;
	[sflag:s14] =	ssyncadd.s32 $0xFFFFE000  }
0x98: {  	v11 =	vand.u32 $0x71, v11;
	v12 =	vand.u32 $0x400, v48;
	v10 =	vld.idx.msk [tilespmem:v10+s13+$0x0], $0xffff  }
0x99: {  	v11 =	vor.u32 v11, v12  }
0x9a: {  	v12 =	vor.u32 v1, v11  }
0x9b: {  	v49 =	vadd.s32 s4, v2;
	_ =	sdelay $0x1  }
0x9c: {  	v10 =	vmul.f32 $8.000000000e+00, v10;
	_ =	sdelay $0x1  }
0x9d: {  	[tilespmem:v12+s21+$0x0] =	vst.idx.add.f32.msk $0xffff, v10  }
0x9e: {  	v10 =	vld.idx.msk [tilespmem:v49+s13+$0x0], $0xffff;
	_ =	sdelay $0x1  }
0x9f: {  	v50 =	vor.u32 v3, v11  }
0xa0: {  	(v2sf) =	vpush v9, $0x9;
	v51 =	vadd.s32 s4, v4;
	_ =	sdelay $0x1  }
0xa1: {  	v10 =	vmul.f32 $8.000000000e+00, v10;
	_ =	sdelay $0x1  }
0xa2: {  	[tilespmem:v50+s21+$0x0] =	vst.idx.add.f32.msk $0xffff, v10  }
0xa3: {  	v10 =	vld.idx.msk [tilespmem:v51+s13+$0x0], $0xffff;
	_ =	sdelay $0x1  }
0xa4: {  	v52 =	vor.u32 v5, v11  }
0xa5: {  	v53 =	vadd.s32 s4, v6;
	_ =	sdelay $0x1  }
0xa6: {  	v10 =	vmul.f32 $8.000000000e+00, v10;
	_ =	sdelay $0x1  }
0xa7: {  	[tilespmem:v52+s21+$0x0] =	vst.idx.add.f32.msk $0xffff, v10  }
0xa8: {  	v10 =	vld.idx.msk [tilespmem:v53+s13+$0x0], $0xffff;
	_ =	sdelay $0x1  }
0xa9: {  	v11 =	vor.u32 v7, v11;
	s10 =	spop (v2sf)  }
0xaa: {  	s19 =	sshra.s32 s10, $0x1F  }
0xab: {  	s5 =	sshrl.u32 s19, $0x19  }
0xac: {  	s7 =	sadd.s32 s5, s10;
	v10 =	vmul.f32 $8.000000000e+00, v10  }
0xad: {  	s5 =	sand.u32 $0xFFFFF80, s7  }
0xae: {  	s6 =	simm.s32 $0x7A1400;
	s20 =	simm.s32 $0x3;
	s5 =	sadd.s32 s0, s5;
	[tilespmem:v11+s21+$0x0] =	vst.idx.add.f32.msk $0xffff, v10  }
0xaf: {  	[tilespmem:s13], [sflag:$0x2] =	stream.strided.gather [hbm4b:s5+s9], $0x2000, s6, s9, $0x38;
	[tilespmem:$0x14180] =	vst v63  }
0xb0: {  	_ =	swait.ge [sflag:s20], $0x2000  }
0xb1: {  	(v2sf) =	vpush v9, $0x2;
	_ =	sdelay $0xe  }
0xb2: {  	s22 =	spop (v2sf)  }
0xb3: {  	s8 =	sshra.s32 s22, $0x1F  }
0xb4: {  	s8 =	sshrl.u32 s8, $0x19  }
0xb5: {  	s8 =	sadd.s32 s8, s22  }
0xb6: {  	s8 =	sand.u32 $0xFFFFFF80, s8  }
0xb7: {  	s5 =	ssub.s32 s22, s8  }
0xb8: {  	v10 =	vadd.s32 s5, v0;
	_ =	sdelay $0x1  }
0xb9: {  	s24 =	sadd.s32 $0xFFFFFFF3, s2  }
0xba: {  	v11 =	vmov s24;
	[sflag:s20] =	ssyncset.done $0x0  }
0xbb: {  	s14 =	simm.s32 $0x8180;
	v54 =	vshll.u32 v11, $0x3;
	[sflag:s20] =	ssyncadd.s32 $0xFFFFE000  }
0xbc: {  	v11 =	vand.u32 $0x72, v11;
	v12 =	vand.u32 $0x400, v54;
	v10 =	vld.idx.msk [tilespmem:v10+s14+$0x0], $0xffff  }
0xbd: {  	v11 =	vor.u32 v11, v12  }
0xbe: {  	v12 =	vor.u32 v1, v11  }
0xbf: {  	v55 =	vadd.s32 s5, v2;
	_ =	sdelay $0x1  }
0xc0: {  	v10 =	vmul.f32 $8.000000000e+00, v10;
	_ =	sdelay $0x1  }
0xc1: {  	[tilespmem:v12+s21+$0x0] =	vst.idx.add.f32.msk $0xffff, v10  }
0xc2: {  	v10 =	vld.idx.msk [tilespmem:v55+s14+$0x0], $0xffff;
	_ =	sdelay $0x1  }
0xc3: {  	v56 =	vor.u32 v3, v11  }
0xc4: {  	(v2sf) =	vpush v9, $0xA;
	v57 =	vadd.s32 s5, v4;
	_ =	sdelay $0x1  }
0xc5: {  	v10 =	vmul.f32 $8.000000000e+00, v10;
	_ =	sdelay $0x1  }
0xc6: {  	[tilespmem:v56+s21+$0x0] =	vst.idx.add.f32.msk $0xffff, v10  }
0xc7: {  	v10 =	vld.idx.msk [tilespmem:v57+s14+$0x0], $0xffff;
	_ =	sdelay $0x1  }
0xc8: {  	v58 =	vor.u32 v5, v11  }
0xc9: {  	v59 =	vadd.s32 s5, v6;
	_ =	sdelay $0x1  }
0xca: {  	v10 =	vmul.f32 $8.000000000e+00, v10;
	_ =	sdelay $0x1  }
0xcb: {  	[tilespmem:v58+s21+$0x0] =	vst.idx.add.f32.msk $0xffff, v10  }
0xcc: {  	v10 =	vld.idx.msk [tilespmem:v59+s14+$0x0], $0xffff;
	_ =	sdelay $0x1  }
0xcd: {  	v11 =	vor.u32 v7, v11;
	s5 =	spop (v2sf)  }
0xce: {  	s25 =	sshra.s32 s5, $0x1F  }
0xcf: {  	s8 =	sshrl.u32 s25, $0x19  }
0xd0: {  	s20 =	sadd.s32 s8, s5;
	v10 =	vmul.f32 $8.000000000e+00, v10  }
0xd1: {  	s8 =	sand.u32 $0xFFFFF80, s20  }
0xd2: {  	s26 =	simm.s32 $0x4;
	s8 =	sadd.s32 s0, s8;
	[tilespmem:v11+s21+$0x0] =	vst.idx.add.f32.msk $0xffff, v10  }
0xd3: {  	[tilespmem:s14], [sflag:$0x3] =	stream.strided.gather [hbm4b:s8+s9], $0x2000, s6, s9, $0x38;
	[tilespmem:$0x14180] =	vst v63  }
0xd4: {  	_ =	swait.ge [sflag:s26], $0x2000  }
0xd5: {  	(v2sf) =	vpush v9, $0x3;
	_ =	sdelay $0xe  }
0xd6: {  	s28 =	spop (v2sf)  }
0xd7: {  	s19 =	sshra.s32 s28, $0x1F  }
0xd8: {  	s19 =	sshrl.u32 s19, $0x19  }
0xd9: {  	s19 =	sadd.s32 s19, s28  }
0xda: {  	s19 =	sand.u32 $0xFFFFFF80, s19  }
0xdb: {  	s8 =	ssub.s32 s28, s19  }
0xdc: {  	v10 =	vadd.s32 s8, v0;
	_ =	sdelay $0x1  }
0xdd: {  	s29 =	sadd.s32 $0xFFFFFFF4, s2  }
0xde: {  	v11 =	vmov s29;
	[sflag:s26] =	ssyncset.done $0x0  }
0xdf: {  	s15 =	simm.s32 $0xA180;
	v60 =	vshll.u32 v11, $0x3;
	[sflag:s26] =	ssyncadd.s32 $0xFFFFE000  }
0xe0: {  	v11 =	vand.u32 $0x73, v11;
	v12 =	vand.u32 $0x400, v60;
	v10 =	vld.idx.msk [tilespmem:v10+s15+$0x0], $0xffff  }
0xe1: {  	v11 =	vor.u32 v11, v12  }
0xe2: {  	v12 =	vor.u32 v1, v11  }
0xe3: {  	v61 =	vadd.s32 s8, v2;
	_ =	sdelay $0x1  }
0xe4: {  	v10 =	vmul.f32 $8.000000000e+00, v10;
	_ =	sdelay $0x1  }
0xe5: {  	[tilespmem:v12+s21+$0x0] =	vst.idx.add.f32.msk $0xffff, v10  }
0xe6: {  	v10 =	vld.idx.msk [tilespmem:v61+s15+$0x0], $0xffff;
	_ =	sdelay $0x1  }
0xe7: {  	v62 =	vor.u32 v3, v11  }
0xe8: {  	(v2sf) =	vpush v9, $0xB;
	v63 =	vadd.s32 s8, v4;
	_ =	sdelay $0x1  }
0xe9: {  	v10 =	vmul.f32 $8.000000000e+00, v10;
	_ =	sdelay $0x1  }
0xea: {  	[tilespmem:v62+s21+$0x0] =	vst.idx.add.f32.msk $0xffff, v10  }
0xeb: {  	v10 =	vld.idx.msk [tilespmem:v63+s15+$0x0], $0xffff;
	_ =	sdelay $0x1  }
0xec: {  	v16 =	vor.u32 v5, v11  }
0xed: {  	v17 =	vadd.s32 s8, v6;
	_ =	sdelay $0x1  }
0xee: {  	v10 =	vmul.f32 $8.000000000e+00, v10;
	_ =	sdelay $0x1  }
0xef: {  	[tilespmem:v16+s21+$0x0] =	vst.idx.add.f32.msk $0xffff, v10  }
0xf0: {  	v10 =	vld.idx.msk [tilespmem:v17+s15+$0x0], $0xffff;
	_ =	sdelay $0x1  }
0xf1: {  	v11 =	vor.u32 v7, v11;
	s19 =	spop (v2sf)  }
0xf2: {  	s4 =	sshra.s32 s19, $0x1F  }
0xf3: {  	s8 =	sshrl.u32 s4, $0x19  }
0xf4: {  	s8 =	sadd.s32 s8, s19;
	v10 =	vmul.f32 $8.000000000e+00, v10  }
0xf5: {  	[dreg:$0xa] =	wrdreg s8;
	s8 =	sand.u32 $0xFFFFF80, s8  }
0xf6: {  	s16 =	simm.s32 $0x5;
	s8 =	sadd.s32 s0, s8;
	[tilespmem:v11+s21+$0x0] =	vst.idx.add.f32.msk $0xffff, v10  }
0xf7: {  	[tilespmem:s15], [sflag:$0x4] =	stream.strided.gather [hbm4b:s8+s9], $0x2000, s6, s9, $0x38;
	[tilespmem:$0x14180] =	vst v63  }
0xf8: {  	_ =	swait.ge [sflag:s16], $0x2000  }
0xf9: {  	(v2sf) =	vpush v9, $0x4;
	_ =	sdelay $0xe  }
0xfa: {  	s24 =	spop (v2sf)  }
0xfb: {  	s22 =	sshra.s32 s24, $0x1F  }
0xfc: {  	s22 =	sshrl.u32 s22, $0x19  }
0xfd: {  	s22 =	sadd.s32 s22, s24  }
0xfe: {  	s22 =	sand.u32 $0xFFFFFF80, s22  }
0xff: {  	s8 =	ssub.s32 s24, s22  }
0x100: {  	v10 =	vadd.s32 s8, v0;
	_ =	sdelay $0x1  }
0x101: {  	s25 =	sadd.s32 $0xFFFFFFF5, s2  }
0x102: {  	v11 =	vmov s25;
	[sflag:s16] =	ssyncset.done $0x0  }
0x103: {  	v18 =	vshll.u32 v11, $0x3;
	[sflag:s16] =	ssyncadd.s32 $0xFFFFE000;
	s16 =	simm.s32 $0xC180  }
0x104: {  	v11 =	vand.u32 $0x74, v11;
	v12 =	vand.u32 $0x400, v18;
	v10 =	vld.idx.msk [tilespmem:v10+s16+$0x0], $0xffff  }
0x105: {  	v11 =	vor.u32 v11, v12  }
0x106: {  	v12 =	vor.u32 v1, v11  }
0x107: {  	v19 =	vadd.s32 s8, v2;
	_ =	sdelay $0x1  }
0x108: {  	v10 =	vmul.f32 $8.000000000e+00, v10;
	_ =	sdelay $0x1  }
0x109: {  	[tilespmem:v12+s21+$0x0] =	vst.idx.add.f32.msk $0xffff, v10  }
0x10a: {  	v10 =	vld.idx.msk [tilespmem:v19+s16+$0x0], $0xffff;
	_ =	sdelay $0x1  }
0x10b: {  	v20 =	vor.u32 v3, v11  }
0x10c: {  	(v2sf) =	vpush v9, $0xC;
	v21 =	vadd.s32 s8, v4;
	_ =	sdelay $0x1  }
0x10d: {  	v10 =	vmul.f32 $8.000000000e+00, v10;
	_ =	sdelay $0x1  }
0x10e: {  	[tilespmem:v20+s21+$0x0] =	vst.idx.add.f32.msk $0xffff, v10  }
0x10f: {  	v10 =	vld.idx.msk [tilespmem:v21+s16+$0x0], $0xffff;
	_ =	sdelay $0x1  }
0x110: {  	v22 =	vor.u32 v5, v11  }
0x111: {  	v23 =	vadd.s32 s8, v6;
	_ =	sdelay $0x1  }
0x112: {  	v10 =	vmul.f32 $8.000000000e+00, v10;
	_ =	sdelay $0x1  }
0x113: {  	[tilespmem:v22+s21+$0x0] =	vst.idx.add.f32.msk $0xffff, v10  }
0x114: {  	v10 =	vld.idx.msk [tilespmem:v23+s16+$0x0], $0xffff;
	_ =	sdelay $0x1  }
0x115: {  	v11 =	vor.u32 v7, v11;
	s8 =	spop (v2sf)  }
0x116: {  	s26 =	sshra.s32 s8, $0x1F  }
0x117: {  	s22 =	sshrl.u32 s26, $0x19  }
0x118: {  	s28 =	sadd.s32 s22, s8;
	v10 =	vmul.f32 $8.000000000e+00, v10  }
0x119: {  	s22 =	sand.u32 $0xFFFFF80, s28  }
0x11a: {  	[dreg:$0xb] =	wrdreg s28;
	s22 =	sadd.s32 s0, s22;
	[tilespmem:v11+s21+$0x0] =	vst.idx.add.f32.msk $0xffff, v10  }
0x11b: {  	[tilespmem:s16], [sflag:$0x5] =	stream.strided.gather [hbm4b:s22+s9], $0x2000, s6, s9, $0x38;
	[tilespmem:$0x14180] =	vst v63  }
0x11c: {  	_ =	swait.ge [sflag:s31], $0x2000  }
0x11d: {  	(v2sf) =	vpush v9, $0x5;
	_ =	sdelay $0xe  }
0x11e: {  	s29 =	spop (v2sf)  }
0x11f: {  	s24 =	sshra.s32 s29, $0x1F  }
0x120: {  	s24 =	sshrl.u32 s24, $0x19  }
0x121: {  	s24 =	sadd.s32 s24, s29  }
0x122: {  	s24 =	sand.u32 $0xFFFFFF80, s24  }
0x123: {  	s22 =	ssub.s32 s29, s24  }
0x124: {  	v10 =	vadd.s32 s22, v0;
	_ =	sdelay $0x1  }
0x125: {  	s1 =	sadd.s32 $0xFFFFFFF6, s2  }
0x126: {  	v11 =	vmov s1;
	[sflag:s31] =	ssyncset.done $0x0  }
0x127: {  	v24 =	vshll.u32 v11, $0x3;
	[sflag:s31] =	ssyncadd.s32 $0xFFFFE000  }
0x128: {  	v11 =	vand.u32 $0x75, v11;
	v12 =	vand.u32 $0x400, v24;
	v10 =	vld.idx.msk [tilespmem:v10+s17+$0x0], $0xffff  }
0x129: {  	v11 =	vor.u32 v11, v12  }
0x12a: {  	v12 =	vor.u32 v1, v11  }
0x12b: {  	v25 =	vadd.s32 s22, v2;
	_ =	sdelay $0x1  }
0x12c: {  	v10 =	vmul.f32 $8.000000000e+00, v10;
	_ =	sdelay $0x1  }
0x12d: {  	[tilespmem:v12+s21+$0x0] =	vst.idx.add.f32.msk $0xffff, v10  }
0x12e: {  	v10 =	vld.idx.msk [tilespmem:v25+s17+$0x0], $0xffff;
	_ =	sdelay $0x1  }
0x12f: {  	v26 =	vor.u32 v3, v11  }
0x130: {  	(v2sf) =	vpush v9, $0xD;
	v27 =	vadd.s32 s22, v4;
	_ =	sdelay $0x1  }
0x131: {  	v10 =	vmul.f32 $8.000000000e+00, v10;
	_ =	sdelay $0x1  }
0x132: {  	[tilespmem:v26+s21+$0x0] =	vst.idx.add.f32.msk $0xffff, v10  }
0x133: {  	v10 =	vld.idx.msk [tilespmem:v27+s17+$0x0], $0xffff;
	_ =	sdelay $0x1  }
0x134: {  	v28 =	vor.u32 v5, v11  }
0x135: {  	v29 =	vadd.s32 s22, v6;
	_ =	sdelay $0x1  }
0x136: {  	v10 =	vmul.f32 $8.000000000e+00, v10;
	_ =	sdelay $0x1  }
0x137: {  	[tilespmem:v28+s21+$0x0] =	vst.idx.add.f32.msk $0xffff, v10  }
0x138: {  	v10 =	vld.idx.msk [tilespmem:v29+s17+$0x0], $0xffff;
	_ =	sdelay $0x1  }
0x139: {  	v11 =	vor.u32 v7, v11;
	s22 =	spop (v2sf)  }
0x13a: {  	s4 =	sshra.s32 s22, $0x1F  }
0x13b: {  	s24 =	sshrl.u32 s4, $0x19  }
0x13c: {  	s25 =	sadd.s32 s24, s22;
	v10 =	vmul.f32 $8.000000000e+00, v10  }
0x13d: {  	s24 =	sand.u32 $0xFFFFF80, s25  }
0x13e: {  	s24 =	sadd.s32 s0, s24;
	[tilespmem:v11+s21+$0x0] =	vst.idx.add.f32.msk $0xffff, v10  }
0x13f: {  	[tilespmem:s17], [sflag:$0x6] =	stream.strided.gather [hbm4b:s24+s9], $0x2000, s6, s9, $0x38;
	[tilespmem:$0x14180] =	vst v63  }
0x140: {  	_ =	swait.ge [sflag:s23], $0x2000  }
0x141: {  	(v2sf) =	vpush v9, $0x6;
	_ =	sdelay $0xe  }
0x142: {  	s9 =	spop (v2sf)  }
0x143: {  	s26 =	sshra.s32 s9, $0x1F  }
0x144: {  	s26 =	sshrl.u32 s26, $0x19  }
0x145: {  	s26 =	sadd.s32 s26, s9  }
0x146: {  	s26 =	sand.u32 $0xFFFFFF80, s26  }
0x147: {  	s24 =	ssub.s32 s9, s26  }
0x148: {  	v10 =	vadd.s32 s24, v0;
	_ =	sdelay $0x1  }
0x149: {  	s28 =	sadd.s32 $0xFFFFFFF7, s2  }
0x14a: {  	v11 =	vmov s28;
	[sflag:s23] =	ssyncset.done $0x0  }
0x14b: {  	v30 =	vshll.u32 v11, $0x3;
	[sflag:s23] =	ssyncadd.s32 $0xFFFFE000;
	s9 =	simm.s32 $0x10180  }
0x14c: {  	v11 =	vand.u32 $0x76, v11;
	v12 =	vand.u32 $0x400, v30;
	v10 =	vld.idx.msk [tilespmem:v10+s9+$0x0], $0xffff  }
0x14d: {  	v11 =	vor.u32 v11, v12  }
0x14e: {  	v12 =	vor.u32 v1, v11  }
0x14f: {  	v31 =	vadd.s32 s24, v2;
	_ =	sdelay $0x1  }
0x150: {  	v10 =	vmul.f32 $8.000000000e+00, v10;
	_ =	sdelay $0x1  }
0x151: {  	[tilespmem:v12+s21+$0x0] =	vst.idx.add.f32.msk $0xffff, v10  }
0x152: {  	v10 =	vld.idx.msk [tilespmem:v31+s9+$0x0], $0xffff;
	_ =	sdelay $0x1  }
0x153: {  	v32 =	vor.u32 v3, v11  }
0x154: {  	(v2sf) =	vpush v9, $0xE;
	v33 =	vadd.s32 s24, v4;
	_ =	sdelay $0x1  }
0x155: {  	v10 =	vmul.f32 $8.000000000e+00, v10;
	_ =	sdelay $0x1  }
0x156: {  	[tilespmem:v32+s21+$0x0] =	vst.idx.add.f32.msk $0xffff, v10  }
0x157: {  	v10 =	vld.idx.msk [tilespmem:v33+s9+$0x0], $0xffff;
	_ =	sdelay $0x1  }
0x158: {  	v34 =	vor.u32 v5, v11  }
0x159: {  	v35 =	vadd.s32 s24, v6;
	_ =	sdelay $0x1  }
0x15a: {  	v10 =	vmul.f32 $8.000000000e+00, v10;
	_ =	sdelay $0x1  }
0x15b: {  	[tilespmem:v34+s21+$0x0] =	vst.idx.add.f32.msk $0xffff, v10  }
0x15c: {  	v10 =	vld.idx.msk [tilespmem:v35+s9+$0x0], $0xffff;
	_ =	sdelay $0x1  }
0x15d: {  	v11 =	vor.u32 v7, v11;
	s24 =	spop (v2sf)  }
0x15e: {  	s29 =	sshra.s32 s24, $0x1F  }
0x15f: {  	s26 =	sshrl.u32 s29, $0x19  }
0x160: {  	s28 =	sadd.s32 s26, s24;
	v10 =	vmul.f32 $8.000000000e+00, v10  }
0x161: {  	s26 =	sand.u32 $0xFFFFF80, s28  }
0x162: {  	s4 =	simm.s32 $0x400;
	s26 =	sadd.s32 s0, s26;
	[tilespmem:v11+s21+$0x0] =	vst.idx.add.f32.msk $0xffff, v10  }
0x163: {  	[tilespmem:s9], [sflag:$0x7] =	stream.strided.gather [hbm4b:s26+s4], $0x2000, s6, s4, $0x38;
	[tilespmem:$0x14180] =	vst v63  }
0x164: {  	_ =	swait.ge [sflag:s18], $0x2000  }
0x165: {  	(v2sf) =	vpush v9, $0x7;
	_ =	sdelay $0xe  }
0x166: {  	s1 =	spop (v2sf)  }
0x167: {  	s29 =	sshra.s32 s1, $0x1F  }
0x168: {  	s29 =	sshrl.u32 s29, $0x19  }
0x169: {  	s29 =	sadd.s32 s29, s1  }
0x16a: {  	s29 =	sand.u32 $0xFFFFFF80, s29  }
0x16b: {  	s26 =	ssub.s32 s1, s29  }
0x16c: {  	v10 =	vadd.s32 s26, v0;
	_ =	sdelay $0x1  }
0x16d: {  	s1 =	sadd.s32 $0xFFFFFFF8, s2  }
0x16e: {  	[sflag:s18] =	ssyncset.done $0x0;
	v11 =	vmov s1  }
0x16f: {  	[sflag:s18] =	ssyncadd.s32 $0xFFFFE000;
	v36 =	vshll.u32 v11, $0x3  }
0x170: {  	v11 =	vand.u32 $0x77, v11;
	v12 =	vand.u32 $0x400, v36;
	v10 =	vld.idx.msk [tilespmem:v10+s30+$0x0], $0xffff  }
0x171: {  	v11 =	vor.u32 v11, v12  }
0x172: {  	v12 =	vor.u32 v1, v11  }
0x173: {  	v37 =	vadd.s32 s26, v2;
	_ =	sdelay $0x1  }
0x174: {  	v10 =	vmul.f32 $8.000000000e+00, v10;
	_ =	sdelay $0x1  }
0x175: {  	[tilespmem:v12+s21+$0x0] =	vst.idx.add.f32.msk $0xffff, v10  }
0x176: {  	v10 =	vld.idx.msk [tilespmem:v37+s30+$0x0], $0xffff;
	_ =	sdelay $0x1  }
0x177: {  	v38 =	vor.u32 v3, v11  }
0x178: {  	(v2sf) =	vpush v9, $0xF;
	v9 =	vadd.s32 s26, v4;
	_ =	sdelay $0x1  }
0x179: {  	v10 =	vmul.f32 $8.000000000e+00, v10;
	_ =	sdelay $0x1  }
0x17a: {  	[tilespmem:v38+s21+$0x0] =	vst.idx.add.f32.msk $0xffff, v10  }
0x17b: {  	v9 =	vld.idx.msk [tilespmem:v9+s30+$0x0], $0xffff;
	_ =	sdelay $0x1  }
0x17c: {  	v10 =	vor.u32 v5, v11  }
0x17d: {  	v39 =	vadd.s32 s26, v6;
	_ =	sdelay $0x1  }
0x17e: {  	v9 =	vmul.f32 $8.000000000e+00, v9;
	_ =	sdelay $0x1  }
0x17f: {  	[tilespmem:v10+s21+$0x0] =	vst.idx.add.f32.msk $0xffff, v9  }
0x180: {  	v9 =	vld.idx.msk [tilespmem:v39+s30+$0x0], $0xffff;
	_ =	sdelay $0x1  }
0x181: {  	s26 =	spop (v2sf);
	v10 =	vor.u32 v7, v11  }
0x182: {  	s1 =	sshra.s32 s26, $0x1F  }
0x183: {  	s29 =	sshrl.u32 s1, $0x19  }
0x184: {  	s30 =	sand.u32 $0xFFFFFF80, s11;
	s11 =	sadd.s32 s29, s26;
	v9 =	vmul.f32 $8.000000000e+00, v9  }
0x185: {  	s29 =	sand.u32 $0xFFFFF80, s11  }
0x186: {  	s1 =	simm.s32 $0x12180;
	s3 =	ssub.s32 s3, s30;
	s29 =	sadd.s32 s0, s29;
	[tilespmem:v10+s21+$0x0] =	vst.idx.add.f32.msk $0xffff, v9  }
0x187: {  	v9 =	vadd.s32 s3, v0;
	[tilespmem:s1], [sflag:$0x8] =	stream.strided.gather [hbm4b:s29+s4], $0x2000, s6, s4, $0x38;
	[tilespmem:$0x14180] =	vst v63  }
0x188: {  	s6 =	simm.s32 $0x1  }
0x189: {  	s29 =	sadd.s32 $0xFFFFFFF9, s2;
	_ =	swait.ge [sflag:s6], $0x2000  }
0x18a: {  	v10 =	vmov s29;
	[sflag:s6] =	ssyncset.done $0x0;
	s6 =	simm.s32 $0x1  }
0x18b: {  	v11 =	vshll.u32 v10, $0x3;
	[sflag:s6] =	ssyncadd.s32 $0xFFFFE000  }
0x18c: {  	v10 =	vand.u32 $0x78, v10;
	v11 =	vand.u32 $0x400, v11;
	v9 =	vld.idx.msk [tilespmem:v9+s12+$0x0], $0xffff  }
0x18d: {  	v10 =	vor.u32 v10, v11  }
0x18e: {  	v11 =	vor.u32 v1, v10  }
0x18f: {  	v40 =	vadd.s32 s3, v2;
	_ =	sdelay $0x1  }
0x190: {  	v9 =	vmul.f32 $8.000000000e+00, v9;
	_ =	sdelay $0x1  }
0x191: {  	[tilespmem:v11+s21+$0x0] =	vst.idx.add.f32.msk $0xffff, v9  }
0x192: {  	v9 =	vld.idx.msk [tilespmem:v40+s12+$0x0], $0xffff;
	_ =	sdelay $0x1  }
0x193: {  	p0 =	seq.s32 s2, $0xFF;
	v11 =	vor.u32 v3, v10  }
0x194: {  	v41 =	vadd.s32 s3, v4;
	(v2sf) =	vpush @!p0 v8, $0x0;
	_ =	sdelay $0x1  }
0x195: {  	v9 =	vmul.f32 $8.000000000e+00, v9;
	_ =	sdelay $0x1  }
0x196: {  	[tilespmem:v11+s21+$0x0] =	vst.idx.add.f32.msk $0xffff, v9  }
0x197: {  	v9 =	vld.idx.msk [tilespmem:v41+s12+$0x0], $0xffff;
	_ =	sdelay $0x1  }
0x198: {  	v11 =	vor.u32 v5, v10  }
0x199: {  	v42 =	vadd.s32 s3, v6;
	_ =	sdelay $0x1  }
0x19a: {  	v9 =	vmul.f32 $8.000000000e+00, v9;
	_ =	sdelay $0x1  }
0x19b: {  	[tilespmem:v11+s21+$0x0] =	vst.idx.add.f32.msk $0xffff, v9  }
0x19c: {  	v9 =	vld.idx.msk [tilespmem:v42+s12+$0x0], $0xffff;
	_ =	sdelay $0x1  }
0x19d: {  	s3 =	spop @!p0 (v2sf);
	v10 =	vor.u32 v7, v10  }
0x19e: {  	s29 =	sshra.s32 @!p0 s3, $0x1F  }
0x19f: {  	s7 =	sand.u32 $0xFFFFFF80, s7;
	s29 =	sshrl.u32 @!p0 s29, $0x19  }
0x1a0: {  	s7 =	ssub.s32 s10, s7;
	s3 =	sadd.s32 @!p0 s29, s3;
	v9 =	vmul.f32 $8.000000000e+00, v9  }
0x1a1: {  	s10 =	simm.s32 $0x2;
	s30 =	simm.s32 @!p0 $0x4180;
	s3 =	sand.u32 @!p0 $0xFFFFF80, s3  }
0x1a2: {  	s4 =	simm.s32 @!p0 $0x7A1400;
	s29 =	sadd.s32 @!p0 s0, s3;
	s3 =	simm.s32 @!p0 $0x400;
	[tilespmem:v10+s21+$0x0] =	vst.idx.add.f32.msk $0xffff, v9;
	v9 =	vadd.s32 s7, v0  }
0x1a3: {  	[tilespmem:s30], [sflag:$0x1] =	stream.strided.gather @!p0 [hbm4b:s29+s3], $0x2000, s4, s3, $0x38;
	[tilespmem:$0x14180] =	vst v63  }
0x1a4: {  	s29 =	sadd.s32 $0xFFFFFFFA, s2;
	_ =	swait.ge [sflag:s10], $0x2000  }
0x1a5: {  	s12 =	simm.s32 $0x2;
	v10 =	vmov s29;
	[sflag:s10] =	ssyncset.done $0x0  }
0x1a6: {  	v11 =	vshll.u32 v10, $0x3;
	[sflag:s12] =	ssyncadd.s32 $0xFFFFE000  }
0x1a7: {  	v10 =	vand.u32 $0x79, v10;
	v11 =	vand.u32 $0x400, v11;
	v9 =	vld.idx.msk [tilespmem:v9+s13+$0x0], $0xffff  }
0x1a8: {  	v10 =	vor.u32 v10, v11  }
0x1a9: {  	v11 =	vor.u32 v1, v10  }
0x1aa: {  	v43 =	vadd.s32 s7, v2;
	_ =	sdelay $0x1  }
0x1ab: {  	v9 =	vmul.f32 $8.000000000e+00, v9;
	_ =	sdelay $0x1  }
0x1ac: {  	[tilespmem:v11+s21+$0x0] =	vst.idx.add.f32.msk $0xffff, v9  }
0x1ad: {  	v9 =	vld.idx.msk [tilespmem:v43+s13+$0x0], $0xffff;
	_ =	sdelay $0x1  }
0x1ae: {  	v11 =	vor.u32 v3, v10  }
0x1af: {  	v44 =	vadd.s32 s7, v4;
	(v2sf) =	vpush @!p0 v8, $0x1;
	_ =	sdelay $0x1  }
0x1b0: {  	v9 =	vmul.f32 $8.000000000e+00, v9;
	_ =	sdelay $0x1  }
0x1b1: {  	[tilespmem:v11+s21+$0x0] =	vst.idx.add.f32.msk $0xffff, v9  }
0x1b2: {  	v9 =	vld.idx.msk [tilespmem:v44+s13+$0x0], $0xffff;
	_ =	sdelay $0x1  }
0x1b3: {  	v11 =	vor.u32 v5, v10  }
0x1b4: {  	v45 =	vadd.s32 s7, v6;
	_ =	sdelay $0x1  }
0x1b5: {  	v9 =	vmul.f32 $8.000000000e+00, v9;
	_ =	sdelay $0x1  }
0x1b6: {  	[tilespmem:v11+s21+$0x0] =	vst.idx.add.f32.msk $0xffff, v9  }
0x1b7: {  	v9 =	vld.idx.msk [tilespmem:v45+s13+$0x0], $0xffff;
	_ =	sdelay $0x1  }
0x1b8: {  	s7 =	spop @!p0 (v2sf);
	v10 =	vor.u32 v7, v10  }
0x1b9: {  	s29 =	sshra.s32 @!p0 s7, $0x1F  }
0x1ba: {  	s29 =	sshrl.u32 @!p0 s29, $0x19  }
0x1bb: {  	s7 =	sadd.s32 @!p0 s29, s7;
	v9 =	vmul.f32 $8.000000000e+00, v9  }
0x1bc: {  	s20 =	sand.u32 $0xFFFFFF80, s20;
	s7 =	sand.u32 @!p0 $0xFFFFF80, s7  }
0x1bd: {  	s5 =	ssub.s32 s5, s20;
	s20 =	simm.s32 @!p0 $0x6180;
	s7 =	sadd.s32 @!p0 s0, s7;
	[tilespmem:v10+s21+$0x0] =	vst.idx.add.f32.msk $0xffff, v9  }
0x1be: {  	v9 =	vadd.s32 s5, v0;
	[tilespmem:s20], [sflag:$0x2] =	stream.strided.gather @!p0 [hbm4b:s7+s3], $0x2000, s4, s3, $0x38;
	[tilespmem:$0x14180] =	vst v63  }
0x1bf: {  	s20 =	simm.s32 $0x3  }
0x1c0: {  	s13 =	sadd.s32 $0xFFFFFFFB, s2;
	_ =	swait.ge [sflag:s20], $0x2000  }
0x1c1: {  	s29 =	simm.s32 $0x3;
	v10 =	vmov s13;
	[sflag:s20] =	ssyncset.done $0x0  }
0x1c2: {  	v11 =	vshll.u32 v10, $0x3;
	[sflag:s29] =	ssyncadd.s32 $0xFFFFE000  }
0x1c3: {  	v10 =	vand.u32 $0x7A, v10;
	v11 =	vand.u32 $0x400, v11;
	v9 =	vld.idx.msk [tilespmem:v9+s14+$0x0], $0xffff  }
0x1c4: {  	v10 =	vor.u32 v10, v11  }
0x1c5: {  	v11 =	vor.u32 v1, v10  }
0x1c6: {  	v46 =	vadd.s32 s5, v2;
	_ =	sdelay $0x1  }
0x1c7: {  	v9 =	vmul.f32 $8.000000000e+00, v9;
	_ =	sdelay $0x1  }
0x1c8: {  	[tilespmem:v11+s21+$0x0] =	vst.idx.add.f32.msk $0xffff, v9  }
0x1c9: {  	v9 =	vld.idx.msk [tilespmem:v46+s14+$0x0], $0xffff;
	_ =	sdelay $0x1  }
0x1ca: {  	v11 =	vor.u32 v3, v10  }
0x1cb: {  	v47 =	vadd.s32 s5, v4;
	(v2sf) =	vpush @!p0 v8, $0x2;
	_ =	sdelay $0x1  }
0x1cc: {  	v9 =	vmul.f32 $8.000000000e+00, v9;
	_ =	sdelay $0x1  }
0x1cd: {  	[tilespmem:v11+s21+$0x0] =	vst.idx.add.f32.msk $0xffff, v9  }
0x1ce: {  	v9 =	vld.idx.msk [tilespmem:v47+s14+$0x0], $0xffff;
	_ =	sdelay $0x1  }
0x1cf: {  	v11 =	vor.u32 v5, v10  }
0x1d0: {  	v48 =	vadd.s32 s5, v6;
	_ =	sdelay $0x1  }
0x1d1: {  	v9 =	vmul.f32 $8.000000000e+00, v9;
	_ =	sdelay $0x1  }
0x1d2: {  	[tilespmem:v11+s21+$0x0] =	vst.idx.add.f32.msk $0xffff, v9  }
0x1d3: {  	v9 =	vld.idx.msk [tilespmem:v48+s14+$0x0], $0xffff;
	_ =	sdelay $0x1  }
0x1d4: {  	s5 =	spop @!p0 (v2sf);
	v10 =	vor.u32 v7, v10  }
0x1d5: {  	s7 =	sshra.s32 @!p0 s5, $0x1F  }
0x1d6: {  	s7 =	sshrl.u32 @!p0 s7, $0x19  }
0x1d7: {  	s5 =	sadd.s32 @!p0 s7, s5;
	s7 =	rddreg [dreg:$0xa];
	v9 =	vmul.f32 $8.000000000e+00, v9  }
0x1d8: {  	s10 =	sand.u32 $0xFFFFFF80, s7;
	s5 =	sand.u32 @!p0 $0xFFFFF80, s5  }
0x1d9: {  	s7 =	ssub.s32 s19, s10;
	s5 =	sadd.s32 @!p0 s0, s5;
	s19 =	simm.s32 @!p0 $0x8180;
	[tilespmem:v10+s21+$0x0] =	vst.idx.add.f32.msk $0xffff, v9  }
0x1da: {  	v9 =	vadd.s32 s7, v0;
	[tilespmem:s19], [sflag:$0x3] =	stream.strided.gather @!p0 [hbm4b:s5+s3], $0x2000, s4, s3, $0x38;
	[tilespmem:$0x14180] =	vst v63  }
0x1db: {  	s19 =	simm.s32 $0x4  }
0x1dc: {  	s14 =	sadd.s32 $0xFFFFFFFC, s2;
	_ =	swait.ge [sflag:s19], $0x2000  }
0x1dd: {  	s20 =	simm.s32 $0x4;
	v10 =	vmov s14;
	[sflag:s19] =	ssyncset.done $0x0  }
0x1de: {  	v11 =	vshll.u32 v10, $0x3;
	[sflag:s20] =	ssyncadd.s32 $0xFFFFE000  }
0x1df: {  	v10 =	vand.u32 $0x7B, v10;
	v11 =	vand.u32 $0x400, v11;
	v9 =	vld.idx.msk [tilespmem:v9+s15+$0x0], $0xffff  }
0x1e0: {  	v10 =	vor.u32 v10, v11  }
0x1e1: {  	v11 =	vor.u32 v1, v10  }
0x1e2: {  	v49 =	vadd.s32 s7, v2;
	_ =	sdelay $0x1  }
0x1e3: {  	v9 =	vmul.f32 $8.000000000e+00, v9;
	_ =	sdelay $0x1  }
0x1e4: {  	[tilespmem:v11+s21+$0x0] =	vst.idx.add.f32.msk $0xffff, v9  }
0x1e5: {  	v9 =	vld.idx.msk [tilespmem:v49+s15+$0x0], $0xffff;
	_ =	sdelay $0x1  }
0x1e6: {  	v11 =	vor.u32 v3, v10  }
0x1e7: {  	v50 =	vadd.s32 s7, v4;
	(v2sf) =	vpush @!p0 v8, $0x3;
	_ =	sdelay $0x1  }
0x1e8: {  	v9 =	vmul.f32 $8.000000000e+00, v9;
	_ =	sdelay $0x1  }
0x1e9: {  	[tilespmem:v11+s21+$0x0] =	vst.idx.add.f32.msk $0xffff, v9  }
0x1ea: {  	v9 =	vld.idx.msk [tilespmem:v50+s15+$0x0], $0xffff;
	_ =	sdelay $0x1  }
0x1eb: {  	v11 =	vor.u32 v5, v10  }
0x1ec: {  	v51 =	vadd.s32 s7, v6;
	_ =	sdelay $0x1  }
0x1ed: {  	v9 =	vmul.f32 $8.000000000e+00, v9;
	_ =	sdelay $0x1  }
0x1ee: {  	[tilespmem:v11+s21+$0x0] =	vst.idx.add.f32.msk $0xffff, v9  }
0x1ef: {  	v9 =	vld.idx.msk [tilespmem:v51+s15+$0x0], $0xffff;
	_ =	sdelay $0x1  }
0x1f0: {  	s5 =	spop @!p0 (v2sf);
	v10 =	vor.u32 v7, v10  }
0x1f1: {  	s7 =	sshra.s32 @!p0 s5, $0x1F  }
0x1f2: {  	s29 =	rddreg [dreg:$0xb];
	s7 =	sshrl.u32 @!p0 s7, $0x19  }
0x1f3: {  	s6 =	sand.u32 $0xFFFFFF80, s29;
	s5 =	sadd.s32 @!p0 s7, s5;
	v9 =	vmul.f32 $8.000000000e+00, v9  }
0x1f4: {  	s7 =	ssub.s32 s8, s6;
	s5 =	sand.u32 @!p0 $0xFFFFF80, s5  }
0x1f5: {  	s8 =	simm.s32 @!p0 $0xA180;
	s5 =	sadd.s32 @!p0 s0, s5;
	s15 =	simm.s32 $0x5;
	[tilespmem:v10+s21+$0x0] =	vst.idx.add.f32.msk $0xffff, v9;
	v9 =	vadd.s32 s7, v0  }
0x1f6: {  	[tilespmem:s8], [sflag:$0x4] =	stream.strided.gather @!p0 [hbm4b:s5+s3], $0x2000, s4, s3, $0x38;
	[tilespmem:$0x14180] =	vst v63  }
0x1f7: {  	s10 =	sadd.s32 $0xFFFFFFFD, s2;
	_ =	swait.ge [sflag:s15], $0x2000  }
0x1f8: {  	s19 =	simm.s32 $0x5;
	v10 =	vmov s10;
	[sflag:s15] =	ssyncset.done $0x0  }
0x1f9: {  	v11 =	vshll.u32 v10, $0x3;
	[sflag:s19] =	ssyncadd.s32 $0xFFFFE000  }
0x1fa: {  	v10 =	vand.u32 $0x7C, v10;
	v11 =	vand.u32 $0x400, v11;
	v9 =	vld.idx.msk [tilespmem:v9+s16+$0x0], $0xffff  }
0x1fb: {  	v10 =	vor.u32 v10, v11  }
0x1fc: {  	v11 =	vor.u32 v1, v10  }
0x1fd: {  	v52 =	vadd.s32 s7, v2;
	_ =	sdelay $0x1  }
0x1fe: {  	v9 =	vmul.f32 $8.000000000e+00, v9;
	_ =	sdelay $0x1  }
0x1ff: {  	[tilespmem:v11+s21+$0x0] =	vst.idx.add.f32.msk $0xffff, v9  }
0x200: {  	v9 =	vld.idx.msk [tilespmem:v52+s16+$0x0], $0xffff;
	_ =	sdelay $0x1  }
0x201: {  	v11 =	vor.u32 v3, v10  }
0x202: {  	v53 =	vadd.s32 s7, v4;
	(v2sf) =	vpush @!p0 v8, $0x4;
	_ =	sdelay $0x1  }
0x203: {  	v9 =	vmul.f32 $8.000000000e+00, v9;
	_ =	sdelay $0x1  }
0x204: {  	[tilespmem:v11+s21+$0x0] =	vst.idx.add.f32.msk $0xffff, v9  }
0x205: {  	v9 =	vld.idx.msk [tilespmem:v53+s16+$0x0], $0xffff;
	_ =	sdelay $0x1  }
0x206: {  	v11 =	vor.u32 v5, v10  }
0x207: {  	v54 =	vadd.s32 s7, v6;
	_ =	sdelay $0x1  }
0x208: {  	v9 =	vmul.f32 $8.000000000e+00, v9;
	_ =	sdelay $0x1  }
0x209: {  	[tilespmem:v11+s21+$0x0] =	vst.idx.add.f32.msk $0xffff, v9  }
0x20a: {  	v9 =	vld.idx.msk [tilespmem:v54+s16+$0x0], $0xffff;
	_ =	sdelay $0x1  }
0x20b: {  	s5 =	spop @!p0 (v2sf);
	v10 =	vor.u32 v7, v10  }
0x20c: {  	s7 =	sshra.s32 @!p0 s5, $0x1F  }
0x20d: {  	s7 =	sshrl.u32 @!p0 s7, $0x19  }
0x20e: {  	s20 =	sand.u32 $0xFFFFFF80, s25;
	s5 =	sadd.s32 @!p0 s7, s5;
	v9 =	vmul.f32 $8.000000000e+00, v9  }
0x20f: {  	s7 =	ssub.s32 s22, s20;
	s5 =	sand.u32 @!p0 $0xFFFFF80, s5  }
0x210: {  	s8 =	simm.s32 @!p0 $0xC180;
	s5 =	sadd.s32 @!p0 s0, s5;
	[tilespmem:v10+s21+$0x0] =	vst.idx.add.f32.msk $0xffff, v9;
	v9 =	vadd.s32 s7, v0  }
0x211: {  	[tilespmem:s8], [sflag:$0x5] =	stream.strided.gather @!p0 [hbm4b:s5+s3], $0x2000, s4, s3, $0x38;
	[tilespmem:$0x14180] =	vst v63  }
0x212: {  	s22 =	sadd.s32 $0xFFFFFFFE, s2;
	_ =	swait.ge [sflag:s31], $0x2000  }
0x213: {  	v10 =	vmov s22;
	[sflag:s31] =	ssyncset.done $0x0  }
0x214: {  	v11 =	vshll.u32 v10, $0x3;
	[sflag:s31] =	ssyncadd.s32 $0xFFFFE000  }
0x215: {  	v10 =	vand.u32 $0x7D, v10;
	v11 =	vand.u32 $0x400, v11;
	v9 =	vld.idx.msk [tilespmem:v9+s17+$0x0], $0xffff  }
0x216: {  	v10 =	vor.u32 v10, v11  }
0x217: {  	v11 =	vor.u32 v1, v10  }
0x218: {  	v55 =	vadd.s32 s7, v2;
	_ =	sdelay $0x1  }
0x219: {  	v9 =	vmul.f32 $8.000000000e+00, v9;
	_ =	sdelay $0x1  }
0x21a: {  	[tilespmem:v11+s21+$0x0] =	vst.idx.add.f32.msk $0xffff, v9  }
0x21b: {  	v9 =	vld.idx.msk [tilespmem:v55+s17+$0x0], $0xffff;
	_ =	sdelay $0x1  }
0x21c: {  	v11 =	vor.u32 v3, v10  }
0x21d: {  	v56 =	vadd.s32 s7, v4;
	(v2sf) =	vpush @!p0 v8, $0x5;
	_ =	sdelay $0x1  }
0x21e: {  	v9 =	vmul.f32 $8.000000000e+00, v9;
	_ =	sdelay $0x1  }
0x21f: {  	[tilespmem:v11+s21+$0x0] =	vst.idx.add.f32.msk $0xffff, v9  }
0x220: {  	v9 =	vld.idx.msk [tilespmem:v56+s17+$0x0], $0xffff;
	_ =	sdelay $0x1  }
0x221: {  	v11 =	vor.u32 v5, v10  }
0x222: {  	v57 =	vadd.s32 s7, v6;
	_ =	sdelay $0x1  }
0x223: {  	v9 =	vmul.f32 $8.000000000e+00, v9;
	_ =	sdelay $0x1  }
0x224: {  	[tilespmem:v11+s21+$0x0] =	vst.idx.add.f32.msk $0xffff, v9  }
0x225: {  	v9 =	vld.idx.msk [tilespmem:v57+s17+$0x0], $0xffff;
	_ =	sdelay $0x1  }
0x226: {  	s5 =	spop @!p0 (v2sf);
	v10 =	vor.u32 v7, v10  }
0x227: {  	s7 =	sshra.s32 @!p0 s5, $0x1F  }
0x228: {  	s7 =	sshrl.u32 @!p0 s7, $0x19  }
0x229: {  	s25 =	sand.u32 $0xFFFFFF80, s28;
	s5 =	sadd.s32 @!p0 s7, s5;
	v9 =	vmul.f32 $8.000000000e+00, v9  }
0x22a: {  	s7 =	ssub.s32 s24, s25;
	s5 =	sand.u32 @!p0 $0xFFFFF80, s5  }
0x22b: {  	s8 =	simm.s32 @!p0 $0xE180;
	s5 =	sadd.s32 @!p0 s0, s5;
	[tilespmem:v10+s21+$0x0] =	vst.idx.add.f32.msk $0xffff, v9;
	v9 =	vadd.s32 s7, v0  }
0x22c: {  	[tilespmem:s8], [sflag:$0x6] =	stream.strided.gather @!p0 [hbm4b:s5+s3], $0x2000, s4, s3, $0x38;
	[tilespmem:$0x14180] =	vst v63  }
0x22d: {  	s28 =	sadd.s32 $0xFFFFFFFF, s2;
	_ =	swait.ge [sflag:s23], $0x2000  }
0x22e: {  	v10 =	vmov s28;
	[sflag:s23] =	ssyncset.done $0x0  }
0x22f: {  	v11 =	vshll.u32 v10, $0x3;
	[sflag:s23] =	ssyncadd.s32 $0xFFFFE000  }
0x230: {  	v10 =	vand.u32 $0x7E, v10;
	v11 =	vand.u32 $0x400, v11;
	v9 =	vld.idx.msk [tilespmem:v9+s9+$0x0], $0xffff  }
0x231: {  	v10 =	vor.u32 v10, v11  }
0x232: {  	v11 =	vor.u32 v1, v10  }
0x233: {  	v58 =	vadd.s32 s7, v2;
	_ =	sdelay $0x1  }
0x234: {  	v9 =	vmul.f32 $8.000000000e+00, v9;
	_ =	sdelay $0x1  }
0x235: {  	[tilespmem:v11+s21+$0x0] =	vst.idx.add.f32.msk $0xffff, v9  }
0x236: {  	v9 =	vld.idx.msk [tilespmem:v58+s9+$0x0], $0xffff;
	_ =	sdelay $0x1  }
0x237: {  	v11 =	vor.u32 v3, v10  }
0x238: {  	v59 =	vadd.s32 s7, v4;
	(v2sf) =	vpush @!p0 v8, $0x6;
	_ =	sdelay $0x1  }
0x239: {  	v9 =	vmul.f32 $8.000000000e+00, v9;
	_ =	sdelay $0x1  }
0x23a: {  	[tilespmem:v11+s21+$0x0] =	vst.idx.add.f32.msk $0xffff, v9  }
0x23b: {  	v9 =	vld.idx.msk [tilespmem:v59+s9+$0x0], $0xffff;
	_ =	sdelay $0x1  }
0x23c: {  	v11 =	vor.u32 v5, v10  }
0x23d: {  	v60 =	vadd.s32 s7, v6;
	_ =	sdelay $0x1  }
0x23e: {  	v9 =	vmul.f32 $8.000000000e+00, v9;
	_ =	sdelay $0x1  }
0x23f: {  	[tilespmem:v11+s21+$0x0] =	vst.idx.add.f32.msk $0xffff, v9  }
0x240: {  	v9 =	vld.idx.msk [tilespmem:v60+s9+$0x0], $0xffff;
	_ =	sdelay $0x1  }
0x241: {  	s5 =	spop @!p0 (v2sf);
	v10 =	vor.u32 v7, v10  }
0x242: {  	s7 =	sshra.s32 @!p0 s5, $0x1F  }
0x243: {  	s7 =	sshrl.u32 @!p0 s7, $0x19  }
0x244: {  	s29 =	sand.u32 $0xFFFFFF80, s11;
	s5 =	sadd.s32 @!p0 s7, s5;
	v9 =	vmul.f32 $8.000000000e+00, v9  }
0x245: {  	s6 =	ssub.s32 s26, s29;
	s5 =	sand.u32 @!p0 $0xFFFFF80, s5  }
0x246: {  	s7 =	simm.s32 @!p0 $0x10180;
	s5 =	sadd.s32 @!p0 s0, s5;
	[tilespmem:v10+s21+$0x0] =	vst.idx.add.f32.msk $0xffff, v9;
	v9 =	vadd.s32 s6, v0  }
0x247: {  	[tilespmem:s7], [sflag:$0x7] =	stream.strided.gather @!p0 [hbm4b:s5+s3], $0x2000, s4, s3, $0x38;
	[tilespmem:$0x14180] =	vst v63  }
0x248: {  	_ =	swait.ge [sflag:s18], $0x2000  }
0x249: {  	v10 =	vmov s2;
	[sflag:s18] =	ssyncset.done $0x0  }
0x24a: {  	s30 =	simm.s32 $0x12180;
	v11 =	vshll.u32 v10, $0x3;
	[sflag:s18] =	ssyncadd.s32 $0xFFFFE000  }
0x24b: {  	v10 =	vand.u32 $0x7F, v10;
	v11 =	vand.u32 $0x400, v11;
	v9 =	vld.idx.msk [tilespmem:v9+s30+$0x0], $0xffff  }
0x24c: {  	v10 =	vor.u32 v10, v11  }
0x24d: {  	v11 =	vor.u32 v1, v10  }
0x24e: {  	v61 =	vadd.s32 s6, v2;
	_ =	sdelay $0x1  }
0x24f: {  	v9 =	vmul.f32 $8.000000000e+00, v9;
	_ =	sdelay $0x1  }
0x250: {  	[tilespmem:v11+s21+$0x0] =	vst.idx.add.f32.msk $0xffff, v9  }
0x251: {  	v9 =	vld.idx.msk [tilespmem:v61+s30+$0x0], $0xffff;
	_ =	sdelay $0x1  }
0x252: {  	v11 =	vor.u32 v3, v10  }
0x253: {  	v62 =	vadd.s32 s6, v4;
	_ =	sdelay $0x1  }
0x254: {  	v9 =	vmul.f32 $8.000000000e+00, v9;
	_ =	sdelay $0x1  }
0x255: {  	[tilespmem:v11+s21+$0x0] =	vst.idx.add.f32.msk $0xffff, v9  }
0x256: {  	v9 =	vld.idx.msk [tilespmem:v62+s30+$0x0], $0xffff;
	_ =	sdelay $0x1  }
0x257: {  	v11 =	vor.u32 v5, v10  }
0x258: {  	v63 =	vadd.s32 s6, v6;
	_ =	sdelay $0x1  }
0x259: {  	v9 =	vmul.f32 $8.000000000e+00, v9;
	_ =	sdelay $0x1  }
0x25a: {  	[tilespmem:v11+s21+$0x0] =	vst.idx.add.f32.msk $0xffff, v9  }
0x25b: {  	v9 =	vld.idx.msk [tilespmem:v63+s30+$0x0], $0xffff;
	_ =	sdelay $0x1  }
0x25c: {  	v10 =	vor.u32 v7, v10  }
.Ltmp2:
0x25d: {  	_ = 	snop;
	(pc) =	sbr.rel @p0 .LBB2_4-.Ltmp2, $4  }
0x25e: {  	_ = 	snop  }
0x25f: {  	s1 =	simm.s32 $0x7A1400;
	v9 =	vmul.f32 $8.000000000e+00, v9  }
0x260: {  	s12 =	simm.s32 $0x6180;
	s13 =	simm.s32 $0x8180;
	s14 =	simm.s32 $0xA180  }
0x261: {  	s15 =	simm.s32 $0xC180;
	s16 =	simm.s32 $0xE180;
	s8 =	simm.s32 $0x10180;
	[tilespmem:v10+s21+$0x0] =	vst.idx.add.f32.msk $0xffff, v9  }
0x262: {  	(v2sf) =	vpush v8, $0x7;
	_ =	sdelay $0xe  }
0x263: {  	s3 =	spop (v2sf)  }
0x264: {  	s4 =	sshra.s32 s3, $0x1F  }
0x265: {  	s4 =	sshrl.u32 s4, $0x19  }
.Ltmp3:
0x266: {  	s3 =	sadd.s32 s4, s3;
	(pc) =	sbr.rel .LBB2_2-.Ltmp3, $4  }
0x267: {  	s28 =	simm.s32 $0x400;
	s3 =	sand.u32 $0xFFFFF80, s3  }
0x268: {  	s2 =	sadd.s32 $0x10, s2;
	s29 =	rddreg [dreg:$0x9];
	s3 =	sadd.s32 s0, s3  }
0x269: {  	[tilespmem:s30], [sflag:$0x8] =	stream.strided.gather [hbm4b:s3+s28], $0x2000, s1, s28, $0x38;
	[tilespmem:$0x14180] =	vst v63  }
0x26a: {  	s7 =	simm.s32 $0x7A1400;
	s9 =	simm.s32 $0x400;
	s1 =	sadd.s32 $0x10, s29  }
.LBB2_5:
0x26b: {  	_ =	sfence.sel $0x180000  }
0x26c: {  	[bflag:$0x0] =	sbarrier.arrive $0xFFFF  }
0x26d: {  	_ =	strace $0x90000047  }
0x26e: {  	s0 =	stileid.u32;
	[bflag:$0x2] =	sbarrier.arrive $0xFFFF  }
0x26f: {  	p0 =	sne.s32 s0, $0x0;
	s0 =	rddreg [dreg:$0x3]  }
0x270: {  	s0 =	sadd.s32 @!p0 $0x100000, s0  }
0x271: {  	[sflag:s0] =	ssyncadd.tile.s32 @!p0 $0x1;
	_ =	shalt  }
.Lfunc_end2:
_tile_overlayer_lowered:
.L_overlay_start_2:
0x272: {  	(tag) =	ssettag $0x2  }
0x273: {  	s0 =	rddreg [dreg:$0x0];
	s2 =	stileid.u32  }
0x274: {  	s1 =	rddreg [dreg:$0x1];
	p0 =	sne.s32 s2, $0x0  }
0x275: {  	s3 =	rddreg [dreg:$0x2];
	[bflag:$0x3] =	sbarrier.arrive $0xFFFF;
	s2 =	simm.s32 @!p0 $0x1C09  }
0x276: {  	[timem:s3], [sflag:s2] =	dma.local @!p0 [hbm:s0], s1  }
0x277: {  	s0 =	simm.s32 @!p0 $0x9  }
0x278: {  	_ =	swait.ge @!p0 [sflag:s0], s1  }
0x279: {  	s1 =	ssub.s32 @!p0 $0x0, s1;
	[sflag:s0] =	ssyncset.done @!p0 $0x0  }
0x27a: {  	[sflag:s0] =	ssyncadd.s32 @!p0 s1  }
0x27b: {  	[bflag:$0x3] =	sbarrier.arrive $0xFFFF  }
0x27c: {  	_ =	shalt  }

</sc_bundles>
